<compile_context>
chip_gen: v7x
topology: tpu7x:2x2x1
jax: 0.10.2.dev20260603
libtpu: 0.0.44.dev20260713+nightly
codegen_flags: <defaults>
</compile_context>

<pallas_src>
import functools

import jax
import jax.numpy as jnp
from jax import lax
from jax.experimental import pallas as pl
from jax.experimental.pallas import tpu as pltpu
from jax.experimental.pallas import tpu_sc as plsc

N_NODES = 10000
N_EDGES = 320000
D = 128

N_CORES = 2
N_SUBCORES = 16
CHUNK = 128
E_PAD = 327680
N_CHUNKS = E_PAD // (N_CORES * N_SUBCORES * CHUNK)
IDX_ROWS = E_PAD // CHUNK
IDX_ROWS_PER_TILE = IDX_ROWS // (N_CORES * N_SUBCORES)
N_PHASES = 2
PHASE_CHUNKS = N_CHUNKS // N_PHASES
N_PAD = 10240
ROWS_PER_TILE = N_PAD // N_SUBCORES
ZCHUNK = 128
N_ZCHUNKS = ROWS_PER_TILE // ZCHUNK

_MESH = plsc.VectorSubcoreMesh(core_axis_name="c", subcore_axis_name="s")


def _sc_degree(ones_mat, dst2d):

    @functools.partial(
        pl.kernel,
        out_type=jax.ShapeDtypeStruct((N_CORES, N_PAD, D), jnp.float32),
        mesh=_MESH,
        scratch_types=[
            pltpu.VMEM_SHARED((N_PAD, D), jnp.float32),
            pltpu.VMEM((IDX_ROWS_PER_TILE, CHUNK), jnp.int32),
            pltpu.VMEM((CHUNK, D), jnp.float32),
            pltpu.SemaphoreType.DMA,
            pltpu.SemaphoreType.DMA,
        ],
    )
    def k(ones_hbm, dst_hbm, out_hbm, acc, dst_v, rows0, ssem0, ssem1):
        core = lax.axis_index("c")
        sid = lax.axis_index("s")
        ssems = (ssem0, ssem1)

        @pl.loop(0, CHUNK)
        def _(r):
            @pl.loop(0, D, step=16)
            def _(j):
                rows0[r, pl.ds(j, 16)] = jnp.zeros((16,), jnp.float32)

        row0 = sid * ROWS_PER_TILE

        @pl.loop(0, N_ZCHUNKS)
        def _(z):
            pltpu.sync_copy(rows0, acc.at[pl.ds(row0 + z * ZCHUNK, ZCHUNK)])

        irow0 = (core * N_SUBCORES + sid) * IDX_ROWS_PER_TILE
        pltpu.sync_copy(dst_hbm.at[pl.ds(irow0, IDX_ROWS_PER_TILE)], dst_v)
        pltpu.sync_copy(ones_hbm, rows0)

        plsc.subcore_barrier()

        @pl.loop(0, N_CHUNKS // 2)
        def _(g):
            for b in range(2):
                i = 2 * g + b

                @pl.when(i >= 2)
                def _():
                    pltpu.make_async_copy(rows0, acc.at[dst_v.at[i - 2]],
                                          ssems[b]).wait()

                pltpu.async_copy(rows0, acc.at[dst_v.at[i]], ssems[b], add=True)

        pltpu.make_async_copy(rows0, acc.at[dst_v.at[N_CHUNKS - 2]], ssem0).wait()
        pltpu.make_async_copy(rows0, acc.at[dst_v.at[N_CHUNKS - 1]], ssem1).wait()

        plsc.subcore_barrier()

        @pl.loop(0, N_ZCHUNKS)
        def _(z):
            r = row0 + z * ZCHUNK
            pltpu.sync_copy(acc.at[pl.ds(r, ZCHUNK)], out_hbm.at[core, pl.ds(r, ZCHUNK)])

    return k(ones_mat, dst2d)


def _sc_segsum(h, src2d, dst2d):

    @functools.partial(
        pl.kernel,
        out_type=jax.ShapeDtypeStruct((N_CORES, N_PAD, D), jnp.float32),
        mesh=_MESH,
        scratch_types=[
            pltpu.VMEM_SHARED((N_PAD, D), jnp.float32),
            pltpu.VMEM((PHASE_CHUNKS, CHUNK), jnp.int32),
            pltpu.VMEM((PHASE_CHUNKS, CHUNK), jnp.int32),
            pltpu.VMEM((CHUNK, D), jnp.float32),
            pltpu.VMEM((CHUNK, D), jnp.float32),
            pltpu.SemaphoreType.DMA,
            pltpu.SemaphoreType.DMA,
            pltpu.SemaphoreType.DMA,
            pltpu.SemaphoreType.DMA,
        ],
    )
    def k(h_hbm, src_hbm, dst_hbm, out_hbm, acc, src_v, dst_v,
          rows0, rows1, gsem0, gsem1, ssem0, ssem1):
        core = lax.axis_index("c")
        sid = lax.axis_index("s")
        rows = (rows0, rows1)
        gsems = (gsem0, gsem1)
        ssems = (ssem0, ssem1)

        @pl.loop(0, CHUNK)
        def _(r):
            @pl.loop(0, D, step=16)
            def _(j):
                rows0[r, pl.ds(j, 16)] = jnp.zeros((16,), jnp.float32)

        row0 = sid * ROWS_PER_TILE

        @pl.loop(0, N_ZCHUNKS)
        def _(z):
            pltpu.sync_copy(rows0, acc.at[pl.ds(row0 + z * ZCHUNK, ZCHUNK)])

        irow0 = (core * N_SUBCORES + sid) * IDX_ROWS_PER_TILE

        plsc.subcore_barrier()

        for p in range(N_PHASES):
            pltpu.sync_copy(
                src_hbm.at[pl.ds(irow0 + p * PHASE_CHUNKS, PHASE_CHUNKS)], src_v)
            pltpu.sync_copy(
                dst_hbm.at[pl.ds(irow0 + p * PHASE_CHUNKS, PHASE_CHUNKS)], dst_v)

            pltpu.async_copy(h_hbm.at[src_v.at[0]], rows0, gsem0)

            @pl.loop(0, PHASE_CHUNKS // 2)
            def _(g):
                for b in range(2):
                    i = 2 * g + b

                    @pl.when(i >= 1)
                    def _():
                        pltpu.make_async_copy(
                            rows[1 - b], acc.at[dst_v.at[i - 1]],
                            ssems[1 - b]).wait()

                    @pl.when(i + 1 < PHASE_CHUNKS)
                    def _():
                        pltpu.async_copy(h_hbm.at[src_v.at[i + 1]], rows[1 - b],
                                         gsems[1 - b])

                    pltpu.make_async_copy(h_hbm.at[src_v.at[i]], rows[b],
                                          gsems[b]).wait()
                    pltpu.async_copy(rows[b], acc.at[dst_v.at[i]], ssems[b],
                                     add=True)

            pltpu.make_async_copy(rows1, acc.at[dst_v.at[PHASE_CHUNKS - 1]],
                                  ssem1).wait()

        plsc.subcore_barrier()

        @pl.loop(0, N_ZCHUNKS)
        def _(z):
            r = row0 + z * ZCHUNK
            pltpu.sync_copy(acc.at[pl.ds(r, ZCHUNK)], out_hbm.at[core, pl.ds(r, ZCHUNK)])

    return k(h, src2d, dst2d)


_BM = 2000
_GRID = (N_NODES // _BM,)


def _dot(a, b):
    return jnp.dot(a, b, preferred_element_type=jnp.float32)


def _tc_matmul1(x, W1):

    def body(x_ref, w_ref, h_ref):
        h_ref[...] = _dot(x_ref[...], w_ref[...])

    return pl.pallas_call(
        body,
        grid=_GRID,
        in_specs=[
            pl.BlockSpec((_BM, D), lambda i: (i, 0)),
            pl.BlockSpec((D, D), lambda i: (0, 0)),
        ],
        out_specs=pl.BlockSpec((_BM, D), lambda i: (i, 0)),
        out_shape=jax.ShapeDtypeStruct((N_NODES, D), jnp.float32),
    )(x, W1)


def _tc_stage1(h1, cnt):

    def body(h_ref, cnt_ref, hp_ref, dis_ref):
        c = cnt_ref[...]
        deg = 1.0 + c[0, :, :1] + c[1, :, :1]
        dis = lax.rsqrt(deg)
        hp_ref[...] = dis * h_ref[...]
        dis_ref[...] = dis

    return pl.pallas_call(
        body,
        grid=_GRID,
        in_specs=[
            pl.BlockSpec((_BM, D), lambda i: (i, 0)),
            pl.BlockSpec((N_CORES, _BM, D), lambda i: (0, i, 0)),
        ],
        out_specs=[
            pl.BlockSpec((_BM, D), lambda i: (i, 0)),
            pl.BlockSpec((_BM, 1), lambda i: (i, 0)),
        ],
        out_shape=[
            jax.ShapeDtypeStruct((N_NODES, D), jnp.float32),
            jax.ShapeDtypeStruct((N_NODES, 1), jnp.float32),
        ],
    )(h1, cnt)


def _tc_stage2(agg, hp, dis, b, W2):

    def body(agg_ref, hp_ref, dis_ref, b_ref, w_ref, out_ref):
        a = agg_ref[0] + agg_ref[1] + hp_ref[...]
        z = jnp.maximum(dis_ref[...] * a + b_ref[...], 0.0)
        out_ref[...] = dis_ref[...] * _dot(z, w_ref[...])

    return pl.pallas_call(
        body,
        grid=_GRID,
        in_specs=[
            pl.BlockSpec((N_CORES, _BM, D), lambda i: (0, i, 0)),
            pl.BlockSpec((_BM, D), lambda i: (i, 0)),
            pl.BlockSpec((_BM, 1), lambda i: (i, 0)),
            pl.BlockSpec((1, D), lambda i: (0, 0)),
            pl.BlockSpec((D, D), lambda i: (0, 0)),
        ],
        out_specs=pl.BlockSpec((_BM, D), lambda i: (i, 0)),
        out_shape=jax.ShapeDtypeStruct((N_NODES, D), jnp.float32),
    )(agg, hp, dis, b, W2)


def _tc_stage3(agg, hp, dis, b2, Wl1, bl1, Wl2, bl2, Wl3, bl3):

    def body(agg_ref, hp_ref, dis_ref, b2_ref, w1_ref, b1_ref, w2_ref,
             bb2_ref, w3_ref, b3_ref, out_ref):
        a = agg_ref[0] + agg_ref[1] + hp_ref[...]
        z = jnp.maximum(dis_ref[...] * a + b2_ref[...], 0.0)
        t = jnp.maximum(_dot(z, w1_ref[...]) + b1_ref[...], 0.0)
        t = jnp.maximum(_dot(t, w2_ref[...]) + bb2_ref[...], 0.0)
        out_ref[...] = _dot(t, w3_ref[...]) + b3_ref[...]

    return pl.pallas_call(
        body,
        grid=_GRID,
        in_specs=[
            pl.BlockSpec((N_CORES, _BM, D), lambda i: (0, i, 0)),
            pl.BlockSpec((_BM, D), lambda i: (i, 0)),
            pl.BlockSpec((_BM, 1), lambda i: (i, 0)),
            pl.BlockSpec((1, D), lambda i: (0, 0)),
            pl.BlockSpec((D, D), lambda i: (0, 0)),
            pl.BlockSpec((1, D), lambda i: (0, 0)),
            pl.BlockSpec((D, D), lambda i: (0, 0)),
            pl.BlockSpec((1, D), lambda i: (0, 0)),
            pl.BlockSpec((D, 1), lambda i: (0, 0)),
            pl.BlockSpec((1, 1), lambda i: (0, 0)),
        ],
        out_specs=pl.BlockSpec((_BM, 1), lambda i: (i, 0)),
        out_shape=jax.ShapeDtypeStruct((N_NODES, 1), jnp.float32),
    )(agg, hp, dis, b2, Wl1, bl1, Wl2, bl2, Wl3, bl3)


def kernel(x, edge_index, W_conv1, b_conv1, W_conv2, b_conv2,
           W_lin1, b_lin1, W_lin2, b_lin2, W_lin3, b_lin3):
    src = edge_index[0].astype(jnp.int32)
    dst = edge_index[1].astype(jnp.int32)

    pad_i = jnp.arange(E_PAD - N_EDGES, dtype=jnp.int32)
    src_full = jnp.concatenate([src, pad_i % N_NODES]).reshape(IDX_ROWS, CHUNK)
    dst_full = jnp.concatenate([dst, N_NODES + pad_i % (N_PAD - N_NODES)]
                               ).reshape(IDX_ROWS, CHUNK)

    cnt = _sc_degree(jnp.ones((CHUNK, D), jnp.float32), dst_full)[:, :N_NODES]
    h1 = _tc_matmul1(x, W_conv1)
    h1p, dis = _tc_stage1(h1, cnt)
    agg1 = _sc_segsum(h1p, src_full, dst_full)[:, :N_NODES]
    h2p = _tc_stage2(agg1, h1p, dis, b_conv1.reshape(1, D), W_conv2)
    agg2 = _sc_segsum(h2p, src_full, dst_full)[:, :N_NODES]
    out = _tc_stage3(agg2, h2p, dis, b_conv2.reshape(1, D),
                     W_lin1, b_lin1.reshape(1, D),
                     W_lin2, b_lin2.reshape(1, D),
                     W_lin3, b_lin3.reshape(1, 1))
    return out

# --- scband reference (transcript-rebuilt; emitter-appended) ---
"""Pipeline reference for scband-simple-gcn-82806969467585 (READ-ONLY COPY).

The authoritative reference and input builder live on the scoring server;
editing this copy changes nothing except your own understanding.
"""

import jax, jax.numpy as jnp
import numpy as np

NUM_NODES = 10000
NUM_EDGES = 320000
D_FEAT = 128
HL1 = 128
OUT_FEATS = 1


def _glorot(key, shape):
    fan_in, fan_out = shape[0], shape[1]
    limit = float(np.sqrt(6.0 / (fan_in + fan_out)))
    return jax.random.uniform(key, shape, dtype=jnp.float32, minval=-limit, maxval=limit)


def setup_inputs(seed: int = 0) -> dict:
    key = jax.random.key(seed)
    ks = jax.random.split(key, 16)
    x = jax.random.normal(ks[0], (NUM_NODES, D_FEAT), dtype=jnp.float32)
    edge_index = jax.random.randint(ks[1], (2, NUM_EDGES), 0, NUM_NODES, dtype=jnp.int64)
    W_conv1 = _glorot(ks[2], (D_FEAT, HL1))
    b_conv1 = jnp.zeros((HL1,), dtype=jnp.float32)
    W_conv2 = _glorot(ks[3], (HL1, HL1))
    b_conv2 = jnp.zeros((HL1,), dtype=jnp.float32)
    W_lin1 = _glorot(ks[4], (HL1, HL1))
    b_lin1 = jnp.zeros((HL1,), dtype=jnp.float32)
    W_lin2 = _glorot(ks[5], (HL1, HL1))
    b_lin2 = jnp.zeros((HL1,), dtype=jnp.float32)
    W_lin3 = _glorot(ks[6], (HL1, OUT_FEATS))
    b_lin3 = jnp.zeros((OUT_FEATS,), dtype=jnp.float32)
    return {
        "x": x,
        "edge_index": edge_index,
        "W_conv1": W_conv1, "b_conv1": b_conv1,
        "W_conv2": W_conv2, "b_conv2": b_conv2,
        "W_lin1": W_lin1, "b_lin1": b_lin1,
        "W_lin2": W_lin2, "b_lin2": b_lin2,
        "W_lin3": W_lin3, "b_lin3": b_lin3,
    }


def _gcn_conv(x, edge_index, W, b, num_nodes):
    # PyG GCNConv: linear transform first, then symmetric-normalized propagation with self-loops.
    h = x @ W
    loop = jnp.arange(num_nodes, dtype=edge_index.dtype)
    src = jnp.concatenate([edge_index[0], loop])
    dst = jnp.concatenate([edge_index[1], loop])
    ones = jnp.ones((src.shape[0],), dtype=h.dtype)
    deg = jnp.zeros((num_nodes,), dtype=h.dtype).at[dst].add(ones)
    deg_inv_sqrt = jnp.where(deg > 0, deg ** -0.5, 0.0)
    norm = deg_inv_sqrt[src] * deg_inv_sqrt[dst]
    msg = h[src] * norm[:, None]
    out = jnp.zeros_like(h).at[dst].add(msg)
    return out + b


def reference(x, edge_index, W_conv1, b_conv1, W_conv2, b_conv2,
              W_lin1, b_lin1, W_lin2, b_lin2, W_lin3, b_lin3):
    num_nodes = x.shape[0]
    # conv layers with relu (dropout=0.0 -> identity)
    h = jax.nn.relu(_gcn_conv(x, edge_index, W_conv1, b_conv1, num_nodes))
    h = jax.nn.relu(_gcn_conv(h, edge_index, W_conv2, b_conv2, num_nodes))
    # subplan_ests head: per-node MLP
    h = jax.nn.relu(h @ W_lin1 + b_lin1)
    h = jax.nn.relu(h @ W_lin2 + b_lin2)
    out = h @ W_lin3 + b_lin3
    return out

if __name__ == "__main__":
    import jax
    _d = setup_inputs()
    print(jax.jit(kernel)(*tuple(_d.values())))

</pallas_src>

<mosaic_0001>
#map = affine_map<(d0, d1) -> (0, 0)>
#map1 = affine_map<(d0, d1) -> (0, 0, 0)>
module attributes {stable_mosaic.version = 14 : i64} {
  func.func @k(%arg0: i32, %arg1: i32, %arg2: memref<10000x128xf32, #tpu.memory_space<hbm>>, %arg3: memref<2560x128xi32, #tpu.memory_space<hbm>>, %arg4: memref<2560x128xi32, #tpu.memory_space<hbm>>, %arg5: memref<2x10240x128xf32, #tpu.memory_space<hbm>>, %arg6: memref<10240x128xf32, #tpu.memory_space<vmem_shared>>, %arg7: memref<40x128xi32, #tpu.memory_space<vmem>>, %arg8: memref<40x128xi32, #tpu.memory_space<vmem>>, %arg9: memref<128x128xf32, #tpu.memory_space<vmem>>, %arg10: memref<128x128xf32, #tpu.memory_space<vmem>>, %arg11: memref<!tpu.dma_semaphore, #tpu.memory_space<semaphore_mem>>, %arg12: memref<!tpu.dma_semaphore, #tpu.memory_space<semaphore_mem>>, %arg13: memref<!tpu.dma_semaphore, #tpu.memory_space<semaphore_mem>>, %arg14: memref<!tpu.dma_semaphore, #tpu.memory_space<semaphore_mem>>) attributes {dimension_semantics = [#tpu.dimension_semantics<core_parallel>, #tpu.dimension_semantics<subcore_parallel>], iteration_bounds = array<i64: 2, 16>, scalar_prefetch = 0 : i64, scratch_operands = 9 : i64, tpu.core_type = #tpu.core_type<sc_vector_subcore>, window_params = [{transform_indices = #map}, {transform_indices = #map}, {transform_indices = #map}, {transform_indices = #map1}]} {
    %scan3A = arith.constant 0 : i32
    %scan3A_0 = arith.constant 128 : i32
    %scan3A_1 = arith.addi %scan3A, %scan3A_0 : i32
    %scan3A_2 = arith.constant 1 : i32
    scf.for %scan3A_64 = %scan3A to %scan3A_1 step %scan3A_2  : i32 {
      %mul3A_65 = arith.constant 1 : i32
      %mul3A_66 = arith.muli %scan3A_64, %mul3A_65 : i32
      %add3A_67 = arith.constant 0 : i32
      %add3A_68 = arith.addi %add3A_67, %mul3A_66 : i32
      %scan3A_69 = arith.constant 0 : i32
      %scan3A_70 = arith.constant 8 : i32
      %scan3A_71 = arith.addi %scan3A_69, %scan3A_70 : i32
      %scan3A_72 = arith.constant 1 : i32
      scf.for %scan3A_74 = %scan3A_69 to %scan3A_71 step %scan3A_72  : i32 {
        %mul3A_75 = arith.constant 16 : i32
        %mul3A_76 = arith.muli %scan3A_74, %mul3A_75 : i32
        %add3A_77 = arith.constant 0 : i32
        %add3A_78 = arith.addi %add3A_77, %mul3A_76 : i32
        %broadcast_in_dim3A = arith.constant 0.000000e+00 : f32
        %broadcast_in_dim3A_79 = vector.broadcast %broadcast_in_dim3A : f32 to vector<16xf32>
        %swap3A = arith.index_cast %add3A_68 : i32 to index
        %swap3A_80 = arith.index_cast %add3A_78 : i32 to index
        %swap3A_81 = tpu.vector_load %arg9[%swap3A, %swap3A_80] {strides = array<i32>} : memref<128x128xf32, #tpu.memory_space<vmem>>, vector<1x16xf32>,
        %swap3A_82 = vector.shape_cast %swap3A_81 : vector<1x16xf32> to vector<16xf32>
        %swap3A_83 = vector.shape_cast %broadcast_in_dim3A_79 : vector<16xf32> to vector<1x16xf32>
        tpu.vector_store %arg9[%swap3A, %swap3A_80], %swap3A_83 {strides = array<i32>} : memref<128x128xf32, #tpu.memory_space<vmem>>, vector<1x16xf32>,
      }
      %scan3A_73 = arith.constant 8 : i32
    }
    %scan3A_3 = arith.constant 128 : i32
    %mul3A = arith.constant 640 : i32
    %mul3A_4 = arith.muli %arg1, %mul3A : i32
    %scan3A_5 = arith.constant 0 : i32
    %scan3A_6 = arith.constant 5 : i32
    %scan3A_7 = arith.addi %scan3A_5, %scan3A_6 : i32
    %scan3A_8 = arith.constant 1 : i32
    scf.for %scan3A_64 = %scan3A_5 to %scan3A_7 step %scan3A_8  : i32 {
      %mul3A_65 = arith.constant 1 : i32
      %mul3A_66 = arith.muli %scan3A_64, %mul3A_65 : i32
      %add3A_67 = arith.constant 0 : i32
      %add3A_68 = arith.addi %add3A_67, %mul3A_66 : i32
      %mul3A_69 = arith.constant 128 : i32
      %mul3A_70 = arith.muli %add3A_68, %mul3A_69 : i32
      %add3A_71 = arith.addi %mul3A_4, %mul3A_70 : i32
      "tpu.region"() ({
        %run_scoped3A = tpu.sem_alloc : memref<!tpu.dma_semaphore, #tpu.memory_space<semaphore_mem>>
        %dma_start3A_72 = arith.constant 0 : i32
        %dma_start3A_73 = tpu.memref_slice %arg6[%add3A_71, %dma_start3A_72] : memref<10240x128xf32, #tpu.memory_space<vmem_shared>> -> memref<128x128xf32, #tpu.memory_space<vmem_shared>>
        %dma_start3A_74 = arith.constant 0 : i32
        %dma_start3A_75 = tpu.memref_slice %arg6[%add3A_71, %dma_start3A_74] : memref<10240x128xf32, #tpu.memory_space<vmem_shared>> -> memref<128x128xf32, #tpu.memory_space<vmem_shared>>
        tpu.enqueue_dma source(%arg9 : memref<128x128xf32, #tpu.memory_space<vmem>>) target(%dma_start3A_75 : memref<128x128xf32, #tpu.memory_space<vmem_shared>>) target_semaphore(%run_scoped3A : memref<!tpu.dma_semaphore, #tpu.memory_space<semaphore_mem>>)
        %dma_wait3A_76 = arith.constant 0 : i32
        %dma_wait3A_77 = tpu.memref_slice %arg6[%add3A_71, %dma_wait3A_76] : memref<10240x128xf32, #tpu.memory_space<vmem_shared>> -> memref<128x128xf32, #tpu.memory_space<vmem_shared>>
        %dma_wait3A_78 = arith.constant 0 : i32
        %dma_wait3A_79 = tpu.memref_slice %arg6[%add3A_71, %dma_wait3A_78] : memref<10240x128xf32, #tpu.memory_space<vmem_shared>> -> memref<128x128xf32, #tpu.memory_space<vmem_shared>>
        tpu.wait_dma2 semaphore(%run_scoped3A : memref<!tpu.dma_semaphore, #tpu.memory_space<semaphore_mem>>) src(%arg9 : memref<128x128xf32, #tpu.memory_space<vmem>>) dst(%dma_wait3A_79 : memref<128x128xf32, #tpu.memory_space<vmem_shared>>)
        tpu.yield
      }) : () -> ()
    }
    %scan3A_9 = arith.constant 5 : i32
    %mul3A_10 = arith.constant 16 : i32
    %mul3A_11 = arith.muli %arg0, %mul3A_10 : i32
    %add3A = arith.addi %mul3A_11, %arg1 : i32
    %mul3A_12 = arith.constant 80 : i32
    %mul3A_13 = arith.muli %add3A, %mul3A_12 : i32
    %barrier3A = arith.constant 0 : index
    tpu.barrier barrier_id(%barrier3A)
    %add3A_14 = arith.constant 0 : i32
    %add3A_15 = arith.addi %mul3A_13, %add3A_14 : i32
    "tpu.region"() ({
      %run_scoped3A = tpu.sem_alloc : memref<!tpu.dma_semaphore, #tpu.memory_space<semaphore_mem>>
      %dma_start3A_64 = arith.constant 0 : i32
      %dma_start3A_65 = tpu.memref_slice %arg3[%add3A_15, %dma_start3A_64] : memref<2560x128xi32, #tpu.memory_space<hbm>> -> memref<40x128xi32, #tpu.memory_space<hbm>>
      %dma_start3A_66 = arith.constant 0 : i32
      %dma_start3A_67 = tpu.memref_slice %arg3[%add3A_15, %dma_start3A_66] : memref<2560x128xi32, #tpu.memory_space<hbm>> -> memref<40x128xi32, #tpu.memory_space<hbm>>
      tpu.enqueue_dma source(%dma_start3A_67 : memref<40x128xi32, #tpu.memory_space<hbm>>) target(%arg7 : memref<40x128xi32, #tpu.memory_space<vmem>>) target_semaphore(%run_scoped3A : memref<!tpu.dma_semaphore, #tpu.memory_space<semaphore_mem>>)
      %dma_wait3A_68 = arith.constant 0 : i32
      %dma_wait3A_69 = tpu.memref_slice %arg3[%add3A_15, %dma_wait3A_68] : memref<2560x128xi32, #tpu.memory_space<hbm>> -> memref<40x128xi32, #tpu.memory_space<hbm>>
      %dma_wait3A_70 = arith.constant 0 : i32
      %dma_wait3A_71 = tpu.memref_slice %arg3[%add3A_15, %dma_wait3A_70] : memref<2560x128xi32, #tpu.memory_space<hbm>> -> memref<40x128xi32, #tpu.memory_space<hbm>>
      tpu.wait_dma2 semaphore(%run_scoped3A : memref<!tpu.dma_semaphore, #tpu.memory_space<semaphore_mem>>) src(%dma_wait3A_71 : memref<40x128xi32, #tpu.memory_space<hbm>>) dst(%arg7 : memref<40x128xi32, #tpu.memory_space<vmem>>)
      tpu.yield
    }) : () -> ()
    %add3A_16 = arith.constant 0 : i32
    %add3A_17 = arith.addi %mul3A_13, %add3A_16 : i32
    "tpu.region"() ({
      %run_scoped3A = tpu.sem_alloc : memref<!tpu.dma_semaphore, #tpu.memory_space<semaphore_mem>>
      %dma_start3A_64 = arith.constant 0 : i32
      %dma_start3A_65 = tpu.memref_slice %arg4[%add3A_17, %dma_start3A_64] : memref<2560x128xi32, #tpu.memory_space<hbm>> -> memref<40x128xi32, #tpu.memory_space<hbm>>
      %dma_start3A_66 = arith.constant 0 : i32
      %dma_start3A_67 = tpu.memref_slice %arg4[%add3A_17, %dma_start3A_66] : memref<2560x128xi32, #tpu.memory_space<hbm>> -> memref<40x128xi32, #tpu.memory_space<hbm>>
      tpu.enqueue_dma source(%dma_start3A_67 : memref<40x128xi32, #tpu.memory_space<hbm>>) target(%arg8 : memref<40x128xi32, #tpu.memory_space<vmem>>) target_semaphore(%run_scoped3A : memref<!tpu.dma_semaphore, #tpu.memory_space<semaphore_mem>>)
      %dma_wait3A_68 = arith.constant 0 : i32
      %dma_wait3A_69 = tpu.memref_slice %arg4[%add3A_17, %dma_wait3A_68] : memref<2560x128xi32, #tpu.memory_space<hbm>> -> memref<40x128xi32, #tpu.memory_space<hbm>>
      %dma_wait3A_70 = arith.constant 0 : i32
      %dma_wait3A_71 = tpu.memref_slice %arg4[%add3A_17, %dma_wait3A_70] : memref<2560x128xi32, #tpu.memory_space<hbm>> -> memref<40x128xi32, #tpu.memory_space<hbm>>
      tpu.wait_dma2 semaphore(%run_scoped3A : memref<!tpu.dma_semaphore, #tpu.memory_space<semaphore_mem>>) src(%dma_wait3A_71 : memref<40x128xi32, #tpu.memory_space<hbm>>) dst(%arg8 : memref<40x128xi32, #tpu.memory_space<vmem>>)
      tpu.yield
    }) : () -> ()
    %dma_start3A = arith.constant 0 : i32
    %dma_start3A_18 = arith.constant 0 : i32
    %dma_start3A_19 = tpu.memref_slice %arg7[%dma_start3A, %dma_start3A_18] : memref<40x128xi32, #tpu.memory_space<vmem>> -> memref<1x128xi32, #tpu.memory_space<vmem>>
    %dma_start3A_20 = tpu.memref_squeeze %dma_start3A_19 : memref<1x128xi32, #tpu.memory_space<vmem>> -> memref<128xi32, #tpu.memory_space<vmem>>
    %dma_start3A_21 = arith.constant 0 : i32
    %dma_start3A_22 = arith.constant 0 : i32
    %dma_start3A_23 = tpu.memref_slice %arg2[%dma_start3A_21, %dma_start3A_22] : memref<10000x128xf32, #tpu.memory_space<hbm>> -> memref<10000x128xf32, #tpu.memory_space<hbm>>
    tpu.enqueue_indirect_dma source(%dma_start3A_23 : memref<10000x128xf32, #tpu.memory_space<hbm>>) target(%arg9 : memref<128x128xf32, #tpu.memory_space<vmem>>) offsets(%dma_start3A_20 : memref<128xi32, #tpu.memory_space<vmem>>) semaphore(%arg11 : memref<!tpu.dma_semaphore, #tpu.memory_space<semaphore_mem>>)
    %scan3A_24 = arith.constant 0 : i32
    %scan3A_25 = arith.constant 20 : i32
    %scan3A_26 = arith.addi %scan3A_24, %scan3A_25 : i32
    %scan3A_27 = arith.constant 1 : i32
    scf.for %scan3A_64 = %scan3A_24 to %scan3A_26 step %scan3A_27  : i32 {
      %mul3A_65 = arith.constant 1 : i32
      %mul3A_66 = arith.muli %scan3A_64, %mul3A_65 : i32
      %add3A_67 = arith.constant 0 : i32
      %add3A_68 = arith.addi %add3A_67, %mul3A_66 : i32
      %mul3A_69 = arith.constant 2 : i32
      %mul3A_70 = arith.muli %mul3A_69, %add3A_68 : i32
      %add3A_71 = arith.constant 0 : i32
      %add3A_72 = arith.addi %mul3A_70, %add3A_71 : i32
      %ge3A = arith.constant 1 : i32
      %ge3A_73 = arith.cmpi sge, %add3A_72, %ge3A : i32
      %convert_element_type3A = arith.extui %ge3A_73 : i1 to i32
      %cond3A = arith.constant 0 : i32
      %cond3A_74 = arith.cmpi ne, %convert_element_type3A, %cond3A : i32
      scf.if %cond3A_74 {
        %sub3A = arith.constant 1 : i32
        %sub3A_121 = arith.subi %add3A_72, %sub3A : i32
        %dma_wait3A_122 = arith.constant 0 : i32
        %dma_wait3A_123 = tpu.memref_slice %arg8[%sub3A_121, %dma_wait3A_122] : memref<40x128xi32, #tpu.memory_space<vmem>> -> memref<1x128xi32, #tpu.memory_space<vmem>>
        %dma_wait3A_124 = tpu.memref_squeeze %dma_wait3A_123 : memref<1x128xi32, #tpu.memory_space<vmem>> -> memref<128xi32, #tpu.memory_space<vmem>>
        %dma_wait3A_125 = arith.constant 0 : i32
        %dma_wait3A_126 = arith.constant 0 : i32
        %dma_wait3A_127 = tpu.memref_slice %arg6[%dma_wait3A_125, %dma_wait3A_126] : memref<10240x128xf32, #tpu.memory_space<vmem_shared>> -> memref<10240x128xf32, #tpu.memory_space<vmem_shared>>
        tpu.wait_indirect_dma semaphore(%arg14 : memref<!tpu.dma_semaphore, #tpu.memory_space<semaphore_mem>>) src(%arg10 : memref<128x128xf32, #tpu.memory_space<vmem>>) dst(%dma_wait3A_127 : memref<10240x128xf32, #tpu.memory_space<vmem_shared>>)
      } else {
      }
      %add3A_75 = arith.constant 1 : i32
      %add3A_76 = arith.addi %add3A_72, %add3A_75 : i32
      %lt3A = arith.constant 40 : i32
      %lt3A_77 = arith.cmpi slt, %add3A_76, %lt3A : i32
      %convert_element_type3A_78 = arith.extui %lt3A_77 : i1 to i32
      %cond3A_79 = arith.constant 0 : i32
      %cond3A_80 = arith.cmpi ne, %convert_element_type3A_78, %cond3A_79 : i32
      scf.if %cond3A_80 {
        %add3A_121 = arith.constant 1 : i32
        %add3A_122 = arith.addi %add3A_72, %add3A_121 : i32
        %dma_start3A_123 = arith.constant 0 : i32
        %dma_start3A_124 = tpu.memref_slice %arg7[%add3A_122, %dma_start3A_123] : memref<40x128xi32, #tpu.memory_space<vmem>> -> memref<1x128xi32, #tpu.memory_space<vmem>>
        %dma_start3A_125 = tpu.memref_squeeze %dma_start3A_124 : memref<1x128xi32, #tpu.memory_space<vmem>> -> memref<128xi32, #tpu.memory_space<vmem>>
        %dma_start3A_126 = arith.constant 0 : i32
        %dma_start3A_127 = arith.constant 0 : i32
        %dma_start3A_128 = tpu.memref_slice %arg2[%dma_start3A_126, %dma_start3A_127] : memref<10000x128xf32, #tpu.memory_space<hbm>> -> memref<10000x128xf32, #tpu.memory_space<hbm>>
        tpu.enqueue_indirect_dma source(%dma_start3A_128 : memref<10000x128xf32, #tpu.memory_space<hbm>>) target(%arg10 : memref<128x128xf32, #tpu.memory_space<vmem>>) offsets(%dma_start3A_125 : memref<128xi32, #tpu.memory_space<vmem>>) semaphore(%arg12 : memref<!tpu.dma_semaphore, #tpu.memory_space<semaphore_mem>>)
      } else {
      }
      %dma_wait3A_81 = arith.constant 0 : i32
      %dma_wait3A_82 = tpu.memref_slice %arg7[%add3A_72, %dma_wait3A_81] : memref<40x128xi32, #tpu.memory_space<vmem>> -> memref<1x128xi32, #tpu.memory_space<vmem>>
      %dma_wait3A_83 = tpu.memref_squeeze %dma_wait3A_82 : memref<1x128xi32, #tpu.memory_space<vmem>> -> memref<128xi32, #tpu.memory_space<vmem>>
      %dma_wait3A_84 = arith.constant 0 : i32
      %dma_wait3A_85 = arith.constant 0 : i32
      %dma_wait3A_86 = tpu.memref_slice %arg2[%dma_wait3A_84, %dma_wait3A_85] : memref<10000x128xf32, #tpu.memory_space<hbm>> -> memref<10000x128xf32, #tpu.memory_space<hbm>>
      tpu.wait_indirect_dma semaphore(%arg11 : memref<!tpu.dma_semaphore, #tpu.memory_space<semaphore_mem>>) src(%dma_wait3A_86 : memref<10000x128xf32, #tpu.memory_space<hbm>>) dst(%arg9 : memref<128x128xf32, #tpu.memory_space<vmem>>)
      %dma_start3A_87 = arith.constant 0 : i32
      %dma_start3A_88 = tpu.memref_slice %arg8[%add3A_72, %dma_start3A_87] : memref<40x128xi32, #tpu.memory_space<vmem>> -> memref<1x128xi32, #tpu.memory_space<vmem>>
      %dma_start3A_89 = tpu.memref_squeeze %dma_start3A_88 : memref<1x128xi32, #tpu.memory_space<vmem>> -> memref<128xi32, #tpu.memory_space<vmem>>
      %dma_start3A_90 = arith.constant 0 : i32
      %dma_start3A_91 = arith.constant 0 : i32
      %dma_start3A_92 = tpu.memref_slice %arg6[%dma_start3A_90, %dma_start3A_91] : memref<10240x128xf32, #tpu.memory_space<vmem_shared>> -> memref<10240x128xf32, #tpu.memory_space<vmem_shared>>
      tpu.enqueue_indirect_dma source(%arg9 : memref<128x128xf32, #tpu.memory_space<vmem>>) target(%dma_start3A_92 : memref<10240x128xf32, #tpu.memory_space<vmem_shared>>) offsets(%dma_start3A_89 : memref<128xi32, #tpu.memory_space<vmem>>) semaphore(%arg13 : memref<!tpu.dma_semaphore, #tpu.memory_space<semaphore_mem>>) {add = true}
      %mul3A_93 = arith.constant 2 : i32
      %mul3A_94 = arith.muli %mul3A_93, %add3A_68 : i32
      %add3A_95 = arith.constant 1 : i32
      %add3A_96 = arith.addi %mul3A_94, %add3A_95 : i32
      %ge3A_97 = arith.constant 1 : i32
      %ge3A_98 = arith.cmpi sge, %add3A_96, %ge3A_97 : i32
      %convert_element_type3A_99 = arith.extui %ge3A_98 : i1 to i32
      %cond3A_100 = arith.constant 0 : i32
      %cond3A_101 = arith.cmpi ne, %convert_element_type3A_99, %cond3A_100 : i32
      scf.if %cond3A_101 {
        %sub3A = arith.constant 1 : i32
        %sub3A_121 = arith.subi %add3A_96, %sub3A : i32
        %dma_wait3A_122 = arith.constant 0 : i32
        %dma_wait3A_123 = tpu.memref_slice %arg8[%sub3A_121, %dma_wait3A_122] : memref<40x128xi32, #tpu.memory_space<vmem>> -> memref<1x128xi32, #tpu.memory_space<vmem>>
        %dma_wait3A_124 = tpu.memref_squeeze %dma_wait3A_123 : memref<1x128xi32, #tpu.memory_space<vmem>> -> memref<128xi32, #tpu.memory_space<vmem>>
        %dma_wait3A_125 = arith.constant 0 : i32
        %dma_wait3A_126 = arith.constant 0 : i32
        %dma_wait3A_127 = tpu.memref_slice %arg6[%dma_wait3A_125, %dma_wait3A_126] : memref<10240x128xf32, #tpu.memory_space<vmem_shared>> -> memref<10240x128xf32, #tpu.memory_space<vmem_shared>>
        tpu.wait_indirect_dma semaphore(%arg13 : memref<!tpu.dma_semaphore, #tpu.memory_space<semaphore_mem>>) src(%arg9 : memref<128x128xf32, #tpu.memory_space<vmem>>) dst(%dma_wait3A_127 : memref<10240x128xf32, #tpu.memory_space<vmem_shared>>)
      } else {
      }
      %add3A_102 = arith.constant 1 : i32
      %add3A_103 = arith.addi %add3A_96, %add3A_102 : i32
      %lt3A_104 = arith.constant 40 : i32
      %lt3A_105 = arith.cmpi slt, %add3A_103, %lt3A_104 : i32
      %convert_element_type3A_106 = arith.extui %lt3A_105 : i1 to i32
      %cond3A_107 = arith.constant 0 : i32
      %cond3A_108 = arith.cmpi ne, %convert_element_type3A_106, %cond3A_107 : i32
      scf.if %cond3A_108 {
        %add3A_121 = arith.constant 1 : i32
        %add3A_122 = arith.addi %add3A_96, %add3A_121 : i32
        %dma_start3A_123 = arith.constant 0 : i32
        %dma_start3A_124 = tpu.memref_slice %arg7[%add3A_122, %dma_start3A_123] : memref<40x128xi32, #tpu.memory_space<vmem>> -> memref<1x128xi32, #tpu.memory_space<vmem>>
        %dma_start3A_125 = tpu.memref_squeeze %dma_start3A_124 : memref<1x128xi32, #tpu.memory_space<vmem>> -> memref<128xi32, #tpu.memory_space<vmem>>
        %dma_start3A_126 = arith.constant 0 : i32
        %dma_start3A_127 = arith.constant 0 : i32
        %dma_start3A_128 = tpu.memref_slice %arg2[%dma_start3A_126, %dma_start3A_127] : memref<10000x128xf32, #tpu.memory_space<hbm>> -> memref<10000x128xf32, #tpu.memory_space<hbm>>
        tpu.enqueue_indirect_dma source(%dma_start3A_128 : memref<10000x128xf32, #tpu.memory_space<hbm>>) target(%arg9 : memref<128x128xf32, #tpu.memory_space<vmem>>) offsets(%dma_start3A_125 : memref<128xi32, #tpu.memory_space<vmem>>) semaphore(%arg11 : memref<!tpu.dma_semaphore, #tpu.memory_space<semaphore_mem>>)
      } else {
      }
      %dma_wait3A_109 = arith.constant 0 : i32
      %dma_wait3A_110 = tpu.memref_slice %arg7[%add3A_96, %dma_wait3A_109] : memref<40x128xi32, #tpu.memory_space<vmem>> -> memref<1x128xi32, #tpu.memory_space<vmem>>
      %dma_wait3A_111 = tpu.memref_squeeze %dma_wait3A_110 : memref<1x128xi32, #tpu.memory_space<vmem>> -> memref<128xi32, #tpu.memory_space<vmem>>
      %dma_wait3A_112 = arith.constant 0 : i32
      %dma_wait3A_113 = arith.constant 0 : i32
      %dma_wait3A_114 = tpu.memref_slice %arg2[%dma_wait3A_112, %dma_wait3A_113] : memref<10000x128xf32, #tpu.memory_space<hbm>> -> memref<10000x128xf32, #tpu.memory_space<hbm>>
      tpu.wait_indirect_dma semaphore(%arg12 : memref<!tpu.dma_semaphore, #tpu.memory_space<semaphore_mem>>) src(%dma_wait3A_114 : memref<10000x128xf32, #tpu.memory_space<hbm>>) dst(%arg10 : memref<128x128xf32, #tpu.memory_space<vmem>>)
      %dma_start3A_115 = arith.constant 0 : i32
      %dma_start3A_116 = tpu.memref_slice %arg8[%add3A_96, %dma_start3A_115] : memref<40x128xi32, #tpu.memory_space<vmem>> -> memref<1x128xi32, #tpu.memory_space<vmem>>
      %dma_start3A_117 = tpu.memref_squeeze %dma_start3A_116 : memref<1x128xi32, #tpu.memory_space<vmem>> -> memref<128xi32, #tpu.memory_space<vmem>>
      %dma_start3A_118 = arith.constant 0 : i32
      %dma_start3A_119 = arith.constant 0 : i32
      %dma_start3A_120 = tpu.memref_slice %arg6[%dma_start3A_118, %dma_start3A_119] : memref<10240x128xf32, #tpu.memory_space<vmem_shared>> -> memref<10240x128xf32, #tpu.memory_space<vmem_shared>>
      tpu.enqueue_indirect_dma source(%arg10 : memref<128x128xf32, #tpu.memory_space<vmem>>) target(%dma_start3A_120 : memref<10240x128xf32, #tpu.memory_space<vmem_shared>>) offsets(%dma_start3A_117 : memref<128xi32, #tpu.memory_space<vmem>>) semaphore(%arg14 : memref<!tpu.dma_semaphore, #tpu.memory_space<semaphore_mem>>) {add = true}
    }
    %scan3A_28 = arith.constant 20 : i32
    %dma_wait3A = arith.constant 39 : i32
    %dma_wait3A_29 = arith.constant 0 : i32
    %dma_wait3A_30 = tpu.memref_slice %arg8[%dma_wait3A, %dma_wait3A_29] : memref<40x128xi32, #tpu.memory_space<vmem>> -> memref<1x128xi32, #tpu.memory_space<vmem>>
    %dma_wait3A_31 = tpu.memref_squeeze %dma_wait3A_30 : memref<1x128xi32, #tpu.memory_space<vmem>> -> memref<128xi32, #tpu.memory_space<vmem>>
    %dma_wait3A_32 = arith.constant 0 : i32
    %dma_wait3A_33 = arith.constant 0 : i32
    %dma_wait3A_34 = tpu.memref_slice %arg6[%dma_wait3A_32, %dma_wait3A_33] : memref<10240x128xf32, #tpu.memory_space<vmem_shared>> -> memref<10240x128xf32, #tpu.memory_space<vmem_shared>>
    tpu.wait_indirect_dma semaphore(%arg14 : memref<!tpu.dma_semaphore, #tpu.memory_space<semaphore_mem>>) src(%arg10 : memref<128x128xf32, #tpu.memory_space<vmem>>) dst(%dma_wait3A_34 : memref<10240x128xf32, #tpu.memory_space<vmem_shared>>)
    %add3A_35 = arith.constant 40 : i32
    %add3A_36 = arith.addi %mul3A_13, %add3A_35 : i32
    "tpu.region"() ({
      %run_scoped3A = tpu.sem_alloc : memref<!tpu.dma_semaphore, #tpu.memory_space<semaphore_mem>>
      %dma_start3A_64 = arith.constant 0 : i32
      %dma_start3A_65 = tpu.memref_slice %arg3[%add3A_36, %dma_start3A_64] : memref<2560x128xi32, #tpu.memory_space<hbm>> -> memref<40x128xi32, #tpu.memory_space<hbm>>
      %dma_start3A_66 = arith.constant 0 : i32
      %dma_start3A_67 = tpu.memref_slice %arg3[%add3A_36, %dma_start3A_66] : memref<2560x128xi32, #tpu.memory_space<hbm>> -> memref<40x128xi32, #tpu.memory_space<hbm>>
      tpu.enqueue_dma source(%dma_start3A_67 : memref<40x128xi32, #tpu.memory_space<hbm>>) target(%arg7 : memref<40x128xi32, #tpu.memory_space<vmem>>) target_semaphore(%run_scoped3A : memref<!tpu.dma_semaphore, #tpu.memory_space<semaphore_mem>>)
      %dma_wait3A_68 = arith.constant 0 : i32
      %dma_wait3A_69 = tpu.memref_slice %arg3[%add3A_36, %dma_wait3A_68] : memref<2560x128xi32, #tpu.memory_space<hbm>> -> memref<40x128xi32, #tpu.memory_space<hbm>>
      %dma_wait3A_70 = arith.constant 0 : i32
      %dma_wait3A_71 = tpu.memref_slice %arg3[%add3A_36, %dma_wait3A_70] : memref<2560x128xi32, #tpu.memory_space<hbm>> -> memref<40x128xi32, #tpu.memory_space<hbm>>
      tpu.wait_dma2 semaphore(%run_scoped3A : memref<!tpu.dma_semaphore, #tpu.memory_space<semaphore_mem>>) src(%dma_wait3A_71 : memref<40x128xi32, #tpu.memory_space<hbm>>) dst(%arg7 : memref<40x128xi32, #tpu.memory_space<vmem>>)
      tpu.yield
    }) : () -> ()
    %add3A_37 = arith.constant 40 : i32
    %add3A_38 = arith.addi %mul3A_13, %add3A_37 : i32
    "tpu.region"() ({
      %run_scoped3A = tpu.sem_alloc : memref<!tpu.dma_semaphore, #tpu.memory_space<semaphore_mem>>
      %dma_start3A_64 = arith.constant 0 : i32
      %dma_start3A_65 = tpu.memref_slice %arg4[%add3A_38, %dma_start3A_64] : memref<2560x128xi32, #tpu.memory_space<hbm>> -> memref<40x128xi32, #tpu.memory_space<hbm>>
      %dma_start3A_66 = arith.constant 0 : i32
      %dma_start3A_67 = tpu.memref_slice %arg4[%add3A_38, %dma_start3A_66] : memref<2560x128xi32, #tpu.memory_space<hbm>> -> memref<40x128xi32, #tpu.memory_space<hbm>>
      tpu.enqueue_dma source(%dma_start3A_67 : memref<40x128xi32, #tpu.memory_space<hbm>>) target(%arg8 : memref<40x128xi32, #tpu.memory_space<vmem>>) target_semaphore(%run_scoped3A : memref<!tpu.dma_semaphore, #tpu.memory_space<semaphore_mem>>)
      %dma_wait3A_68 = arith.constant 0 : i32
      %dma_wait3A_69 = tpu.memref_slice %arg4[%add3A_38, %dma_wait3A_68] : memref<2560x128xi32, #tpu.memory_space<hbm>> -> memref<40x128xi32, #tpu.memory_space<hbm>>
      %dma_wait3A_70 = arith.constant 0 : i32
      %dma_wait3A_71 = tpu.memref_slice %arg4[%add3A_38, %dma_wait3A_70] : memref<2560x128xi32, #tpu.memory_space<hbm>> -> memref<40x128xi32, #tpu.memory_space<hbm>>
      tpu.wait_dma2 semaphore(%run_scoped3A : memref<!tpu.dma_semaphore, #tpu.memory_space<semaphore_mem>>) src(%dma_wait3A_71 : memref<40x128xi32, #tpu.memory_space<hbm>>) dst(%arg8 : memref<40x128xi32, #tpu.memory_space<vmem>>)
      tpu.yield
    }) : () -> ()
    %dma_start3A_39 = arith.constant 0 : i32
    %dma_start3A_40 = arith.constant 0 : i32
    %dma_start3A_41 = tpu.memref_slice %arg7[%dma_start3A_39, %dma_start3A_40] : memref<40x128xi32, #tpu.memory_space<vmem>> -> memref<1x128xi32, #tpu.memory_space<vmem>>
    %dma_start3A_42 = tpu.memref_squeeze %dma_start3A_41 : memref<1x128xi32, #tpu.memory_space<vmem>> -> memref<128xi32, #tpu.memory_space<vmem>>
    %dma_start3A_43 = arith.constant 0 : i32
    %dma_start3A_44 = arith.constant 0 : i32
    %dma_start3A_45 = tpu.memref_slice %arg2[%dma_start3A_43, %dma_start3A_44] : memref<10000x128xf32, #tpu.memory_space<hbm>> -> memref<10000x128xf32, #tpu.memory_space<hbm>>
    tpu.enqueue_indirect_dma source(%dma_start3A_45 : memref<10000x128xf32, #tpu.memory_space<hbm>>) target(%arg9 : memref<128x128xf32, #tpu.memory_space<vmem>>) offsets(%dma_start3A_42 : memref<128xi32, #tpu.memory_space<vmem>>) semaphore(%arg11 : memref<!tpu.dma_semaphore, #tpu.memory_space<semaphore_mem>>)
    %scan3A_46 = arith.constant 0 : i32
    %scan3A_47 = arith.constant 20 : i32
    %scan3A_48 = arith.addi %scan3A_46, %scan3A_47 : i32
    %scan3A_49 = arith.constant 1 : i32
    scf.for %scan3A_64 = %scan3A_46 to %scan3A_48 step %scan3A_49  : i32 {
      %mul3A_65 = arith.constant 1 : i32
      %mul3A_66 = arith.muli %scan3A_64, %mul3A_65 : i32
      %add3A_67 = arith.constant 0 : i32
      %add3A_68 = arith.addi %add3A_67, %mul3A_66 : i32
      %mul3A_69 = arith.constant 2 : i32
      %mul3A_70 = arith.muli %mul3A_69, %add3A_68 : i32
      %add3A_71 = arith.constant 0 : i32
      %add3A_72 = arith.addi %mul3A_70, %add3A_71 : i32
      %ge3A = arith.constant 1 : i32
      %ge3A_73 = arith.cmpi sge, %add3A_72, %ge3A : i32
      %convert_element_type3A = arith.extui %ge3A_73 : i1 to i32
      %cond3A = arith.constant 0 : i32
      %cond3A_74 = arith.cmpi ne, %convert_element_type3A, %cond3A : i32
      scf.if %cond3A_74 {
        %sub3A = arith.constant 1 : i32
        %sub3A_121 = arith.subi %add3A_72, %sub3A : i32
        %dma_wait3A_122 = arith.constant 0 : i32
        %dma_wait3A_123 = tpu.memref_slice %arg8[%sub3A_121, %dma_wait3A_122] : memref<40x128xi32, #tpu.memory_space<vmem>> -> memref<1x128xi32, #tpu.memory_space<vmem>>
        %dma_wait3A_124 = tpu.memref_squeeze %dma_wait3A_123 : memref<1x128xi32, #tpu.memory_space<vmem>> -> memref<128xi32, #tpu.memory_space<vmem>>
        %dma_wait3A_125 = arith.constant 0 : i32
        %dma_wait3A_126 = arith.constant 0 : i32
        %dma_wait3A_127 = tpu.memref_slice %arg6[%dma_wait3A_125, %dma_wait3A_126] : memref<10240x128xf32, #tpu.memory_space<vmem_shared>> -> memref<10240x128xf32, #tpu.memory_space<vmem_shared>>
        tpu.wait_indirect_dma semaphore(%arg14 : memref<!tpu.dma_semaphore, #tpu.memory_space<semaphore_mem>>) src(%arg10 : memref<128x128xf32, #tpu.memory_space<vmem>>) dst(%dma_wait3A_127 : memref<10240x128xf32, #tpu.memory_space<vmem_shared>>)
      } else {
      }
      %add3A_75 = arith.constant 1 : i32
      %add3A_76 = arith.addi %add3A_72, %add3A_75 : i32
      %lt3A = arith.constant 40 : i32
      %lt3A_77 = arith.cmpi slt, %add3A_76, %lt3A : i32
      %convert_element_type3A_78 = arith.extui %lt3A_77 : i1 to i32
      %cond3A_79 = arith.constant 0 : i32
      %cond3A_80 = arith.cmpi ne, %convert_element_type3A_78, %cond3A_79 : i32
      scf.if %cond3A_80 {
        %add3A_121 = arith.constant 1 : i32
        %add3A_122 = arith.addi %add3A_72, %add3A_121 : i32
        %dma_start3A_123 = arith.constant 0 : i32
        %dma_start3A_124 = tpu.memref_slice %arg7[%add3A_122, %dma_start3A_123] : memref<40x128xi32, #tpu.memory_space<vmem>> -> memref<1x128xi32, #tpu.memory_space<vmem>>
        %dma_start3A_125 = tpu.memref_squeeze %dma_start3A_124 : memref<1x128xi32, #tpu.memory_space<vmem>> -> memref<128xi32, #tpu.memory_space<vmem>>
        %dma_start3A_126 = arith.constant 0 : i32
        %dma_start3A_127 = arith.constant 0 : i32
        %dma_start3A_128 = tpu.memref_slice %arg2[%dma_start3A_126, %dma_start3A_127] : memref<10000x128xf32, #tpu.memory_space<hbm>> -> memref<10000x128xf32, #tpu.memory_space<hbm>>
        tpu.enqueue_indirect_dma source(%dma_start3A_128 : memref<10000x128xf32, #tpu.memory_space<hbm>>) target(%arg10 : memref<128x128xf32, #tpu.memory_space<vmem>>) offsets(%dma_start3A_125 : memref<128xi32, #tpu.memory_space<vmem>>) semaphore(%arg12 : memref<!tpu.dma_semaphore, #tpu.memory_space<semaphore_mem>>)
      } else {
      }
      %dma_wait3A_81 = arith.constant 0 : i32
      %dma_wait3A_82 = tpu.memref_slice %arg7[%add3A_72, %dma_wait3A_81] : memref<40x128xi32, #tpu.memory_space<vmem>> -> memref<1x128xi32, #tpu.memory_space<vmem>>
      %dma_wait3A_83 = tpu.memref_squeeze %dma_wait3A_82 : memref<1x128xi32, #tpu.memory_space<vmem>> -> memref<128xi32, #tpu.memory_space<vmem>>
      %dma_wait3A_84 = arith.constant 0 : i32
      %dma_wait3A_85 = arith.constant 0 : i32
      %dma_wait3A_86 = tpu.memref_slice %arg2[%dma_wait3A_84, %dma_wait3A_85] : memref<10000x128xf32, #tpu.memory_space<hbm>> -> memref<10000x128xf32, #tpu.memory_space<hbm>>
      tpu.wait_indirect_dma semaphore(%arg11 : memref<!tpu.dma_semaphore, #tpu.memory_space<semaphore_mem>>) src(%dma_wait3A_86 : memref<10000x128xf32, #tpu.memory_space<hbm>>) dst(%arg9 : memref<128x128xf32, #tpu.memory_space<vmem>>)
      %dma_start3A_87 = arith.constant 0 : i32
      %dma_start3A_88 = tpu.memref_slice %arg8[%add3A_72, %dma_start3A_87] : memref<40x128xi32, #tpu.memory_space<vmem>> -> memref<1x128xi32, #tpu.memory_space<vmem>>
      %dma_start3A_89 = tpu.memref_squeeze %dma_start3A_88 : memref<1x128xi32, #tpu.memory_space<vmem>> -> memref<128xi32, #tpu.memory_space<vmem>>
      %dma_start3A_90 = arith.constant 0 : i32
      %dma_start3A_91 = arith.constant 0 : i32
      %dma_start3A_92 = tpu.memref_slice %arg6[%dma_start3A_90, %dma_start3A_91] : memref<10240x128xf32, #tpu.memory_space<vmem_shared>> -> memref<10240x128xf32, #tpu.memory_space<vmem_shared>>
      tpu.enqueue_indirect_dma source(%arg9 : memref<128x128xf32, #tpu.memory_space<vmem>>) target(%dma_start3A_92 : memref<10240x128xf32, #tpu.memory_space<vmem_shared>>) offsets(%dma_start3A_89 : memref<128xi32, #tpu.memory_space<vmem>>) semaphore(%arg13 : memref<!tpu.dma_semaphore, #tpu.memory_space<semaphore_mem>>) {add = true}
      %mul3A_93 = arith.constant 2 : i32
      %mul3A_94 = arith.muli %mul3A_93, %add3A_68 : i32
      %add3A_95 = arith.constant 1 : i32
      %add3A_96 = arith.addi %mul3A_94, %add3A_95 : i32
      %ge3A_97 = arith.constant 1 : i32
      %ge3A_98 = arith.cmpi sge, %add3A_96, %ge3A_97 : i32
      %convert_element_type3A_99 = arith.extui %ge3A_98 : i1 to i32
      %cond3A_100 = arith.constant 0 : i32
      %cond3A_101 = arith.cmpi ne, %convert_element_type3A_99, %cond3A_100 : i32
      scf.if %cond3A_101 {
        %sub3A = arith.constant 1 : i32
        %sub3A_121 = arith.subi %add3A_96, %sub3A : i32
        %dma_wait3A_122 = arith.constant 0 : i32
        %dma_wait3A_123 = tpu.memref_slice %arg8[%sub3A_121, %dma_wait3A_122] : memref<40x128xi32, #tpu.memory_space<vmem>> -> memref<1x128xi32, #tpu.memory_space<vmem>>
        %dma_wait3A_124 = tpu.memref_squeeze %dma_wait3A_123 : memref<1x128xi32, #tpu.memory_space<vmem>> -> memref<128xi32, #tpu.memory_space<vmem>>
        %dma_wait3A_125 = arith.constant 0 : i32
        %dma_wait3A_126 = arith.constant 0 : i32
        %dma_wait3A_127 = tpu.memref_slice %arg6[%dma_wait3A_125, %dma_wait3A_126] : memref<10240x128xf32, #tpu.memory_space<vmem_shared>> -> memref<10240x128xf32, #tpu.memory_space<vmem_shared>>
        tpu.wait_indirect_dma semaphore(%arg13 : memref<!tpu.dma_semaphore, #tpu.memory_space<semaphore_mem>>) src(%arg9 : memref<128x128xf32, #tpu.memory_space<vmem>>) dst(%dma_wait3A_127 : memref<10240x128xf32, #tpu.memory_space<vmem_shared>>)
      } else {
      }
      %add3A_102 = arith.constant 1 : i32
      %add3A_103 = arith.addi %add3A_96, %add3A_102 : i32
      %lt3A_104 = arith.constant 40 : i32
      %lt3A_105 = arith.cmpi slt, %add3A_103, %lt3A_104 : i32
      %convert_element_type3A_106 = arith.extui %lt3A_105 : i1 to i32
      %cond3A_107 = arith.constant 0 : i32
      %cond3A_108 = arith.cmpi ne, %convert_element_type3A_106, %cond3A_107 : i32
      scf.if %cond3A_108 {
        %add3A_121 = arith.constant 1 : i32
        %add3A_122 = arith.addi %add3A_96, %add3A_121 : i32
        %dma_start3A_123 = arith.constant 0 : i32
        %dma_start3A_124 = tpu.memref_slice %arg7[%add3A_122, %dma_start3A_123] : memref<40x128xi32, #tpu.memory_space<vmem>> -> memref<1x128xi32, #tpu.memory_space<vmem>>
        %dma_start3A_125 = tpu.memref_squeeze %dma_start3A_124 : memref<1x128xi32, #tpu.memory_space<vmem>> -> memref<128xi32, #tpu.memory_space<vmem>>
        %dma_start3A_126 = arith.constant 0 : i32
        %dma_start3A_127 = arith.constant 0 : i32
        %dma_start3A_128 = tpu.memref_slice %arg2[%dma_start3A_126, %dma_start3A_127] : memref<10000x128xf32, #tpu.memory_space<hbm>> -> memref<10000x128xf32, #tpu.memory_space<hbm>>
        tpu.enqueue_indirect_dma source(%dma_start3A_128 : memref<10000x128xf32, #tpu.memory_space<hbm>>) target(%arg9 : memref<128x128xf32, #tpu.memory_space<vmem>>) offsets(%dma_start3A_125 : memref<128xi32, #tpu.memory_space<vmem>>) semaphore(%arg11 : memref<!tpu.dma_semaphore, #tpu.memory_space<semaphore_mem>>)
      } else {
      }
      %dma_wait3A_109 = arith.constant 0 : i32
      %dma_wait3A_110 = tpu.memref_slice %arg7[%add3A_96, %dma_wait3A_109] : memref<40x128xi32, #tpu.memory_space<vmem>> -> memref<1x128xi32, #tpu.memory_space<vmem>>
      %dma_wait3A_111 = tpu.memref_squeeze %dma_wait3A_110 : memref<1x128xi32, #tpu.memory_space<vmem>> -> memref<128xi32, #tpu.memory_space<vmem>>
      %dma_wait3A_112 = arith.constant 0 : i32
      %dma_wait3A_113 = arith.constant 0 : i32
      %dma_wait3A_114 = tpu.memref_slice %arg2[%dma_wait3A_112, %dma_wait3A_113] : memref<10000x128xf32, #tpu.memory_space<hbm>> -> memref<10000x128xf32, #tpu.memory_space<hbm>>
      tpu.wait_indirect_dma semaphore(%arg12 : memref<!tpu.dma_semaphore, #tpu.memory_space<semaphore_mem>>) src(%dma_wait3A_114 : memref<10000x128xf32, #tpu.memory_space<hbm>>) dst(%arg10 : memref<128x128xf32, #tpu.memory_space<vmem>>)
      %dma_start3A_115 = arith.constant 0 : i32
      %dma_start3A_116 = tpu.memref_slice %arg8[%add3A_96, %dma_start3A_115] : memref<40x128xi32, #tpu.memory_space<vmem>> -> memref<1x128xi32, #tpu.memory_space<vmem>>
      %dma_start3A_117 = tpu.memref_squeeze %dma_start3A_116 : memref<1x128xi32, #tpu.memory_space<vmem>> -> memref<128xi32, #tpu.memory_space<vmem>>
      %dma_start3A_118 = arith.constant 0 : i32
      %dma_start3A_119 = arith.constant 0 : i32
      %dma_start3A_120 = tpu.memref_slice %arg6[%dma_start3A_118, %dma_start3A_119] : memref<10240x128xf32, #tpu.memory_space<vmem_shared>> -> memref<10240x128xf32, #tpu.memory_space<vmem_shared>>
      tpu.enqueue_indirect_dma source(%arg10 : memref<128x128xf32, #tpu.memory_space<vmem>>) target(%dma_start3A_120 : memref<10240x128xf32, #tpu.memory_space<vmem_shared>>) offsets(%dma_start3A_117 : memref<128xi32, #tpu.memory_space<vmem>>) semaphore(%arg14 : memref<!tpu.dma_semaphore, #tpu.memory_space<semaphore_mem>>) {add = true}
    }
    %scan3A_50 = arith.constant 20 : i32
    %dma_wait3A_51 = arith.constant 39 : i32
    %dma_wait3A_52 = arith.constant 0 : i32
    %dma_wait3A_53 = tpu.memref_slice %arg8[%dma_wait3A_51, %dma_wait3A_52] : memref<40x128xi32, #tpu.memory_space<vmem>> -> memref<1x128xi32, #tpu.memory_space<vmem>>
    %dma_wait3A_54 = tpu.memref_squeeze %dma_wait3A_53 : memref<1x128xi32, #tpu.memory_space<vmem>> -> memref<128xi32, #tpu.memory_space<vmem>>
    %dma_wait3A_55 = arith.constant 0 : i32
    %dma_wait3A_56 = arith.constant 0 : i32
    %dma_wait3A_57 = tpu.memref_slice %arg6[%dma_wait3A_55, %dma_wait3A_56] : memref<10240x128xf32, #tpu.memory_space<vmem_shared>> -> memref<10240x128xf32, #tpu.memory_space<vmem_shared>>
    tpu.wait_indirect_dma semaphore(%arg14 : memref<!tpu.dma_semaphore, #tpu.memory_space<semaphore_mem>>) src(%arg10 : memref<128x128xf32, #tpu.memory_space<vmem>>) dst(%dma_wait3A_57 : memref<10240x128xf32, #tpu.memory_space<vmem_shared>>)
    %barrier3A_58 = arith.constant 0 : index
    tpu.barrier barrier_id(%barrier3A_58)
    %scan3A_59 = arith.constant 0 : i32
    %scan3A_60 = arith.constant 5 : i32
    %scan3A_61 = arith.addi %scan3A_59, %scan3A_60 : i32
    %scan3A_62 = arith.constant 1 : i32
    scf.for %scan3A_64 = %scan3A_59 to %scan3A_61 step %scan3A_62  : i32 {
      %mul3A_65 = arith.constant 1 : i32
      %mul3A_66 = arith.muli %scan3A_64, %mul3A_65 : i32
      %add3A_67 = arith.constant 0 : i32
      %add3A_68 = arith.addi %add3A_67, %mul3A_66 : i32
      %mul3A_69 = arith.constant 128 : i32
      %mul3A_70 = arith.muli %add3A_68, %mul3A_69 : i32
      %add3A_71 = arith.addi %mul3A_4, %mul3A_70 : i32
      "tpu.region"() ({
        %run_scoped3A = tpu.sem_alloc : memref<!tpu.dma_semaphore, #tpu.memory_space<semaphore_mem>>
        %dma_start3A_72 = arith.constant 0 : i32
        %dma_start3A_73 = tpu.memref_slice %arg5[%arg0, %add3A_71, %dma_start3A_72] : memref<2x10240x128xf32, #tpu.memory_space<hbm>> -> memref<1x128x128xf32, #tpu.memory_space<hbm>>
        %dma_start3A_74 = tpu.memref_squeeze %dma_start3A_73 : memref<1x128x128xf32, #tpu.memory_space<hbm>> -> memref<128x128xf32, #tpu.memory_space<hbm>>
        %dma_start3A_75 = arith.constant 0 : i32
        %dma_start3A_76 = tpu.memref_slice %arg6[%add3A_71, %dma_start3A_75] : memref<10240x128xf32, #tpu.memory_space<vmem_shared>> -> memref<128x128xf32, #tpu.memory_space<vmem_shared>>
        tpu.enqueue_dma source(%dma_start3A_76 : memref<128x128xf32, #tpu.memory_space<vmem_shared>>) target(%dma_start3A_74 : memref<128x128xf32, #tpu.memory_space<hbm>>) target_semaphore(%run_scoped3A : memref<!tpu.dma_semaphore, #tpu.memory_space<semaphore_mem>>)
        %dma_wait3A_77 = arith.constant 0 : i32
        %dma_wait3A_78 = tpu.memref_slice %arg5[%arg0, %add3A_71, %dma_wait3A_77] : memref<2x10240x128xf32, #tpu.memory_space<hbm>> -> memref<1x128x128xf32, #tpu.memory_space<hbm>>
        %dma_wait3A_79 = tpu.memref_squeeze %dma_wait3A_78 : memref<1x128x128xf32, #tpu.memory_space<hbm>> -> memref<128x128xf32, #tpu.memory_space<hbm>>
        %dma_wait3A_80 = arith.constant 0 : i32
        %dma_wait3A_81 = tpu.memref_slice %arg6[%add3A_71, %dma_wait3A_80] : memref<10240x128xf32, #tpu.memory_space<vmem_shared>> -> memref<128x128xf32, #tpu.memory_space<vmem_shared>>
        tpu.wait_dma2 semaphore(%run_scoped3A : memref<!tpu.dma_semaphore, #tpu.memory_space<semaphore_mem>>) src(%dma_wait3A_81 : memref<128x128xf32, #tpu.memory_space<vmem_shared>>) dst(%dma_wait3A_79 : memref<128x128xf32, #tpu.memory_space<hbm>>)
        tpu.yield
      }) : () -> ()
    }
    %scan3A_63 = arith.constant 5 : i32
    return
  }
}

#map = affine_map<(d0, d1) -> (0, 0)>
#map1 = affine_map<(d0, d1) -> (0, 0, 0)>
module attributes {stable_mosaic.version = 14 : i64} {
  func.func @k(%arg0: i32, %arg1: i32, %arg2: memref<128x128xf32, #tpu.memory_space<hbm>>, %arg3: memref<2560x128xi32, #tpu.memory_space<hbm>>, %arg4: memref<2x10240x128xf32, #tpu.memory_space<hbm>>, %arg5: memref<10240x128xf32, #tpu.memory_space<vmem_shared>>, %arg6: memref<80x128xi32, #tpu.memory_space<vmem>>, %arg7: memref<128x128xf32, #tpu.memory_space<vmem>>, %arg8: memref<!tpu.dma_semaphore, #tpu.memory_space<semaphore_mem>>, %arg9: memref<!tpu.dma_semaphore, #tpu.memory_space<semaphore_mem>>) attributes {dimension_semantics = [#tpu.dimension_semantics<core_parallel>, #tpu.dimension_semantics<subcore_parallel>], iteration_bounds = array<i64: 2, 16>, scalar_prefetch = 0 : i64, scratch_operands = 5 : i64, tpu.core_type = #tpu.core_type<sc_vector_subcore>, window_params = [{transform_indices = #map}, {transform_indices = #map}, {transform_indices = #map1}]} {
    %scan3A = arith.constant 0 : i32
    %scan3A_0 = arith.constant 128 : i32
    %scan3A_1 = arith.addi %scan3A, %scan3A_0 : i32
    %scan3A_2 = arith.constant 1 : i32
    scf.for %scan3A_38 = %scan3A to %scan3A_1 step %scan3A_2  : i32 {
      %mul3A_39 = arith.constant 1 : i32
      %mul3A_40 = arith.muli %scan3A_38, %mul3A_39 : i32
      %add3A_41 = arith.constant 0 : i32
      %add3A_42 = arith.addi %add3A_41, %mul3A_40 : i32
      %scan3A_43 = arith.constant 0 : i32
      %scan3A_44 = arith.constant 8 : i32
      %scan3A_45 = arith.addi %scan3A_43, %scan3A_44 : i32
      %scan3A_46 = arith.constant 1 : i32
      scf.for %scan3A_48 = %scan3A_43 to %scan3A_45 step %scan3A_46  : i32 {
        %mul3A_49 = arith.constant 16 : i32
        %mul3A_50 = arith.muli %scan3A_48, %mul3A_49 : i32
        %add3A_51 = arith.constant 0 : i32
        %add3A_52 = arith.addi %add3A_51, %mul3A_50 : i32
        %broadcast_in_dim3A = arith.constant 0.000000e+00 : f32
        %broadcast_in_dim3A_53 = vector.broadcast %broadcast_in_dim3A : f32 to vector<16xf32>
        %swap3A = arith.index_cast %add3A_42 : i32 to index
        %swap3A_54 = arith.index_cast %add3A_52 : i32 to index
        %swap3A_55 = tpu.vector_load %arg7[%swap3A, %swap3A_54] {strides = array<i32>} : memref<128x128xf32, #tpu.memory_space<vmem>>, vector<1x16xf32>,
        %swap3A_56 = vector.shape_cast %swap3A_55 : vector<1x16xf32> to vector<16xf32>
        %swap3A_57 = vector.shape_cast %broadcast_in_dim3A_53 : vector<16xf32> to vector<1x16xf32>
        tpu.vector_store %arg7[%swap3A, %swap3A_54], %swap3A_57 {strides = array<i32>} : memref<128x128xf32, #tpu.memory_space<vmem>>, vector<1x16xf32>,
      }
      %scan3A_47 = arith.constant 8 : i32
    }
    %scan3A_3 = arith.constant 128 : i32
    %mul3A = arith.constant 640 : i32
    %mul3A_4 = arith.muli %arg1, %mul3A : i32
    %scan3A_5 = arith.constant 0 : i32
    %scan3A_6 = arith.constant 5 : i32
    %scan3A_7 = arith.addi %scan3A_5, %scan3A_6 : i32
    %scan3A_8 = arith.constant 1 : i32
    scf.for %scan3A_38 = %scan3A_5 to %scan3A_7 step %scan3A_8  : i32 {
      %mul3A_39 = arith.constant 1 : i32
      %mul3A_40 = arith.muli %scan3A_38, %mul3A_39 : i32
      %add3A_41 = arith.constant 0 : i32
      %add3A_42 = arith.addi %add3A_41, %mul3A_40 : i32
      %mul3A_43 = arith.constant 128 : i32
      %mul3A_44 = arith.muli %add3A_42, %mul3A_43 : i32
      %add3A_45 = arith.addi %mul3A_4, %mul3A_44 : i32
      "tpu.region"() ({
        %run_scoped3A = tpu.sem_alloc : memref<!tpu.dma_semaphore, #tpu.memory_space<semaphore_mem>>
        %dma_start3A = arith.constant 0 : i32
        %dma_start3A_46 = tpu.memref_slice %arg5[%add3A_45, %dma_start3A] : memref<10240x128xf32, #tpu.memory_space<vmem_shared>> -> memref<128x128xf32, #tpu.memory_space<vmem_shared>>
        %dma_start3A_47 = arith.constant 0 : i32
        %dma_start3A_48 = tpu.memref_slice %arg5[%add3A_45, %dma_start3A_47] : memref<10240x128xf32, #tpu.memory_space<vmem_shared>> -> memref<128x128xf32, #tpu.memory_space<vmem_shared>>
        tpu.enqueue_dma source(%arg7 : memref<128x128xf32, #tpu.memory_space<vmem>>) target(%dma_start3A_48 : memref<128x128xf32, #tpu.memory_space<vmem_shared>>) target_semaphore(%run_scoped3A : memref<!tpu.dma_semaphore, #tpu.memory_space<semaphore_mem>>)
        %dma_wait3A_49 = arith.constant 0 : i32
        %dma_wait3A_50 = tpu.memref_slice %arg5[%add3A_45, %dma_wait3A_49] : memref<10240x128xf32, #tpu.memory_space<vmem_shared>> -> memref<128x128xf32, #tpu.memory_space<vmem_shared>>
        %dma_wait3A_51 = arith.constant 0 : i32
        %dma_wait3A_52 = tpu.memref_slice %arg5[%add3A_45, %dma_wait3A_51] : memref<10240x128xf32, #tpu.memory_space<vmem_shared>> -> memref<128x128xf32, #tpu.memory_space<vmem_shared>>
        tpu.wait_dma2 semaphore(%run_scoped3A : memref<!tpu.dma_semaphore, #tpu.memory_space<semaphore_mem>>) src(%arg7 : memref<128x128xf32, #tpu.memory_space<vmem>>) dst(%dma_wait3A_52 : memref<128x128xf32, #tpu.memory_space<vmem_shared>>)
        tpu.yield
      }) : () -> ()
    }
    %scan3A_9 = arith.constant 5 : i32
    %mul3A_10 = arith.constant 16 : i32
    %mul3A_11 = arith.muli %arg0, %mul3A_10 : i32
    %add3A = arith.addi %mul3A_11, %arg1 : i32
    %mul3A_12 = arith.constant 80 : i32
    %mul3A_13 = arith.muli %add3A, %mul3A_12 : i32
    "tpu.region"() ({
      %run_scoped3A = tpu.sem_alloc : memref<!tpu.dma_semaphore, #tpu.memory_space<semaphore_mem>>
      %dma_start3A = arith.constant 0 : i32
      %dma_start3A_38 = tpu.memref_slice %arg3[%mul3A_13, %dma_start3A] : memref<2560x128xi32, #tpu.memory_space<hbm>> -> memref<80x128xi32, #tpu.memory_space<hbm>>
      %dma_start3A_39 = arith.constant 0 : i32
      %dma_start3A_40 = tpu.memref_slice %arg3[%mul3A_13, %dma_start3A_39] : memref<2560x128xi32, #tpu.memory_space<hbm>> -> memref<80x128xi32, #tpu.memory_space<hbm>>
      tpu.enqueue_dma source(%dma_start3A_40 : memref<80x128xi32, #tpu.memory_space<hbm>>) target(%arg6 : memref<80x128xi32, #tpu.memory_space<vmem>>) target_semaphore(%run_scoped3A : memref<!tpu.dma_semaphore, #tpu.memory_space<semaphore_mem>>)
      %dma_wait3A_41 = arith.constant 0 : i32
      %dma_wait3A_42 = tpu.memref_slice %arg3[%mul3A_13, %dma_wait3A_41] : memref<2560x128xi32, #tpu.memory_space<hbm>> -> memref<80x128xi32, #tpu.memory_space<hbm>>
      %dma_wait3A_43 = arith.constant 0 : i32
      %dma_wait3A_44 = tpu.memref_slice %arg3[%mul3A_13, %dma_wait3A_43] : memref<2560x128xi32, #tpu.memory_space<hbm>> -> memref<80x128xi32, #tpu.memory_space<hbm>>
      tpu.wait_dma2 semaphore(%run_scoped3A : memref<!tpu.dma_semaphore, #tpu.memory_space<semaphore_mem>>) src(%dma_wait3A_44 : memref<80x128xi32, #tpu.memory_space<hbm>>) dst(%arg6 : memref<80x128xi32, #tpu.memory_space<vmem>>)
      tpu.yield
    }) : () -> ()
    "tpu.region"() ({
      %run_scoped3A = tpu.sem_alloc : memref<!tpu.dma_semaphore, #tpu.memory_space<semaphore_mem>>
      tpu.enqueue_dma source(%arg2 : memref<128x128xf32, #tpu.memory_space<hbm>>) target(%arg7 : memref<128x128xf32, #tpu.memory_space<vmem>>) target_semaphore(%run_scoped3A : memref<!tpu.dma_semaphore, #tpu.memory_space<semaphore_mem>>)
      tpu.wait_dma2 semaphore(%run_scoped3A : memref<!tpu.dma_semaphore, #tpu.memory_space<semaphore_mem>>) src(%arg2 : memref<128x128xf32, #tpu.memory_space<hbm>>) dst(%arg7 : memref<128x128xf32, #tpu.memory_space<vmem>>)
      tpu.yield
    }) : () -> ()
    %barrier3A = arith.constant 0 : index
    tpu.barrier barrier_id(%barrier3A)
    %scan3A_14 = arith.constant 0 : i32
    %scan3A_15 = arith.constant 40 : i32
    %scan3A_16 = arith.addi %scan3A_14, %scan3A_15 : i32
    %scan3A_17 = arith.constant 1 : i32
    scf.for %scan3A_38 = %scan3A_14 to %scan3A_16 step %scan3A_17  : i32 {
      %mul3A_39 = arith.constant 1 : i32
      %mul3A_40 = arith.muli %scan3A_38, %mul3A_39 : i32
      %add3A_41 = arith.constant 0 : i32
      %add3A_42 = arith.addi %add3A_41, %mul3A_40 : i32
      %mul3A_43 = arith.constant 2 : i32
      %mul3A_44 = arith.muli %mul3A_43, %add3A_42 : i32
      %add3A_45 = arith.constant 0 : i32
      %add3A_46 = arith.addi %mul3A_44, %add3A_45 : i32
      %ge3A = arith.constant 2 : i32
      %ge3A_47 = arith.cmpi sge, %add3A_46, %ge3A : i32
      %convert_element_type3A = arith.extui %ge3A_47 : i1 to i32
      %cond3A = arith.constant 0 : i32
      %cond3A_48 = arith.cmpi ne, %convert_element_type3A, %cond3A : i32
      scf.if %cond3A_48 {
        %sub3A = arith.constant 2 : i32
        %sub3A_69 = arith.subi %add3A_46, %sub3A : i32
        %dma_wait3A_70 = arith.constant 0 : i32
        %dma_wait3A_71 = tpu.memref_slice %arg6[%sub3A_69, %dma_wait3A_70] : memref<80x128xi32, #tpu.memory_space<vmem>> -> memref<1x128xi32, #tpu.memory_space<vmem>>
        %dma_wait3A_72 = tpu.memref_squeeze %dma_wait3A_71 : memref<1x128xi32, #tpu.memory_space<vmem>> -> memref<128xi32, #tpu.memory_space<vmem>>
        %dma_wait3A_73 = arith.constant 0 : i32
        %dma_wait3A_74 = arith.constant 0 : i32
        %dma_wait3A_75 = tpu.memref_slice %arg5[%dma_wait3A_73, %dma_wait3A_74] : memref<10240x128xf32, #tpu.memory_space<vmem_shared>> -> memref<10240x128xf32, #tpu.memory_space<vmem_shared>>
        tpu.wait_indirect_dma semaphore(%arg8 : memref<!tpu.dma_semaphore, #tpu.memory_space<semaphore_mem>>) src(%arg7 : memref<128x128xf32, #tpu.memory_space<vmem>>) dst(%dma_wait3A_75 : memref<10240x128xf32, #tpu.memory_space<vmem_shared>>)
      } else {
      }
      %dma_start3A = arith.constant 0 : i32
      %dma_start3A_49 = tpu.memref_slice %arg6[%add3A_46, %dma_start3A] : memref<80x128xi32, #tpu.memory_space<vmem>> -> memref<1x128xi32, #tpu.memory_space<vmem>>
      %dma_start3A_50 = tpu.memref_squeeze %dma_start3A_49 : memref<1x128xi32, #tpu.memory_space<vmem>> -> memref<128xi32, #tpu.memory_space<vmem>>
      %dma_start3A_51 = arith.constant 0 : i32
      %dma_start3A_52 = arith.constant 0 : i32
      %dma_start3A_53 = tpu.memref_slice %arg5[%dma_start3A_51, %dma_start3A_52] : memref<10240x128xf32, #tpu.memory_space<vmem_shared>> -> memref<10240x128xf32, #tpu.memory_space<vmem_shared>>
      tpu.enqueue_indirect_dma source(%arg7 : memref<128x128xf32, #tpu.memory_space<vmem>>) target(%dma_start3A_53 : memref<10240x128xf32, #tpu.memory_space<vmem_shared>>) offsets(%dma_start3A_50 : memref<128xi32, #tpu.memory_space<vmem>>) semaphore(%arg8 : memref<!tpu.dma_semaphore, #tpu.memory_space<semaphore_mem>>) {add = true}
      %mul3A_54 = arith.constant 2 : i32
      %mul3A_55 = arith.muli %mul3A_54, %add3A_42 : i32
      %add3A_56 = arith.constant 1 : i32
      %add3A_57 = arith.addi %mul3A_55, %add3A_56 : i32
      %ge3A_58 = arith.constant 2 : i32
      %ge3A_59 = arith.cmpi sge, %add3A_57, %ge3A_58 : i32
      %convert_element_type3A_60 = arith.extui %ge3A_59 : i1 to i32
      %cond3A_61 = arith.constant 0 : i32
      %cond3A_62 = arith.cmpi ne, %convert_element_type3A_60, %cond3A_61 : i32
      scf.if %cond3A_62 {
        %sub3A = arith.constant 2 : i32
        %sub3A_69 = arith.subi %add3A_57, %sub3A : i32
        %dma_wait3A_70 = arith.constant 0 : i32
        %dma_wait3A_71 = tpu.memref_slice %arg6[%sub3A_69, %dma_wait3A_70] : memref<80x128xi32, #tpu.memory_space<vmem>> -> memref<1x128xi32, #tpu.memory_space<vmem>>
        %dma_wait3A_72 = tpu.memref_squeeze %dma_wait3A_71 : memref<1x128xi32, #tpu.memory_space<vmem>> -> memref<128xi32, #tpu.memory_space<vmem>>
        %dma_wait3A_73 = arith.constant 0 : i32
        %dma_wait3A_74 = arith.constant 0 : i32
        %dma_wait3A_75 = tpu.memref_slice %arg5[%dma_wait3A_73, %dma_wait3A_74] : memref<10240x128xf32, #tpu.memory_space<vmem_shared>> -> memref<10240x128xf32, #tpu.memory_space<vmem_shared>>
        tpu.wait_indirect_dma semaphore(%arg9 : memref<!tpu.dma_semaphore, #tpu.memory_space<semaphore_mem>>) src(%arg7 : memref<128x128xf32, #tpu.memory_space<vmem>>) dst(%dma_wait3A_75 : memref<10240x128xf32, #tpu.memory_space<vmem_shared>>)
      } else {
      }
      %dma_start3A_63 = arith.constant 0 : i32
      %dma_start3A_64 = tpu.memref_slice %arg6[%add3A_57, %dma_start3A_63] : memref<80x128xi32, #tpu.memory_space<vmem>> -> memref<1x128xi32, #tpu.memory_space<vmem>>
      %dma_start3A_65 = tpu.memref_squeeze %dma_start3A_64 : memref<1x128xi32, #tpu.memory_space<vmem>> -> memref<128xi32, #tpu.memory_space<vmem>>
      %dma_start3A_66 = arith.constant 0 : i32
      %dma_start3A_67 = arith.constant 0 : i32
      %dma_start3A_68 = tpu.memref_slice %arg5[%dma_start3A_66, %dma_start3A_67] : memref<10240x128xf32, #tpu.memory_space<vmem_shared>> -> memref<10240x128xf32, #tpu.memory_space<vmem_shared>>
      tpu.enqueue_indirect_dma source(%arg7 : memref<128x128xf32, #tpu.memory_space<vmem>>) target(%dma_start3A_68 : memref<10240x128xf32, #tpu.memory_space<vmem_shared>>) offsets(%dma_start3A_65 : memref<128xi32, #tpu.memory_space<vmem>>) semaphore(%arg9 : memref<!tpu.dma_semaphore, #tpu.memory_space<semaphore_mem>>) {add = true}
    }
    %scan3A_18 = arith.constant 40 : i32
    %dma_wait3A = arith.constant 78 : i32
    %dma_wait3A_19 = arith.constant 0 : i32
    %dma_wait3A_20 = tpu.memref_slice %arg6[%dma_wait3A, %dma_wait3A_19] : memref<80x128xi32, #tpu.memory_space<vmem>> -> memref<1x128xi32, #tpu.memory_space<vmem>>
    %dma_wait3A_21 = tpu.memref_squeeze %dma_wait3A_20 : memref<1x128xi32, #tpu.memory_space<vmem>> -> memref<128xi32, #tpu.memory_space<vmem>>
    %dma_wait3A_22 = arith.constant 0 : i32
    %dma_wait3A_23 = arith.constant 0 : i32
    %dma_wait3A_24 = tpu.memref_slice %arg5[%dma_wait3A_22, %dma_wait3A_23] : memref<10240x128xf32, #tpu.memory_space<vmem_shared>> -> memref<10240x128xf32, #tpu.memory_space<vmem_shared>>
    tpu.wait_indirect_dma semaphore(%arg8 : memref<!tpu.dma_semaphore, #tpu.memory_space<semaphore_mem>>) src(%arg7 : memref<128x128xf32, #tpu.memory_space<vmem>>) dst(%dma_wait3A_24 : memref<10240x128xf32, #tpu.memory_space<vmem_shared>>)
    %dma_wait3A_25 = arith.constant 79 : i32
    %dma_wait3A_26 = arith.constant 0 : i32
    %dma_wait3A_27 = tpu.memref_slice %arg6[%dma_wait3A_25, %dma_wait3A_26] : memref<80x128xi32, #tpu.memory_space<vmem>> -> memref<1x128xi32, #tpu.memory_space<vmem>>
    %dma_wait3A_28 = tpu.memref_squeeze %dma_wait3A_27 : memref<1x128xi32, #tpu.memory_space<vmem>> -> memref<128xi32, #tpu.memory_space<vmem>>
    %dma_wait3A_29 = arith.constant 0 : i32
    %dma_wait3A_30 = arith.constant 0 : i32
    %dma_wait3A_31 = tpu.memref_slice %arg5[%dma_wait3A_29, %dma_wait3A_30] : memref<10240x128xf32, #tpu.memory_space<vmem_shared>> -> memref<10240x128xf32, #tpu.memory_space<vmem_shared>>
    tpu.wait_indirect_dma semaphore(%arg9 : memref<!tpu.dma_semaphore, #tpu.memory_space<semaphore_mem>>) src(%arg7 : memref<128x128xf32, #tpu.memory_space<vmem>>) dst(%dma_wait3A_31 : memref<10240x128xf32, #tpu.memory_space<vmem_shared>>)
    %barrier3A_32 = arith.constant 0 : index
    tpu.barrier barrier_id(%barrier3A_32)
    %scan3A_33 = arith.constant 0 : i32
    %scan3A_34 = arith.constant 5 : i32
    %scan3A_35 = arith.addi %scan3A_33, %scan3A_34 : i32
    %scan3A_36 = arith.constant 1 : i32
    scf.for %scan3A_38 = %scan3A_33 to %scan3A_35 step %scan3A_36  : i32 {
      %mul3A_39 = arith.constant 1 : i32
      %mul3A_40 = arith.muli %scan3A_38, %mul3A_39 : i32
      %add3A_41 = arith.constant 0 : i32
      %add3A_42 = arith.addi %add3A_41, %mul3A_40 : i32
      %mul3A_43 = arith.constant 128 : i32
      %mul3A_44 = arith.muli %add3A_42, %mul3A_43 : i32
      %add3A_45 = arith.addi %mul3A_4, %mul3A_44 : i32
      "tpu.region"() ({
        %run_scoped3A = tpu.sem_alloc : memref<!tpu.dma_semaphore, #tpu.memory_space<semaphore_mem>>
        %dma_start3A = arith.constant 0 : i32
        %dma_start3A_46 = tpu.memref_slice %arg4[%arg0, %add3A_45, %dma_start3A] : memref<2x10240x128xf32, #tpu.memory_space<hbm>> -> memref<1x128x128xf32, #tpu.memory_space<hbm>>
        %dma_start3A_47 = tpu.memref_squeeze %dma_start3A_46 : memref<1x128x128xf32, #tpu.memory_space<hbm>> -> memref<128x128xf32, #tpu.memory_space<hbm>>
        %dma_start3A_48 = arith.constant 0 : i32
        %dma_start3A_49 = tpu.memref_slice %arg5[%add3A_45, %dma_start3A_48] : memref<10240x128xf32, #tpu.memory_space<vmem_shared>> -> memref<128x128xf32, #tpu.memory_space<vmem_shared>>
        tpu.enqueue_dma source(%dma_start3A_49 : memref<128x128xf32, #tpu.memory_space<vmem_shared>>) target(%dma_start3A_47 : memref<128x128xf32, #tpu.memory_space<hbm>>) target_semaphore(%run_scoped3A : memref<!tpu.dma_semaphore, #tpu.memory_space<semaphore_mem>>)
        %dma_wait3A_50 = arith.constant 0 : i32
        %dma_wait3A_51 = tpu.memref_slice %arg4[%arg0, %add3A_45, %dma_wait3A_50] : memref<2x10240x128xf32, #tpu.memory_space<hbm>> -> memref<1x128x128xf32, #tpu.memory_space<hbm>>
        %dma_wait3A_52 = tpu.memref_squeeze %dma_wait3A_51 : memref<1x128x128xf32, #tpu.memory_space<hbm>> -> memref<128x128xf32, #tpu.memory_space<hbm>>
        %dma_wait3A_53 = arith.constant 0 : i32
        %dma_wait3A_54 = tpu.memref_slice %arg5[%add3A_45, %dma_wait3A_53] : memref<10240x128xf32, #tpu.memory_space<vmem_shared>> -> memref<128x128xf32, #tpu.memory_space<vmem_shared>>
        tpu.wait_dma2 semaphore(%run_scoped3A : memref<!tpu.dma_semaphore, #tpu.memory_space<semaphore_mem>>) src(%dma_wait3A_54 : memref<128x128xf32, #tpu.memory_space<vmem_shared>>) dst(%dma_wait3A_52 : memref<128x128xf32, #tpu.memory_space<hbm>>)
        tpu.yield
      }) : () -> ()
    }
    %scan3A_37 = arith.constant 5 : i32
    return
  }
}

#map = affine_map<(d0, d1) -> (0, 0)>
#map1 = affine_map<(d0, d1) -> (0, 0, 0)>
module attributes {stable_mosaic.version = 14 : i64} {
  func.func @k(%arg0: i32, %arg1: i32, %arg2: memref<10000x128xf32, #tpu.memory_space<hbm>>, %arg3: memref<2560x128xi32, #tpu.memory_space<hbm>>, %arg4: memref<2560x128xi32, #tpu.memory_space<hbm>>, %arg5: memref<2x10240x128xf32, #tpu.memory_space<hbm>>, %arg6: memref<10240x128xf32, #tpu.memory_space<vmem_shared>>, %arg7: memref<40x128xi32, #tpu.memory_space<vmem>>, %arg8: memref<40x128xi32, #tpu.memory_space<vmem>>, %arg9: memref<128x128xf32, #tpu.memory_space<vmem>>, %arg10: memref<128x128xf32, #tpu.memory_space<vmem>>, %arg11: memref<!tpu.dma_semaphore, #tpu.memory_space<semaphore_mem>>, %arg12: memref<!tpu.dma_semaphore, #tpu.memory_space<semaphore_mem>>, %arg13: memref<!tpu.dma_semaphore, #tpu.memory_space<semaphore_mem>>, %arg14: memref<!tpu.dma_semaphore, #tpu.memory_space<semaphore_mem>>) attributes {dimension_semantics = [#tpu.dimension_semantics<core_parallel>, #tpu.dimension_semantics<subcore_parallel>], iteration_bounds = array<i64: 2, 16>, scalar_prefetch = 0 : i64, scratch_operands = 9 : i64, tpu.core_type = #tpu.core_type<sc_vector_subcore>, window_params = [{transform_indices = #map}, {transform_indices = #map}, {transform_indices = #map}, {transform_indices = #map1}]} {
    %scan3A = arith.constant 0 : i32
    %scan3A_0 = arith.constant 128 : i32
    %scan3A_1 = arith.addi %scan3A, %scan3A_0 : i32
    %scan3A_2 = arith.constant 1 : i32
    scf.for %scan3A_64 = %scan3A to %scan3A_1 step %scan3A_2  : i32 {
      %mul3A_65 = arith.constant 1 : i32
      %mul3A_66 = arith.muli %scan3A_64, %mul3A_65 : i32
      %add3A_67 = arith.constant 0 : i32
      %add3A_68 = arith.addi %add3A_67, %mul3A_66 : i32
      %scan3A_69 = arith.constant 0 : i32
      %scan3A_70 = arith.constant 8 : i32
      %scan3A_71 = arith.addi %scan3A_69, %scan3A_70 : i32
      %scan3A_72 = arith.constant 1 : i32
      scf.for %scan3A_74 = %scan3A_69 to %scan3A_71 step %scan3A_72  : i32 {
        %mul3A_75 = arith.constant 16 : i32
        %mul3A_76 = arith.muli %scan3A_74, %mul3A_75 : i32
        %add3A_77 = arith.constant 0 : i32
        %add3A_78 = arith.addi %add3A_77, %mul3A_76 : i32
        %broadcast_in_dim3A = arith.constant 0.000000e+00 : f32
        %broadcast_in_dim3A_79 = vector.broadcast %broadcast_in_dim3A : f32 to vector<16xf32>
        %swap3A = arith.index_cast %add3A_68 : i32 to index
        %swap3A_80 = arith.index_cast %add3A_78 : i32 to index
        %swap3A_81 = tpu.vector_load %arg9[%swap3A, %swap3A_80] {strides = array<i32>} : memref<128x128xf32, #tpu.memory_space<vmem>>, vector<1x16xf32>,
        %swap3A_82 = vector.shape_cast %swap3A_81 : vector<1x16xf32> to vector<16xf32>
        %swap3A_83 = vector.shape_cast %broadcast_in_dim3A_79 : vector<16xf32> to vector<1x16xf32>
        tpu.vector_store %arg9[%swap3A, %swap3A_80], %swap3A_83 {strides = array<i32>} : memref<128x128xf32, #tpu.memory_space<vmem>>, vector<1x16xf32>,
      }
      %scan3A_73 = arith.constant 8 : i32
    }
    %scan3A_3 = arith.constant 128 : i32
    %mul3A = arith.constant 640 : i32
    %mul3A_4 = arith.muli %arg1, %mul3A : i32
    %scan3A_5 = arith.constant 0 : i32
    %scan3A_6 = arith.constant 5 : i32
    %scan3A_7 = arith.addi %scan3A_5, %scan3A_6 : i32
    %scan3A_8 = arith.constant 1 : i32
    scf.for %scan3A_64 = %scan3A_5 to %scan3A_7 step %scan3A_8  : i32 {
      %mul3A_65 = arith.constant 1 : i32
      %mul3A_66 = arith.muli %scan3A_64, %mul3A_65 : i32
      %add3A_67 = arith.constant 0 : i32
      %add3A_68 = arith.addi %add3A_67, %mul3A_66 : i32
      %mul3A_69 = arith.constant 128 : i32
      %mul3A_70 = arith.muli %add3A_68, %mul3A_69 : i32
      %add3A_71 = arith.addi %mul3A_4, %mul3A_70 : i32
      "tpu.region"() ({
        %run_scoped3A = tpu.sem_alloc : memref<!tpu.dma_semaphore, #tpu.memory_space<semaphore_mem>>
        %dma_start3A_72 = arith.constant 0 : i32
        %dma_start3A_73 = tpu.memref_slice %arg6[%add3A_71, %dma_start3A_72] : memref<10240x128xf32, #tpu.memory_space<vmem_shared>> -> memref<128x128xf32, #tpu.memory_space<vmem_shared>>
        %dma_start3A_74 = arith.constant 0 : i32
        %dma_start3A_75 = tpu.memref_slice %arg6[%add3A_71, %dma_start3A_74] : memref<10240x128xf32, #tpu.memory_space<vmem_shared>> -> memref<128x128xf32, #tpu.memory_space<vmem_shared>>
        tpu.enqueue_dma source(%arg9 : memref<128x128xf32, #tpu.memory_space<vmem>>) target(%dma_start3A_75 : memref<128x128xf32, #tpu.memory_space<vmem_shared>>) target_semaphore(%run_scoped3A : memref<!tpu.dma_semaphore, #tpu.memory_space<semaphore_mem>>)
        %dma_wait3A_76 = arith.constant 0 : i32
        %dma_wait3A_77 = tpu.memref_slice %arg6[%add3A_71, %dma_wait3A_76] : memref<10240x128xf32, #tpu.memory_space<vmem_shared>> -> memref<128x128xf32, #tpu.memory_space<vmem_shared>>
        %dma_wait3A_78 = arith.constant 0 : i32
        %dma_wait3A_79 = tpu.memref_slice %arg6[%add3A_71, %dma_wait3A_78] : memref<10240x128xf32, #tpu.memory_space<vmem_shared>> -> memref<128x128xf32, #tpu.memory_space<vmem_shared>>
        tpu.wait_dma2 semaphore(%run_scoped3A : memref<!tpu.dma_semaphore, #tpu.memory_space<semaphore_mem>>) src(%arg9 : memref<128x128xf32, #tpu.memory_space<vmem>>) dst(%dma_wait3A_79 : memref<128x128xf32, #tpu.memory_space<vmem_shared>>)
        tpu.yield
      }) : () -> ()
    }
    %scan3A_9 = arith.constant 5 : i32
    %mul3A_10 = arith.constant 16 : i32
    %mul3A_11 = arith.muli %arg0, %mul3A_10 : i32
    %add3A = arith.addi %mul3A_11, %arg1 : i32
    %mul3A_12 = arith.constant 80 : i32
    %mul3A_13 = arith.muli %add3A, %mul3A_12 : i32
    %barrier3A = arith.constant 0 : index
    tpu.barrier barrier_id(%barrier3A)
    %add3A_14 = arith.constant 0 : i32
    %add3A_15 = arith.addi %mul3A_13, %add3A_14 : i32
    "tpu.region"() ({
      %run_scoped3A = tpu.sem_alloc : memref<!tpu.dma_semaphore, #tpu.memory_space<semaphore_mem>>
      %dma_start3A_64 = arith.constant 0 : i32
      %dma_start3A_65 = tpu.memref_slice %arg3[%add3A_15, %dma_start3A_64] : memref<2560x128xi32, #tpu.memory_space<hbm>> -> memref<40x128xi32, #tpu.memory_space<hbm>>
      %dma_start3A_66 = arith.constant 0 : i32
      %dma_start3A_67 = tpu.memref_slice %arg3[%add3A_15, %dma_start3A_66] : memref<2560x128xi32, #tpu.memory_space<hbm>> -> memref<40x128xi32, #tpu.memory_space<hbm>>
      tpu.enqueue_dma source(%dma_start3A_67 : memref<40x128xi32, #tpu.memory_space<hbm>>) target(%arg7 : memref<40x128xi32, #tpu.memory_space<vmem>>) target_semaphore(%run_scoped3A : memref<!tpu.dma_semaphore, #tpu.memory_space<semaphore_mem>>)
      %dma_wait3A_68 = arith.constant 0 : i32
      %dma_wait3A_69 = tpu.memref_slice %arg3[%add3A_15, %dma_wait3A_68] : memref<2560x128xi32, #tpu.memory_space<hbm>> -> memref<40x128xi32, #tpu.memory_space<hbm>>
      %dma_wait3A_70 = arith.constant 0 : i32
      %dma_wait3A_71 = tpu.memref_slice %arg3[%add3A_15, %dma_wait3A_70] : memref<2560x128xi32, #tpu.memory_space<hbm>> -> memref<40x128xi32, #tpu.memory_space<hbm>>
      tpu.wait_dma2 semaphore(%run_scoped3A : memref<!tpu.dma_semaphore, #tpu.memory_space<semaphore_mem>>) src(%dma_wait3A_71 : memref<40x128xi32, #tpu.memory_space<hbm>>) dst(%arg7 : memref<40x128xi32, #tpu.memory_space<vmem>>)
      tpu.yield
    }) : () -> ()
    %add3A_16 = arith.constant 0 : i32
    %add3A_17 = arith.addi %mul3A_13, %add3A_16 : i32
    "tpu.region"() ({
      %run_scoped3A = tpu.sem_alloc : memref<!tpu.dma_semaphore, #tpu.memory_space<semaphore_mem>>
      %dma_start3A_64 = arith.constant 0 : i32
      %dma_start3A_65 = tpu.memref_slice %arg4[%add3A_17, %dma_start3A_64] : memref<2560x128xi32, #tpu.memory_space<hbm>> -> memref<40x128xi32, #tpu.memory_space<hbm>>
      %dma_start3A_66 = arith.constant 0 : i32
      %dma_start3A_67 = tpu.memref_slice %arg4[%add3A_17, %dma_start3A_66] : memref<2560x128xi32, #tpu.memory_space<hbm>> -> memref<40x128xi32, #tpu.memory_space<hbm>>
      tpu.enqueue_dma source(%dma_start3A_67 : memref<40x128xi32, #tpu.memory_space<hbm>>) target(%arg8 : memref<40x128xi32, #tpu.memory_space<vmem>>) target_semaphore(%run_scoped3A : memref<!tpu.dma_semaphore, #tpu.memory_space<semaphore_mem>>)
      %dma_wait3A_68 = arith.constant 0 : i32
      %dma_wait3A_69 = tpu.memref_slice %arg4[%add3A_17, %dma_wait3A_68] : memref<2560x128xi32, #tpu.memory_space<hbm>> -> memref<40x128xi32, #tpu.memory_space<hbm>>
      %dma_wait3A_70 = arith.constant 0 : i32
      %dma_wait3A_71 = tpu.memref_slice %arg4[%add3A_17, %dma_wait3A_70] : memref<2560x128xi32, #tpu.memory_space<hbm>> -> memref<40x128xi32, #tpu.memory_space<hbm>>
      tpu.wait_dma2 semaphore(%run_scoped3A : memref<!tpu.dma_semaphore, #tpu.memory_space<semaphore_mem>>) src(%dma_wait3A_71 : memref<40x128xi32, #tpu.memory_space<hbm>>) dst(%arg8 : memref<40x128xi32, #tpu.memory_space<vmem>>)
      tpu.yield
    }) : () -> ()
    %dma_start3A = arith.constant 0 : i32
    %dma_start3A_18 = arith.constant 0 : i32
    %dma_start3A_19 = tpu.memref_slice %arg7[%dma_start3A, %dma_start3A_18] : memref<40x128xi32, #tpu.memory_space<vmem>> -> memref<1x128xi32, #tpu.memory_space<vmem>>
    %dma_start3A_20 = tpu.memref_squeeze %dma_start3A_19 : memref<1x128xi32, #tpu.memory_space<vmem>> -> memref<128xi32, #tpu.memory_space<vmem>>
    %dma_start3A_21 = arith.constant 0 : i32
    %dma_start3A_22 = arith.constant 0 : i32
    %dma_start3A_23 = tpu.memref_slice %arg2[%dma_start3A_21, %dma_start3A_22] : memref<10000x128xf32, #tpu.memory_space<hbm>> -> memref<10000x128xf32, #tpu.memory_space<hbm>>
    tpu.enqueue_indirect_dma source(%dma_start3A_23 : memref<10000x128xf32, #tpu.memory_space<hbm>>) target(%arg9 : memref<128x128xf32, #tpu.memory_space<vmem>>) offsets(%dma_start3A_20 : memref<128xi32, #tpu.memory_space<vmem>>) semaphore(%arg11 : memref<!tpu.dma_semaphore, #tpu.memory_space<semaphore_mem>>)
    %scan3A_24 = arith.constant 0 : i32
    %scan3A_25 = arith.constant 20 : i32
    %scan3A_26 = arith.addi %scan3A_24, %scan3A_25 : i32
    %scan3A_27 = arith.constant 1 : i32
    scf.for %scan3A_64 = %scan3A_24 to %scan3A_26 step %scan3A_27  : i32 {
      %mul3A_65 = arith.constant 1 : i32
      %mul3A_66 = arith.muli %scan3A_64, %mul3A_65 : i32
      %add3A_67 = arith.constant 0 : i32
      %add3A_68 = arith.addi %add3A_67, %mul3A_66 : i32
      %mul3A_69 = arith.constant 2 : i32
      %mul3A_70 = arith.muli %mul3A_69, %add3A_68 : i32
      %add3A_71 = arith.constant 0 : i32
      %add3A_72 = arith.addi %mul3A_70, %add3A_71 : i32
      %ge3A = arith.constant 1 : i32
      %ge3A_73 = arith.cmpi sge, %add3A_72, %ge3A : i32
      %convert_element_type3A = arith.extui %ge3A_73 : i1 to i32
      %cond3A = arith.constant 0 : i32
      %cond3A_74 = arith.cmpi ne, %convert_element_type3A, %cond3A : i32
      scf.if %cond3A_74 {
        %sub3A = arith.constant 1 : i32
        %sub3A_121 = arith.subi %add3A_72, %sub3A : i32
        %dma_wait3A_122 = arith.constant 0 : i32
        %dma_wait3A_123 = tpu.memref_slice %arg8[%sub3A_121, %dma_wait3A_122] : memref<40x128xi32, #tpu.memory_space<vmem>> -> memref<1x128xi32, #tpu.memory_space<vmem>>
        %dma_wait3A_124 = tpu.memref_squeeze %dma_wait3A_123 : memref<1x128xi32, #tpu.memory_space<vmem>> -> memref<128xi32, #tpu.memory_space<vmem>>
        %dma_wait3A_125 = arith.constant 0 : i32
        %dma_wait3A_126 = arith.constant 0 : i32
        %dma_wait3A_127 = tpu.memref_slice %arg6[%dma_wait3A_125, %dma_wait3A_126] : memref<10240x128xf32, #tpu.memory_space<vmem_shared>> -> memref<10240x128xf32, #tpu.memory_space<vmem_shared>>
        tpu.wait_indirect_dma semaphore(%arg14 : memref<!tpu.dma_semaphore, #tpu.memory_space<semaphore_mem>>) src(%arg10 : memref<128x128xf32, #tpu.memory_space<vmem>>) dst(%dma_wait3A_127 : memref<10240x128xf32, #tpu.memory_space<vmem_shared>>)
      } else {
      }
      %add3A_75 = arith.constant 1 : i32
      %add3A_76 = arith.addi %add3A_72, %add3A_75 : i32
      %lt3A = arith.constant 40 : i32
      %lt3A_77 = arith.cmpi slt, %add3A_76, %lt3A : i32
      %convert_element_type3A_78 = arith.extui %lt3A_77 : i1 to i32
      %cond3A_79 = arith.constant 0 : i32
      %cond3A_80 = arith.cmpi ne, %convert_element_type3A_78, %cond3A_79 : i32
      scf.if %cond3A_80 {
        %add3A_121 = arith.constant 1 : i32
        %add3A_122 = arith.addi %add3A_72, %add3A_121 : i32
        %dma_start3A_123 = arith.constant 0 : i32
        %dma_start3A_124 = tpu.memref_slice %arg7[%add3A_122, %dma_start3A_123] : memref<40x128xi32, #tpu.memory_space<vmem>> -> memref<1x128xi32, #tpu.memory_space<vmem>>
        %dma_start3A_125 = tpu.memref_squeeze %dma_start3A_124 : memref<1x128xi32, #tpu.memory_space<vmem>> -> memref<128xi32, #tpu.memory_space<vmem>>
        %dma_start3A_126 = arith.constant 0 : i32
        %dma_start3A_127 = arith.constant 0 : i32
        %dma_start3A_128 = tpu.memref_slice %arg2[%dma_start3A_126, %dma_start3A_127] : memref<10000x128xf32, #tpu.memory_space<hbm>> -> memref<10000x128xf32, #tpu.memory_space<hbm>>
        tpu.enqueue_indirect_dma source(%dma_start3A_128 : memref<10000x128xf32, #tpu.memory_space<hbm>>) target(%arg10 : memref<128x128xf32, #tpu.memory_space<vmem>>) offsets(%dma_start3A_125 : memref<128xi32, #tpu.memory_space<vmem>>) semaphore(%arg12 : memref<!tpu.dma_semaphore, #tpu.memory_space<semaphore_mem>>)
      } else {
      }
      %dma_wait3A_81 = arith.constant 0 : i32
      %dma_wait3A_82 = tpu.memref_slice %arg7[%add3A_72, %dma_wait3A_81] : memref<40x128xi32, #tpu.memory_space<vmem>> -> memref<1x128xi32, #tpu.memory_space<vmem>>
      %dma_wait3A_83 = tpu.memref_squeeze %dma_wait3A_82 : memref<1x128xi32, #tpu.memory_space<vmem>> -> memref<128xi32, #tpu.memory_space<vmem>>
      %dma_wait3A_84 = arith.constant 0 : i32
      %dma_wait3A_85 = arith.constant 0 : i32
      %dma_wait3A_86 = tpu.memref_slice %arg2[%dma_wait3A_84, %dma_wait3A_85] : memref<10000x128xf32, #tpu.memory_space<hbm>> -> memref<10000x128xf32, #tpu.memory_space<hbm>>
      tpu.wait_indirect_dma semaphore(%arg11 : memref<!tpu.dma_semaphore, #tpu.memory_space<semaphore_mem>>) src(%dma_wait3A_86 : memref<10000x128xf32, #tpu.memory_space<hbm>>) dst(%arg9 : memref<128x128xf32, #tpu.memory_space<vmem>>)
      %dma_start3A_87 = arith.constant 0 : i32
      %dma_start3A_88 = tpu.memref_slice %arg8[%add3A_72, %dma_start3A_87] : memref<40x128xi32, #tpu.memory_space<vmem>> -> memref<1x128xi32, #tpu.memory_space<vmem>>
      %dma_start3A_89 = tpu.memref_squeeze %dma_start3A_88 : memref<1x128xi32, #tpu.memory_space<vmem>> -> memref<128xi32, #tpu.memory_space<vmem>>
      %dma_start3A_90 = arith.constant 0 : i32
      %dma_start3A_91 = arith.constant 0 : i32
      %dma_start3A_92 = tpu.memref_slice %arg6[%dma_start3A_90, %dma_start3A_91] : memref<10240x128xf32, #tpu.memory_space<vmem_shared>> -> memref<10240x128xf32, #tpu.memory_space<vmem_shared>>
      tpu.enqueue_indirect_dma source(%arg9 : memref<128x128xf32, #tpu.memory_space<vmem>>) target(%dma_start3A_92 : memref<10240x128xf32, #tpu.memory_space<vmem_shared>>) offsets(%dma_start3A_89 : memref<128xi32, #tpu.memory_space<vmem>>) semaphore(%arg13 : memref<!tpu.dma_semaphore, #tpu.memory_space<semaphore_mem>>) {add = true}
      %mul3A_93 = arith.constant 2 : i32
      %mul3A_94 = arith.muli %mul3A_93, %add3A_68 : i32
      %add3A_95 = arith.constant 1 : i32
      %add3A_96 = arith.addi %mul3A_94, %add3A_95 : i32
      %ge3A_97 = arith.constant 1 : i32
      %ge3A_98 = arith.cmpi sge, %add3A_96, %ge3A_97 : i32
      %convert_element_type3A_99 = arith.extui %ge3A_98 : i1 to i32
      %cond3A_100 = arith.constant 0 : i32
      %cond3A_101 = arith.cmpi ne, %convert_element_type3A_99, %cond3A_100 : i32
      scf.if %cond3A_101 {
        %sub3A = arith.constant 1 : i32
        %sub3A_121 = arith.subi %add3A_96, %sub3A : i32
        %dma_wait3A_122 = arith.constant 0 : i32
        %dma_wait3A_123 = tpu.memref_slice %arg8[%sub3A_121, %dma_wait3A_122] : memref<40x128xi32, #tpu.memory_space<vmem>> -> memref<1x128xi32, #tpu.memory_space<vmem>>
        %dma_wait3A_124 = tpu.memref_squeeze %dma_wait3A_123 : memref<1x128xi32, #tpu.memory_space<vmem>> -> memref<128xi32, #tpu.memory_space<vmem>>
        %dma_wait3A_125 = arith.constant 0 : i32
        %dma_wait3A_126 = arith.constant 0 : i32
        %dma_wait3A_127 = tpu.memref_slice %arg6[%dma_wait3A_125, %dma_wait3A_126] : memref<10240x128xf32, #tpu.memory_space<vmem_shared>> -> memref<10240x128xf32, #tpu.memory_space<vmem_shared>>
        tpu.wait_indirect_dma semaphore(%arg13 : memref<!tpu.dma_semaphore, #tpu.memory_space<semaphore_mem>>) src(%arg9 : memref<128x128xf32, #tpu.memory_space<vmem>>) dst(%dma_wait3A_127 : memref<10240x128xf32, #tpu.memory_space<vmem_shared>>)
      } else {
      }
      %add3A_102 = arith.constant 1 : i32
      %add3A_103 = arith.addi %add3A_96, %add3A_102 : i32
      %lt3A_104 = arith.constant 40 : i32
      %lt3A_105 = arith.cmpi slt, %add3A_103, %lt3A_104 : i32
      %convert_element_type3A_106 = arith.extui %lt3A_105 : i1 to i32
      %cond3A_107 = arith.constant 0 : i32
      %cond3A_108 = arith.cmpi ne, %convert_element_type3A_106, %cond3A_107 : i32
      scf.if %cond3A_108 {
        %add3A_121 = arith.constant 1 : i32
        %add3A_122 = arith.addi %add3A_96, %add3A_121 : i32
        %dma_start3A_123 = arith.constant 0 : i32
        %dma_start3A_124 = tpu.memref_slice %arg7[%add3A_122, %dma_start3A_123] : memref<40x128xi32, #tpu.memory_space<vmem>> -> memref<1x128xi32, #tpu.memory_space<vmem>>
        %dma_start3A_125 = tpu.memref_squeeze %dma_start3A_124 : memref<1x128xi32, #tpu.memory_space<vmem>> -> memref<128xi32, #tpu.memory_space<vmem>>
        %dma_start3A_126 = arith.constant 0 : i32
        %dma_start3A_127 = arith.constant 0 : i32
        %dma_start3A_128 = tpu.memref_slice %arg2[%dma_start3A_126, %dma_start3A_127] : memref<10000x128xf32, #tpu.memory_space<hbm>> -> memref<10000x128xf32, #tpu.memory_space<hbm>>
        tpu.enqueue_indirect_dma source(%dma_start3A_128 : memref<10000x128xf32, #tpu.memory_space<hbm>>) target(%arg9 : memref<128x128xf32, #tpu.memory_space<vmem>>) offsets(%dma_start3A_125 : memref<128xi32, #tpu.memory_space<vmem>>) semaphore(%arg11 : memref<!tpu.dma_semaphore, #tpu.memory_space<semaphore_mem>>)
      } else {
      }
      %dma_wait3A_109 = arith.constant 0 : i32
      %dma_wait3A_110 = tpu.memref_slice %arg7[%add3A_96, %dma_wait3A_109] : memref<40x128xi32, #tpu.memory_space<vmem>> -> memref<1x128xi32, #tpu.memory_space<vmem>>
      %dma_wait3A_111 = tpu.memref_squeeze %dma_wait3A_110 : memref<1x128xi32, #tpu.memory_space<vmem>> -> memref<128xi32, #tpu.memory_space<vmem>>
      %dma_wait3A_112 = arith.constant 0 : i32
      %dma_wait3A_113 = arith.constant 0 : i32
      %dma_wait3A_114 = tpu.memref_slice %arg2[%dma_wait3A_112, %dma_wait3A_113] : memref<10000x128xf32, #tpu.memory_space<hbm>> -> memref<10000x128xf32, #tpu.memory_space<hbm>>
      tpu.wait_indirect_dma semaphore(%arg12 : memref<!tpu.dma_semaphore, #tpu.memory_space<semaphore_mem>>) src(%dma_wait3A_114 : memref<10000x128xf32, #tpu.memory_space<hbm>>) dst(%arg10 : memref<128x128xf32, #tpu.memory_space<vmem>>)
      %dma_start3A_115 = arith.constant 0 : i32
      %dma_start3A_116 = tpu.memref_slice %arg8[%add3A_96, %dma_start3A_115] : memref<40x128xi32, #tpu.memory_space<vmem>> -> memref<1x128xi32, #tpu.memory_space<vmem>>
      %dma_start3A_117 = tpu.memref_squeeze %dma_start3A_116 : memref<1x128xi32, #tpu.memory_space<vmem>> -> memref<128xi32, #tpu.memory_space<vmem>>
      %dma_start3A_118 = arith.constant 0 : i32
      %dma_start3A_119 = arith.constant 0 : i32
      %dma_start3A_120 = tpu.memref_slice %arg6[%dma_start3A_118, %dma_start3A_119] : memref<10240x128xf32, #tpu.memory_space<vmem_shared>> -> memref<10240x128xf32, #tpu.memory_space<vmem_shared>>
      tpu.enqueue_indirect_dma source(%arg10 : memref<128x128xf32, #tpu.memory_space<vmem>>) target(%dma_start3A_120 : memref<10240x128xf32, #tpu.memory_space<vmem_shared>>) offsets(%dma_start3A_117 : memref<128xi32, #tpu.memory_space<vmem>>) semaphore(%arg14 : memref<!tpu.dma_semaphore, #tpu.memory_space<semaphore_mem>>) {add = true}
    }
    %scan3A_28 = arith.constant 20 : i32
    %dma_wait3A = arith.constant 39 : i32
    %dma_wait3A_29 = arith.constant 0 : i32
    %dma_wait3A_30 = tpu.memref_slice %arg8[%dma_wait3A, %dma_wait3A_29] : memref<40x128xi32, #tpu.memory_space<vmem>> -> memref<1x128xi32, #tpu.memory_space<vmem>>
    %dma_wait3A_31 = tpu.memref_squeeze %dma_wait3A_30 : memref<1x128xi32, #tpu.memory_space<vmem>> -> memref<128xi32, #tpu.memory_space<vmem>>
    %dma_wait3A_32 = arith.constant 0 : i32
    %dma_wait3A_33 = arith.constant 0 : i32
    %dma_wait3A_34 = tpu.memref_slice %arg6[%dma_wait3A_32, %dma_wait3A_33] : memref<10240x128xf32, #tpu.memory_space<vmem_shared>> -> memref<10240x128xf32, #tpu.memory_space<vmem_shared>>
    tpu.wait_indirect_dma semaphore(%arg14 : memref<!tpu.dma_semaphore, #tpu.memory_space<semaphore_mem>>) src(%arg10 : memref<128x128xf32, #tpu.memory_space<vmem>>) dst(%dma_wait3A_34 : memref<10240x128xf32, #tpu.memory_space<vmem_shared>>)
    %add3A_35 = arith.constant 40 : i32
    %add3A_36 = arith.addi %mul3A_13, %add3A_35 : i32
    "tpu.region"() ({
      %run_scoped3A = tpu.sem_alloc : memref<!tpu.dma_semaphore, #tpu.memory_space<semaphore_mem>>
      %dma_start3A_64 = arith.constant 0 : i32
      %dma_start3A_65 = tpu.memref_slice %arg3[%add3A_36, %dma_start3A_64] : memref<2560x128xi32, #tpu.memory_space<hbm>> -> memref<40x128xi32, #tpu.memory_space<hbm>>
      %dma_start3A_66 = arith.constant 0 : i32
      %dma_start3A_67 = tpu.memref_slice %arg3[%add3A_36, %dma_start3A_66] : memref<2560x128xi32, #tpu.memory_space<hbm>> -> memref<40x128xi32, #tpu.memory_space<hbm>>
      tpu.enqueue_dma source(%dma_start3A_67 : memref<40x128xi32, #tpu.memory_space<hbm>>) target(%arg7 : memref<40x128xi32, #tpu.memory_space<vmem>>) target_semaphore(%run_scoped3A : memref<!tpu.dma_semaphore, #tpu.memory_space<semaphore_mem>>)
      %dma_wait3A_68 = arith.constant 0 : i32
      %dma_wait3A_69 = tpu.memref_slice %arg3[%add3A_36, %dma_wait3A_68] : memref<2560x128xi32, #tpu.memory_space<hbm>> -> memref<40x128xi32, #tpu.memory_space<hbm>>
      %dma_wait3A_70 = arith.constant 0 : i32
      %dma_wait3A_71 = tpu.memref_slice %arg3[%add3A_36, %dma_wait3A_70] : memref<2560x128xi32, #tpu.memory_space<hbm>> -> memref<40x128xi32, #tpu.memory_space<hbm>>
      tpu.wait_dma2 semaphore(%run_scoped3A : memref<!tpu.dma_semaphore, #tpu.memory_space<semaphore_mem>>) src(%dma_wait3A_71 : memref<40x128xi32, #tpu.memory_space<hbm>>) dst(%arg7 : memref<40x128xi32, #tpu.memory_space<vmem>>)
      tpu.yield
    }) : () -> ()
    %add3A_37 = arith.constant 40 : i32
    %add3A_38 = arith.addi %mul3A_13, %add3A_37 : i32
    "tpu.region"() ({
      %run_scoped3A = tpu.sem_alloc : memref<!tpu.dma_semaphore, #tpu.memory_space<semaphore_mem>>
      %dma_start3A_64 = arith.constant 0 : i32
      %dma_start3A_65 = tpu.memref_slice %arg4[%add3A_38, %dma_start3A_64] : memref<2560x128xi32, #tpu.memory_space<hbm>> -> memref<40x128xi32, #tpu.memory_space<hbm>>
      %dma_start3A_66 = arith.constant 0 : i32
      %dma_start3A_67 = tpu.memref_slice %arg4[%add3A_38, %dma_start3A_66] : memref<2560x128xi32, #tpu.memory_space<hbm>> -> memref<40x128xi32, #tpu.memory_space<hbm>>
      tpu.enqueue_dma source(%dma_start3A_67 : memref<40x128xi32, #tpu.memory_space<hbm>>) target(%arg8 : memref<40x128xi32, #tpu.memory_space<vmem>>) target_semaphore(%run_scoped3A : memref<!tpu.dma_semaphore, #tpu.memory_space<semaphore_mem>>)
      %dma_wait3A_68 = arith.constant 0 : i32
      %dma_wait3A_69 = tpu.memref_slice %arg4[%add3A_38, %dma_wait3A_68] : memref<2560x128xi32, #tpu.memory_space<hbm>> -> memref<40x128xi32, #tpu.memory_space<hbm>>
      %dma_wait3A_70 = arith.constant 0 : i32
      %dma_wait3A_71 = tpu.memref_slice %arg4[%add3A_38, %dma_wait3A_70] : memref<2560x128xi32, #tpu.memory_space<hbm>> -> memref<40x128xi32, #tpu.memory_space<hbm>>
      tpu.wait_dma2 semaphore(%run_scoped3A : memref<!tpu.dma_semaphore, #tpu.memory_space<semaphore_mem>>) src(%dma_wait3A_71 : memref<40x128xi32, #tpu.memory_space<hbm>>) dst(%arg8 : memref<40x128xi32, #tpu.memory_space<vmem>>)
      tpu.yield
    }) : () -> ()
    %dma_start3A_39 = arith.constant 0 : i32
    %dma_start3A_40 = arith.constant 0 : i32
    %dma_start3A_41 = tpu.memref_slice %arg7[%dma_start3A_39, %dma_start3A_40] : memref<40x128xi32, #tpu.memory_space<vmem>> -> memref<1x128xi32, #tpu.memory_space<vmem>>
    %dma_start3A_42 = tpu.memref_squeeze %dma_start3A_41 : memref<1x128xi32, #tpu.memory_space<vmem>> -> memref<128xi32, #tpu.memory_space<vmem>>
    %dma_start3A_43 = arith.constant 0 : i32
    %dma_start3A_44 = arith.constant 0 : i32
    %dma_start3A_45 = tpu.memref_slice %arg2[%dma_start3A_43, %dma_start3A_44] : memref<10000x128xf32, #tpu.memory_space<hbm>> -> memref<10000x128xf32, #tpu.memory_space<hbm>>
    tpu.enqueue_indirect_dma source(%dma_start3A_45 : memref<10000x128xf32, #tpu.memory_space<hbm>>) target(%arg9 : memref<128x128xf32, #tpu.memory_space<vmem>>) offsets(%dma_start3A_42 : memref<128xi32, #tpu.memory_space<vmem>>) semaphore(%arg11 : memref<!tpu.dma_semaphore, #tpu.memory_space<semaphore_mem>>)
    %scan3A_46 = arith.constant 0 : i32
    %scan3A_47 = arith.constant 20 : i32
    %scan3A_48 = arith.addi %scan3A_46, %scan3A_47 : i32
    %scan3A_49 = arith.constant 1 : i32
    scf.for %scan3A_64 = %scan3A_46 to %scan3A_48 step %scan3A_49  : i32 {
      %mul3A_65 = arith.constant 1 : i32
      %mul3A_66 = arith.muli %scan3A_64, %mul3A_65 : i32
      %add3A_67 = arith.constant 0 : i32
      %add3A_68 = arith.addi %add3A_67, %mul3A_66 : i32
      %mul3A_69 = arith.constant 2 : i32
      %mul3A_70 = arith.muli %mul3A_69, %add3A_68 : i32
      %add3A_71 = arith.constant 0 : i32
      %add3A_72 = arith.addi %mul3A_70, %add3A_71 : i32
      %ge3A = arith.constant 1 : i32
      %ge3A_73 = arith.cmpi sge, %add3A_72, %ge3A : i32
      %convert_element_type3A = arith.extui %ge3A_73 : i1 to i32
      %cond3A = arith.constant 0 : i32
      %cond3A_74 = arith.cmpi ne, %convert_element_type3A, %cond3A : i32
      scf.if %cond3A_74 {
        %sub3A = arith.constant 1 : i32
        %sub3A_121 = arith.subi %add3A_72, %sub3A : i32
        %dma_wait3A_122 = arith.constant 0 : i32
        %dma_wait3A_123 = tpu.memref_slice %arg8[%sub3A_121, %dma_wait3A_122] : memref<40x128xi32, #tpu.memory_space<vmem>> -> memref<1x128xi32, #tpu.memory_space<vmem>>
        %dma_wait3A_124 = tpu.memref_squeeze %dma_wait3A_123 : memref<1x128xi32, #tpu.memory_space<vmem>> -> memref<128xi32, #tpu.memory_space<vmem>>
        %dma_wait3A_125 = arith.constant 0 : i32
        %dma_wait3A_126 = arith.constant 0 : i32
        %dma_wait3A_127 = tpu.memref_slice %arg6[%dma_wait3A_125, %dma_wait3A_126] : memref<10240x128xf32, #tpu.memory_space<vmem_shared>> -> memref<10240x128xf32, #tpu.memory_space<vmem_shared>>
        tpu.wait_indirect_dma semaphore(%arg14 : memref<!tpu.dma_semaphore, #tpu.memory_space<semaphore_mem>>) src(%arg10 : memref<128x128xf32, #tpu.memory_space<vmem>>) dst(%dma_wait3A_127 : memref<10240x128xf32, #tpu.memory_space<vmem_shared>>)
      } else {
      }
      %add3A_75 = arith.constant 1 : i32
      %add3A_76 = arith.addi %add3A_72, %add3A_75 : i32
      %lt3A = arith.constant 40 : i32
      %lt3A_77 = arith.cmpi slt, %add3A_76, %lt3A : i32
      %convert_element_type3A_78 = arith.extui %lt3A_77 : i1 to i32
      %cond3A_79 = arith.constant 0 : i32
      %cond3A_80 = arith.cmpi ne, %convert_element_type3A_78, %cond3A_79 : i32
      scf.if %cond3A_80 {
        %add3A_121 = arith.constant 1 : i32
        %add3A_122 = arith.addi %add3A_72, %add3A_121 : i32
        %dma_start3A_123 = arith.constant 0 : i32
        %dma_start3A_124 = tpu.memref_slice %arg7[%add3A_122, %dma_start3A_123] : memref<40x128xi32, #tpu.memory_space<vmem>> -> memref<1x128xi32, #tpu.memory_space<vmem>>
        %dma_start3A_125 = tpu.memref_squeeze %dma_start3A_124 : memref<1x128xi32, #tpu.memory_space<vmem>> -> memref<128xi32, #tpu.memory_space<vmem>>
        %dma_start3A_126 = arith.constant 0 : i32
        %dma_start3A_127 = arith.constant 0 : i32
        %dma_start3A_128 = tpu.memref_slice %arg2[%dma_start3A_126, %dma_start3A_127] : memref<10000x128xf32, #tpu.memory_space<hbm>> -> memref<10000x128xf32, #tpu.memory_space<hbm>>
        tpu.enqueue_indirect_dma source(%dma_start3A_128 : memref<10000x128xf32, #tpu.memory_space<hbm>>) target(%arg10 : memref<128x128xf32, #tpu.memory_space<vmem>>) offsets(%dma_start3A_125 : memref<128xi32, #tpu.memory_space<vmem>>) semaphore(%arg12 : memref<!tpu.dma_semaphore, #tpu.memory_space<semaphore_mem>>)
      } else {
      }
      %dma_wait3A_81 = arith.constant 0 : i32
      %dma_wait3A_82 = tpu.memref_slice %arg7[%add3A_72, %dma_wait3A_81] : memref<40x128xi32, #tpu.memory_space<vmem>> -> memref<1x128xi32, #tpu.memory_space<vmem>>
      %dma_wait3A_83 = tpu.memref_squeeze %dma_wait3A_82 : memref<1x128xi32, #tpu.memory_space<vmem>> -> memref<128xi32, #tpu.memory_space<vmem>>
      %dma_wait3A_84 = arith.constant 0 : i32
      %dma_wait3A_85 = arith.constant 0 : i32
      %dma_wait3A_86 = tpu.memref_slice %arg2[%dma_wait3A_84, %dma_wait3A_85] : memref<10000x128xf32, #tpu.memory_space<hbm>> -> memref<10000x128xf32, #tpu.memory_space<hbm>>
      tpu.wait_indirect_dma semaphore(%arg11 : memref<!tpu.dma_semaphore, #tpu.memory_space<semaphore_mem>>) src(%dma_wait3A_86 : memref<10000x128xf32, #tpu.memory_space<hbm>>) dst(%arg9 : memref<128x128xf32, #tpu.memory_space<vmem>>)
      %dma_start3A_87 = arith.constant 0 : i32
      %dma_start3A_88 = tpu.memref_slice %arg8[%add3A_72, %dma_start3A_87] : memref<40x128xi32, #tpu.memory_space<vmem>> -> memref<1x128xi32, #tpu.memory_space<vmem>>
      %dma_start3A_89 = tpu.memref_squeeze %dma_start3A_88 : memref<1x128xi32, #tpu.memory_space<vmem>> -> memref<128xi32, #tpu.memory_space<vmem>>
      %dma_start3A_90 = arith.constant 0 : i32
      %dma_start3A_91 = arith.constant 0 : i32
      %dma_start3A_92 = tpu.memref_slice %arg6[%dma_start3A_90, %dma_start3A_91] : memref<10240x128xf32, #tpu.memory_space<vmem_shared>> -> memref<10240x128xf32, #tpu.memory_space<vmem_shared>>
      tpu.enqueue_indirect_dma source(%arg9 : memref<128x128xf32, #tpu.memory_space<vmem>>) target(%dma_start3A_92 : memref<10240x128xf32, #tpu.memory_space<vmem_shared>>) offsets(%dma_start3A_89 : memref<128xi32, #tpu.memory_space<vmem>>) semaphore(%arg13 : memref<!tpu.dma_semaphore, #tpu.memory_space<semaphore_mem>>) {add = true}
      %mul3A_93 = arith.constant 2 : i32
      %mul3A_94 = arith.muli %mul3A_93, %add3A_68 : i32
      %add3A_95 = arith.constant 1 : i32
      %add3A_96 = arith.addi %mul3A_94, %add3A_95 : i32
      %ge3A_97 = arith.constant 1 : i32
      %ge3A_98 = arith.cmpi sge, %add3A_96, %ge3A_97 : i32
      %convert_element_type3A_99 = arith.extui %ge3A_98 : i1 to i32
      %cond3A_100 = arith.constant 0 : i32
      %cond3A_101 = arith.cmpi ne, %convert_element_type3A_99, %cond3A_100 : i32
      scf.if %cond3A_101 {
        %sub3A = arith.constant 1 : i32
        %sub3A_121 = arith.subi %add3A_96, %sub3A : i32
        %dma_wait3A_122 = arith.constant 0 : i32
        %dma_wait3A_123 = tpu.memref_slice %arg8[%sub3A_121, %dma_wait3A_122] : memref<40x128xi32, #tpu.memory_space<vmem>> -> memref<1x128xi32, #tpu.memory_space<vmem>>
        %dma_wait3A_124 = tpu.memref_squeeze %dma_wait3A_123 : memref<1x128xi32, #tpu.memory_space<vmem>> -> memref<128xi32, #tpu.memory_space<vmem>>
        %dma_wait3A_125 = arith.constant 0 : i32
        %dma_wait3A_126 = arith.constant 0 : i32
        %dma_wait3A_127 = tpu.memref_slice %arg6[%dma_wait3A_125, %dma_wait3A_126] : memref<10240x128xf32, #tpu.memory_space<vmem_shared>> -> memref<10240x128xf32, #tpu.memory_space<vmem_shared>>
        tpu.wait_indirect_dma semaphore(%arg13 : memref<!tpu.dma_semaphore, #tpu.memory_space<semaphore_mem>>) src(%arg9 : memref<128x128xf32, #tpu.memory_space<vmem>>) dst(%dma_wait3A_127 : memref<10240x128xf32, #tpu.memory_space<vmem_shared>>)
      } else {
      }
      %add3A_102 = arith.constant 1 : i32
      %add3A_103 = arith.addi %add3A_96, %add3A_102 : i32
      %lt3A_104 = arith.constant 40 : i32
      %lt3A_105 = arith.cmpi slt, %add3A_103, %lt3A_104 : i32
      %convert_element_type3A_106 = arith.extui %lt3A_105 : i1 to i32
      %cond3A_107 = arith.constant 0 : i32
      %cond3A_108 = arith.cmpi ne, %convert_element_type3A_106, %cond3A_107 : i32
      scf.if %cond3A_108 {
        %add3A_121 = arith.constant 1 : i32
        %add3A_122 = arith.addi %add3A_96, %add3A_121 : i32
        %dma_start3A_123 = arith.constant 0 : i32
        %dma_start3A_124 = tpu.memref_slice %arg7[%add3A_122, %dma_start3A_123] : memref<40x128xi32, #tpu.memory_space<vmem>> -> memref<1x128xi32, #tpu.memory_space<vmem>>
        %dma_start3A_125 = tpu.memref_squeeze %dma_start3A_124 : memref<1x128xi32, #tpu.memory_space<vmem>> -> memref<128xi32, #tpu.memory_space<vmem>>
        %dma_start3A_126 = arith.constant 0 : i32
        %dma_start3A_127 = arith.constant 0 : i32
        %dma_start3A_128 = tpu.memref_slice %arg2[%dma_start3A_126, %dma_start3A_127] : memref<10000x128xf32, #tpu.memory_space<hbm>> -> memref<10000x128xf32, #tpu.memory_space<hbm>>
        tpu.enqueue_indirect_dma source(%dma_start3A_128 : memref<10000x128xf32, #tpu.memory_space<hbm>>) target(%arg9 : memref<128x128xf32, #tpu.memory_space<vmem>>) offsets(%dma_start3A_125 : memref<128xi32, #tpu.memory_space<vmem>>) semaphore(%arg11 : memref<!tpu.dma_semaphore, #tpu.memory_space<semaphore_mem>>)
      } else {
      }
      %dma_wait3A_109 = arith.constant 0 : i32
      %dma_wait3A_110 = tpu.memref_slice %arg7[%add3A_96, %dma_wait3A_109] : memref<40x128xi32, #tpu.memory_space<vmem>> -> memref<1x128xi32, #tpu.memory_space<vmem>>
      %dma_wait3A_111 = tpu.memref_squeeze %dma_wait3A_110 : memref<1x128xi32, #tpu.memory_space<vmem>> -> memref<128xi32, #tpu.memory_space<vmem>>
      %dma_wait3A_112 = arith.constant 0 : i32
      %dma_wait3A_113 = arith.constant 0 : i32
      %dma_wait3A_114 = tpu.memref_slice %arg2[%dma_wait3A_112, %dma_wait3A_113] : memref<10000x128xf32, #tpu.memory_space<hbm>> -> memref<10000x128xf32, #tpu.memory_space<hbm>>
      tpu.wait_indirect_dma semaphore(%arg12 : memref<!tpu.dma_semaphore, #tpu.memory_space<semaphore_mem>>) src(%dma_wait3A_114 : memref<10000x128xf32, #tpu.memory_space<hbm>>) dst(%arg10 : memref<128x128xf32, #tpu.memory_space<vmem>>)
      %dma_start3A_115 = arith.constant 0 : i32
      %dma_start3A_116 = tpu.memref_slice %arg8[%add3A_96, %dma_start3A_115] : memref<40x128xi32, #tpu.memory_space<vmem>> -> memref<1x128xi32, #tpu.memory_space<vmem>>
      %dma_start3A_117 = tpu.memref_squeeze %dma_start3A_116 : memref<1x128xi32, #tpu.memory_space<vmem>> -> memref<128xi32, #tpu.memory_space<vmem>>
      %dma_start3A_118 = arith.constant 0 : i32
      %dma_start3A_119 = arith.constant 0 : i32
      %dma_start3A_120 = tpu.memref_slice %arg6[%dma_start3A_118, %dma_start3A_119] : memref<10240x128xf32, #tpu.memory_space<vmem_shared>> -> memref<10240x128xf32, #tpu.memory_space<vmem_shared>>
      tpu.enqueue_indirect_dma source(%arg10 : memref<128x128xf32, #tpu.memory_space<vmem>>) target(%dma_start3A_120 : memref<10240x128xf32, #tpu.memory_space<vmem_shared>>) offsets(%dma_start3A_117 : memref<128xi32, #tpu.memory_space<vmem>>) semaphore(%arg14 : memref<!tpu.dma_semaphore, #tpu.memory_space<semaphore_mem>>) {add = true}
    }
    %scan3A_50 = arith.constant 20 : i32
    %dma_wait3A_51 = arith.constant 39 : i32
    %dma_wait3A_52 = arith.constant 0 : i32
    %dma_wait3A_53 = tpu.memref_slice %arg8[%dma_wait3A_51, %dma_wait3A_52] : memref<40x128xi32, #tpu.memory_space<vmem>> -> memref<1x128xi32, #tpu.memory_space<vmem>>
    %dma_wait3A_54 = tpu.memref_squeeze %dma_wait3A_53 : memref<1x128xi32, #tpu.memory_space<vmem>> -> memref<128xi32, #tpu.memory_space<vmem>>
    %dma_wait3A_55 = arith.constant 0 : i32
    %dma_wait3A_56 = arith.constant 0 : i32
    %dma_wait3A_57 = tpu.memref_slice %arg6[%dma_wait3A_55, %dma_wait3A_56] : memref<10240x128xf32, #tpu.memory_space<vmem_shared>> -> memref<10240x128xf32, #tpu.memory_space<vmem_shared>>
    tpu.wait_indirect_dma semaphore(%arg14 : memref<!tpu.dma_semaphore, #tpu.memory_space<semaphore_mem>>) src(%arg10 : memref<128x128xf32, #tpu.memory_space<vmem>>) dst(%dma_wait3A_57 : memref<10240x128xf32, #tpu.memory_space<vmem_shared>>)
    %barrier3A_58 = arith.constant 0 : index
    tpu.barrier barrier_id(%barrier3A_58)
    %scan3A_59 = arith.constant 0 : i32
    %scan3A_60 = arith.constant 5 : i32
    %scan3A_61 = arith.addi %scan3A_59, %scan3A_60 : i32
    %scan3A_62 = arith.constant 1 : i32
    scf.for %scan3A_64 = %scan3A_59 to %scan3A_61 step %scan3A_62  : i32 {
      %mul3A_65 = arith.constant 1 : i32
      %mul3A_66 = arith.muli %scan3A_64, %mul3A_65 : i32
      %add3A_67 = arith.constant 0 : i32
      %add3A_68 = arith.addi %add3A_67, %mul3A_66 : i32
      %mul3A_69 = arith.constant 128 : i32
      %mul3A_70 = arith.muli %add3A_68, %mul3A_69 : i32
      %add3A_71 = arith.addi %mul3A_4, %mul3A_70 : i32
      "tpu.region"() ({
        %run_scoped3A = tpu.sem_alloc : memref<!tpu.dma_semaphore, #tpu.memory_space<semaphore_mem>>
        %dma_start3A_72 = arith.constant 0 : i32
        %dma_start3A_73 = tpu.memref_slice %arg5[%arg0, %add3A_71, %dma_start3A_72] : memref<2x10240x128xf32, #tpu.memory_space<hbm>> -> memref<1x128x128xf32, #tpu.memory_space<hbm>>
        %dma_start3A_74 = tpu.memref_squeeze %dma_start3A_73 : memref<1x128x128xf32, #tpu.memory_space<hbm>> -> memref<128x128xf32, #tpu.memory_space<hbm>>
        %dma_start3A_75 = arith.constant 0 : i32
        %dma_start3A_76 = tpu.memref_slice %arg6[%add3A_71, %dma_start3A_75] : memref<10240x128xf32, #tpu.memory_space<vmem_shared>> -> memref<128x128xf32, #tpu.memory_space<vmem_shared>>
        tpu.enqueue_dma source(%dma_start3A_76 : memref<128x128xf32, #tpu.memory_space<vmem_shared>>) target(%dma_start3A_74 : memref<128x128xf32, #tpu.memory_space<hbm>>) target_semaphore(%run_scoped3A : memref<!tpu.dma_semaphore, #tpu.memory_space<semaphore_mem>>)
        %dma_wait3A_77 = arith.constant 0 : i32
        %dma_wait3A_78 = tpu.memref_slice %arg5[%arg0, %add3A_71, %dma_wait3A_77] : memref<2x10240x128xf32, #tpu.memory_space<hbm>> -> memref<1x128x128xf32, #tpu.memory_space<hbm>>
        %dma_wait3A_79 = tpu.memref_squeeze %dma_wait3A_78 : memref<1x128x128xf32, #tpu.memory_space<hbm>> -> memref<128x128xf32, #tpu.memory_space<hbm>>
        %dma_wait3A_80 = arith.constant 0 : i32
        %dma_wait3A_81 = tpu.memref_slice %arg6[%add3A_71, %dma_wait3A_80] : memref<10240x128xf32, #tpu.memory_space<vmem_shared>> -> memref<128x128xf32, #tpu.memory_space<vmem_shared>>
        tpu.wait_dma2 semaphore(%run_scoped3A : memref<!tpu.dma_semaphore, #tpu.memory_space<semaphore_mem>>) src(%dma_wait3A_81 : memref<128x128xf32, #tpu.memory_space<vmem_shared>>) dst(%dma_wait3A_79 : memref<128x128xf32, #tpu.memory_space<hbm>>)
        tpu.yield
      }) : () -> ()
    }
    %scan3A_63 = arith.constant 5 : i32
    return
  }
}

module attributes {stable_mosaic.version = 14 : i64} {
  func.func @body(%arg0: i32, %arg1: memref<2000x128xf32, #tpu.memory_space<vmem>>, %arg2: memref<128x128xf32, #tpu.memory_space<vmem>>, %arg3: memref<2000x128xf32, #tpu.memory_space<vmem>>) attributes {dimension_semantics = [#tpu.dimension_semantics<arbitrary>], iteration_bounds = array<i64: 5>, scalar_prefetch = 0 : i64, scratch_operands = 0 : i64, tpu.core_type = #tpu.core_type<tc>, window_params = [{transform_indices = @transform_0, window_bounds = array<i64: 2000, 128>}, {pipeline_mode = #tpu.pipeline_mode<synchronous>, transform_indices = @transform_1, window_bounds = array<i64: 128, 128>}, {transform_indices = @transform_2, window_bounds = array<i64: 2000, 128>}]} {
    %get3A = arith.constant 0 : index
    %get3A_0 = arith.constant 0 : index
    %get3A_1 = vector.load %arg1[%get3A, %get3A_0] : memref<2000x128xf32, #tpu.memory_space<vmem>>, vector<2000x128xf32>
    %get3A_2 = arith.constant 0 : index
    %get3A_3 = arith.constant 0 : index
    %get3A_4 = vector.load %arg2[%get3A_2, %get3A_3] : memref<128x128xf32, #tpu.memory_space<vmem>>, vector<128x128xf32>
    %dot_general3A = arith.constant dense<0.000000e+00> : vector<2000x128xf32>
    %dot_general3A_5 = tpu.matmul %get3A_1, %get3A_4, %dot_general3A {dimension_numbers = #tpu.dot_dimension_numbers<[1], [0], [0], [1], [0, 0, 1, 1], [], []>, transpose_lhs_hint = false} : vector<2000x128xf32>, vector<128x128xf32>, vector<2000x128xf32> -> vector<2000x128xf32>
    %swap3A = arith.constant 0 : index
    %swap3A_6 = arith.constant 0 : index
    %swap3A_7 = vector.load %arg3[%swap3A, %swap3A_6] : memref<2000x128xf32, #tpu.memory_space<vmem>>, vector<2000x128xf32>
    tpu.vector_store %arg3[%swap3A, %swap3A_6], %dot_general3A_5 {strides = array<i32>} : memref<2000x128xf32, #tpu.memory_space<vmem>>, vector<2000x128xf32>,
    return
  }
  func.func @transform_0(%arg0: i32) -> (i32, i32) {
    %c0_i32 = arith.constant 0 : i32
    %c0_i32_0 = arith.constant 0 : i32
    return %arg0, %c0_i32 : i32, i32
  }
  func.func @transform_1(%arg0: i32) -> (i32, i32) {
    %c0_i32 = arith.constant 0 : i32
    %c0_i32_0 = arith.constant 0 : i32
    %c0_i32_1 = arith.constant 0 : i32
    return %c0_i32, %c0_i32_0 : i32, i32
  }
  func.func @transform_2(%arg0: i32) -> (i32, i32) {
    %c0_i32 = arith.constant 0 : i32
    %c0_i32_0 = arith.constant 0 : i32
    return %arg0, %c0_i32 : i32, i32
  }
}

module attributes {stable_mosaic.version = 14 : i64} {
  func.func @body(%arg0: i32, %arg1: memref<2000x128xf32, #tpu.memory_space<vmem>>, %arg2: memref<2x2000x128xf32, #tpu.memory_space<vmem>>, %arg3: memref<2000x128xf32, #tpu.memory_space<vmem>>, %arg4: memref<2000x1xf32, #tpu.memory_space<vmem>>) attributes {dimension_semantics = [#tpu.dimension_semantics<arbitrary>], iteration_bounds = array<i64: 5>, scalar_prefetch = 0 : i64, scratch_operands = 0 : i64, tpu.core_type = #tpu.core_type<tc>, window_params = [{transform_indices = @transform_0, window_bounds = array<i64: 2000, 128>}, {transform_indices = @transform_1, window_bounds = array<i64: 2, 2000, 128>}, {transform_indices = @transform_2, window_bounds = array<i64: 2000, 128>}, {transform_indices = @transform_3, window_bounds = array<i64: 2000, 1>}]} {
    %get3A = arith.constant 0 : index
    %get3A_0 = arith.constant 0 : index
    %get3A_1 = arith.constant 0 : index
    %get3A_2 = vector.load %arg2[%get3A, %get3A_0, %get3A_1] : memref<2x2000x128xf32, #tpu.memory_space<vmem>>, vector<2x2000x128xf32>
    %slice3A = vector.extract_strided_slice %get3A_2 {offsets = [0, 0, 0], sizes = [1, 2000, 1], strides = [1, 1, 1]} : vector<2x2000x128xf32> to vector<1x2000x1xf32>
    %squeeze3A = vector.shape_cast %slice3A : vector<1x2000x1xf32> to vector<2000x1xf32>
    %add3A = arith.constant 1.000000e+00 : f32
    %add3A_3 = vector.broadcast %add3A : f32 to vector<2000x1xf32>
    %add3A_4 = arith.addf %add3A_3, %squeeze3A : vector<2000x1xf32>
    %slice3A_5 = vector.extract_strided_slice %get3A_2 {offsets = [1, 0, 0], sizes = [1, 2000, 1], strides = [1, 1, 1]} : vector<2x2000x128xf32> to vector<1x2000x1xf32>
    %squeeze3A_6 = vector.shape_cast %slice3A_5 : vector<1x2000x1xf32> to vector<2000x1xf32>
    %add3A_7 = arith.addf %add3A_4, %squeeze3A_6 : vector<2000x1xf32>
    %rsqrt3A = math.rsqrt %add3A_7 : vector<2000x1xf32>
    %get3A_8 = arith.constant 0 : index
    %get3A_9 = arith.constant 0 : index
    %get3A_10 = vector.load %arg1[%get3A_8, %get3A_9] : memref<2000x128xf32, #tpu.memory_space<vmem>>, vector<2000x128xf32>
    %mul3A = vector.broadcast %rsqrt3A : vector<2000x1xf32> to vector<2000x128xf32>
    %mul3A_11 = arith.mulf %mul3A, %get3A_10 : vector<2000x128xf32>
    %swap3A = arith.constant 0 : index
    %swap3A_12 = arith.constant 0 : index
    %swap3A_13 = vector.load %arg3[%swap3A, %swap3A_12] : memref<2000x128xf32, #tpu.memory_space<vmem>>, vector<2000x128xf32>
    tpu.vector_store %arg3[%swap3A, %swap3A_12], %mul3A_11 {strides = array<i32>} : memref<2000x128xf32, #tpu.memory_space<vmem>>, vector<2000x128xf32>,
    %swap3A_14 = arith.constant 0 : index
    %swap3A_15 = arith.constant 0 : index
    %swap3A_16 = vector.load %arg4[%swap3A_14, %swap3A_15] : memref<2000x1xf32, #tpu.memory_space<vmem>>, vector<2000x1xf32>
    tpu.vector_store %arg4[%swap3A_14, %swap3A_15], %rsqrt3A {strides = array<i32>} : memref<2000x1xf32, #tpu.memory_space<vmem>>, vector<2000x1xf32>,
    return
  }
  func.func @transform_0(%arg0: i32) -> (i32, i32) {
    %c0_i32 = arith.constant 0 : i32
    %c0_i32_0 = arith.constant 0 : i32
    return %arg0, %c0_i32 : i32, i32
  }
  func.func @transform_1(%arg0: i32) -> (i32, i32, i32) {
    %c0_i32 = arith.constant 0 : i32
    %c0_i32_0 = arith.constant 0 : i32
    %c0_i32_1 = arith.constant 0 : i32
    return %c0_i32, %arg0, %c0_i32_0 : i32, i32, i32
  }
  func.func @transform_2(%arg0: i32) -> (i32, i32) {
    %c0_i32 = arith.constant 0 : i32
    %c0_i32_0 = arith.constant 0 : i32
    return %arg0, %c0_i32 : i32, i32
  }
  func.func @transform_3(%arg0: i32) -> (i32, i32) {
    %c0_i32 = arith.constant 0 : i32
    %c0_i32_0 = arith.constant 0 : i32
    return %arg0, %c0_i32 : i32, i32
  }
}

module attributes {stable_mosaic.version = 14 : i64} {
  func.func @body(%arg0: i32, %arg1: memref<2x2000x128xf32, #tpu.memory_space<vmem>>, %arg2: memref<2000x128xf32, #tpu.memory_space<vmem>>, %arg3: memref<2000x1xf32, #tpu.memory_space<vmem>>, %arg4: memref<1x128xf32, #tpu.memory_space<vmem>>, %arg5: memref<128x128xf32, #tpu.memory_space<vmem>>, %arg6: memref<2000x128xf32, #tpu.memory_space<vmem>>) attributes {dimension_semantics = [#tpu.dimension_semantics<arbitrary>], iteration_bounds = array<i64: 5>, scalar_prefetch = 0 : i64, scratch_operands = 0 : i64, tpu.core_type = #tpu.core_type<tc>, window_params = [{transform_indices = @transform_0, window_bounds = array<i64: 2, 2000, 128>}, {transform_indices = @transform_1, window_bounds = array<i64: 2000, 128>}, {transform_indices = @transform_2, window_bounds = array<i64: 2000, 1>}, {pipeline_mode = #tpu.pipeline_mode<synchronous>, transform_indices = @transform_3, window_bounds = array<i64: 1, 128>}, {pipeline_mode = #tpu.pipeline_mode<synchronous>, transform_indices = @transform_4, window_bounds = array<i64: 128, 128>}, {transform_indices = @transform_5, window_bounds = array<i64: 2000, 128>}]} {
    %get3A = arith.constant 0 : index
    %get3A_0 = arith.constant 0 : index
    %get3A_1 = arith.constant 0 : index
    %get3A_2 = vector.load %arg1[%get3A, %get3A_0, %get3A_1] : memref<2x2000x128xf32, #tpu.memory_space<vmem>>, vector<1x2000x128xf32>
    %get3A_3 = vector.shape_cast %get3A_2 : vector<1x2000x128xf32> to vector<2000x128xf32>
    %get3A_4 = arith.constant 1 : index
    %get3A_5 = arith.constant 0 : index
    %get3A_6 = arith.constant 0 : index
    %get3A_7 = vector.load %arg1[%get3A_4, %get3A_5, %get3A_6] : memref<2x2000x128xf32, #tpu.memory_space<vmem>>, vector<1x2000x128xf32>
    %get3A_8 = vector.shape_cast %get3A_7 : vector<1x2000x128xf32> to vector<2000x128xf32>
    %add3A = arith.addf %get3A_3, %get3A_8 : vector<2000x128xf32>
    %get3A_9 = arith.constant 0 : index
    %get3A_10 = arith.constant 0 : index
    %get3A_11 = vector.load %arg2[%get3A_9, %get3A_10] : memref<2000x128xf32, #tpu.memory_space<vmem>>, vector<2000x128xf32>
    %add3A_12 = arith.addf %add3A, %get3A_11 : vector<2000x128xf32>
    %get3A_13 = arith.constant 0 : index
    %get3A_14 = arith.constant 0 : index
    %get3A_15 = vector.load %arg3[%get3A_13, %get3A_14] : memref<2000x1xf32, #tpu.memory_space<vmem>>, vector<2000x1xf32>
    %mul3A = vector.broadcast %get3A_15 : vector<2000x1xf32> to vector<2000x128xf32>
    %mul3A_16 = arith.mulf %mul3A, %add3A_12 : vector<2000x128xf32>
    %get3A_17 = arith.constant 0 : index
    %get3A_18 = arith.constant 0 : index
    %get3A_19 = vector.load %arg4[%get3A_17, %get3A_18] : memref<1x128xf32, #tpu.memory_space<vmem>>, vector<1x128xf32>
    %add3A_20 = vector.broadcast %get3A_19 : vector<1x128xf32> to vector<2000x128xf32>
    %add3A_21 = arith.addf %mul3A_16, %add3A_20 : vector<2000x128xf32>
    %max3A = arith.constant 0.000000e+00 : f32
    %max3A_22 = vector.broadcast %max3A : f32 to vector<2000x128xf32>
    %max3A_23 = arith.maximumf %add3A_21, %max3A_22 : vector<2000x128xf32>
    %get3A_24 = arith.constant 0 : index
    %get3A_25 = arith.constant 0 : index
    %get3A_26 = vector.load %arg3[%get3A_24, %get3A_25] : memref<2000x1xf32, #tpu.memory_space<vmem>>, vector<2000x1xf32>
    %get3A_27 = arith.constant 0 : index
    %get3A_28 = arith.constant 0 : index
    %get3A_29 = vector.load %arg5[%get3A_27, %get3A_28] : memref<128x128xf32, #tpu.memory_space<vmem>>, vector<128x128xf32>
    %dot_general3A = arith.constant dense<0.000000e+00> : vector<2000x128xf32>
    %dot_general3A_30 = tpu.matmul %max3A_23, %get3A_29, %dot_general3A {dimension_numbers = #tpu.dot_dimension_numbers<[1], [0], [0], [1], [0, 0, 1, 1], [], []>, transpose_lhs_hint = false} : vector<2000x128xf32>, vector<128x128xf32>, vector<2000x128xf32> -> vector<2000x128xf32>
    %mul3A_31 = vector.broadcast %get3A_26 : vector<2000x1xf32> to vector<2000x128xf32>
    %mul3A_32 = arith.mulf %mul3A_31, %dot_general3A_30 : vector<2000x128xf32>
    %swap3A = arith.constant 0 : index
    %swap3A_33 = arith.constant 0 : index
    %swap3A_34 = vector.load %arg6[%swap3A, %swap3A_33] : memref<2000x128xf32, #tpu.memory_space<vmem>>, vector<2000x128xf32>
    tpu.vector_store %arg6[%swap3A, %swap3A_33], %mul3A_32 {strides = array<i32>} : memref<2000x128xf32, #tpu.memory_space<vmem>>, vector<2000x128xf32>,
    return
  }
  func.func @transform_0(%arg0: i32) -> (i32, i32, i32) {
    %c0_i32 = arith.constant 0 : i32
    %c0_i32_0 = arith.constant 0 : i32
    %c0_i32_1 = arith.constant 0 : i32
    return %c0_i32, %arg0, %c0_i32_0 : i32, i32, i32
  }
  func.func @transform_1(%arg0: i32) -> (i32, i32) {
    %c0_i32 = arith.constant 0 : i32
    %c0_i32_0 = arith.constant 0 : i32
    return %arg0, %c0_i32 : i32, i32
  }
  func.func @transform_2(%arg0: i32) -> (i32, i32) {
    %c0_i32 = arith.constant 0 : i32
    %c0_i32_0 = arith.constant 0 : i32
    return %arg0, %c0_i32 : i32, i32
  }
  func.func @transform_3(%arg0: i32) -> (i32, i32) {
    %c0_i32 = arith.constant 0 : i32
    %c0_i32_0 = arith.constant 0 : i32
    %c0_i32_1 = arith.constant 0 : i32
    return %c0_i32, %c0_i32_0 : i32, i32
  }
  func.func @transform_4(%arg0: i32) -> (i32, i32) {
    %c0_i32 = arith.constant 0 : i32
    %c0_i32_0 = arith.constant 0 : i32
    %c0_i32_1 = arith.constant 0 : i32
    return %c0_i32, %c0_i32_0 : i32, i32
  }
  func.func @transform_5(%arg0: i32) -> (i32, i32) {
    %c0_i32 = arith.constant 0 : i32
    %c0_i32_0 = arith.constant 0 : i32
    return %arg0, %c0_i32 : i32, i32
  }
}

module attributes {stable_mosaic.version = 14 : i64} {
  func.func @body(%arg0: i32, %arg1: memref<2x2000x128xf32, #tpu.memory_space<vmem>>, %arg2: memref<2000x128xf32, #tpu.memory_space<vmem>>, %arg3: memref<2000x1xf32, #tpu.memory_space<vmem>>, %arg4: memref<1x128xf32, #tpu.memory_space<vmem>>, %arg5: memref<128x128xf32, #tpu.memory_space<vmem>>, %arg6: memref<1x128xf32, #tpu.memory_space<vmem>>, %arg7: memref<128x128xf32, #tpu.memory_space<vmem>>, %arg8: memref<1x128xf32, #tpu.memory_space<vmem>>, %arg9: memref<128x1xf32, #tpu.memory_space<vmem>>, %arg10: memref<1x1xf32, #tpu.memory_space<vmem>>, %arg11: memref<2000x1xf32, #tpu.memory_space<vmem>>) attributes {dimension_semantics = [#tpu.dimension_semantics<arbitrary>], iteration_bounds = array<i64: 5>, scalar_prefetch = 0 : i64, scratch_operands = 0 : i64, tpu.core_type = #tpu.core_type<tc>, window_params = [{transform_indices = @transform_0, window_bounds = array<i64: 2, 2000, 128>}, {transform_indices = @transform_1, window_bounds = array<i64: 2000, 128>}, {transform_indices = @transform_2, window_bounds = array<i64: 2000, 1>}, {pipeline_mode = #tpu.pipeline_mode<synchronous>, transform_indices = @transform_3, window_bounds = array<i64: 1, 128>}, {pipeline_mode = #tpu.pipeline_mode<synchronous>, transform_indices = @transform_4, window_bounds = array<i64: 128, 128>}, {pipeline_mode = #tpu.pipeline_mode<synchronous>, transform_indices = @transform_5, window_bounds = array<i64: 1, 128>}, {pipeline_mode = #tpu.pipeline_mode<synchronous>, transform_indices = @transform_6, window_bounds = array<i64: 128, 128>}, {pipeline_mode = #tpu.pipeline_mode<synchronous>, transform_indices = @transform_7, window_bounds = array<i64: 1, 128>}, {pipeline_mode = #tpu.pipeline_mode<synchronous>, transform_indices = @transform_8, window_bounds = array<i64: 128, 1>}, {pipeline_mode = #tpu.pipeline_mode<synchronous>, transform_indices = @transform_9, window_bounds = array<i64: 1, 1>}, {transform_indices = @transform_10, window_bounds = array<i64: 2000, 1>}]} {
    %get3A = arith.constant 0 : index
    %get3A_0 = arith.constant 0 : index
    %get3A_1 = arith.constant 0 : index
    %get3A_2 = vector.load %arg1[%get3A, %get3A_0, %get3A_1] : memref<2x2000x128xf32, #tpu.memory_space<vmem>>, vector<1x2000x128xf32>
    %get3A_3 = vector.shape_cast %get3A_2 : vector<1x2000x128xf32> to vector<2000x128xf32>
    %get3A_4 = arith.constant 1 : index
    %get3A_5 = arith.constant 0 : index
    %get3A_6 = arith.constant 0 : index
    %get3A_7 = vector.load %arg1[%get3A_4, %get3A_5, %get3A_6] : memref<2x2000x128xf32, #tpu.memory_space<vmem>>, vector<1x2000x128xf32>
    %get3A_8 = vector.shape_cast %get3A_7 : vector<1x2000x128xf32> to vector<2000x128xf32>
    %add3A = arith.addf %get3A_3, %get3A_8 : vector<2000x128xf32>
    %get3A_9 = arith.constant 0 : index
    %get3A_10 = arith.constant 0 : index
    %get3A_11 = vector.load %arg2[%get3A_9, %get3A_10] : memref<2000x128xf32, #tpu.memory_space<vmem>>, vector<2000x128xf32>
    %add3A_12 = arith.addf %add3A, %get3A_11 : vector<2000x128xf32>
    %get3A_13 = arith.constant 0 : index
    %get3A_14 = arith.constant 0 : index
    %get3A_15 = vector.load %arg3[%get3A_13, %get3A_14] : memref<2000x1xf32, #tpu.memory_space<vmem>>, vector<2000x1xf32>
    %mul3A = vector.broadcast %get3A_15 : vector<2000x1xf32> to vector<2000x128xf32>
    %mul3A_16 = arith.mulf %mul3A, %add3A_12 : vector<2000x128xf32>
    %get3A_17 = arith.constant 0 : index
    %get3A_18 = arith.constant 0 : index
    %get3A_19 = vector.load %arg4[%get3A_17, %get3A_18] : memref<1x128xf32, #tpu.memory_space<vmem>>, vector<1x128xf32>
    %add3A_20 = vector.broadcast %get3A_19 : vector<1x128xf32> to vector<2000x128xf32>
    %add3A_21 = arith.addf %mul3A_16, %add3A_20 : vector<2000x128xf32>
    %max3A = arith.constant 0.000000e+00 : f32
    %max3A_22 = vector.broadcast %max3A : f32 to vector<2000x128xf32>
    %max3A_23 = arith.maximumf %add3A_21, %max3A_22 : vector<2000x128xf32>
    %get3A_24 = arith.constant 0 : index
    %get3A_25 = arith.constant 0 : index
    %get3A_26 = vector.load %arg5[%get3A_24, %get3A_25] : memref<128x128xf32, #tpu.memory_space<vmem>>, vector<128x128xf32>
    %dot_general3A = arith.constant dense<0.000000e+00> : vector<2000x128xf32>
    %dot_general3A_27 = tpu.matmul %max3A_23, %get3A_26, %dot_general3A {dimension_numbers = #tpu.dot_dimension_numbers<[1], [0], [0], [1], [0, 0, 1, 1], [], []>, transpose_lhs_hint = false} : vector<2000x128xf32>, vector<128x128xf32>, vector<2000x128xf32> -> vector<2000x128xf32>
    %get3A_28 = arith.constant 0 : index
    %get3A_29 = arith.constant 0 : index
    %get3A_30 = vector.load %arg6[%get3A_28, %get3A_29] : memref<1x128xf32, #tpu.memory_space<vmem>>, vector<1x128xf32>
    %add3A_31 = vector.broadcast %get3A_30 : vector<1x128xf32> to vector<2000x128xf32>
    %add3A_32 = arith.addf %dot_general3A_27, %add3A_31 : vector<2000x128xf32>
    %max3A_33 = arith.constant 0.000000e+00 : f32
    %max3A_34 = vector.broadcast %max3A_33 : f32 to vector<2000x128xf32>
    %max3A_35 = arith.maximumf %add3A_32, %max3A_34 : vector<2000x128xf32>
    %get3A_36 = arith.constant 0 : index
    %get3A_37 = arith.constant 0 : index
    %get3A_38 = vector.load %arg7[%get3A_36, %get3A_37] : memref<128x128xf32, #tpu.memory_space<vmem>>, vector<128x128xf32>
    %dot_general3A_39 = arith.constant dense<0.000000e+00> : vector<2000x128xf32>
    %dot_general3A_40 = tpu.matmul %max3A_35, %get3A_38, %dot_general3A_39 {dimension_numbers = #tpu.dot_dimension_numbers<[1], [0], [0], [1], [0, 0, 1, 1], [], []>, transpose_lhs_hint = false} : vector<2000x128xf32>, vector<128x128xf32>, vector<2000x128xf32> -> vector<2000x128xf32>
    %get3A_41 = arith.constant 0 : index
    %get3A_42 = arith.constant 0 : index
    %get3A_43 = vector.load %arg8[%get3A_41, %get3A_42] : memref<1x128xf32, #tpu.memory_space<vmem>>, vector<1x128xf32>
    %add3A_44 = vector.broadcast %get3A_43 : vector<1x128xf32> to vector<2000x128xf32>
    %add3A_45 = arith.addf %dot_general3A_40, %add3A_44 : vector<2000x128xf32>
    %max3A_46 = arith.constant 0.000000e+00 : f32
    %max3A_47 = vector.broadcast %max3A_46 : f32 to vector<2000x128xf32>
    %max3A_48 = arith.maximumf %add3A_45, %max3A_47 : vector<2000x128xf32>
    %get3A_49 = arith.constant 0 : index
    %get3A_50 = arith.constant 0 : index
    %get3A_51 = vector.load %arg9[%get3A_49, %get3A_50] : memref<128x1xf32, #tpu.memory_space<vmem>>, vector<128x1xf32>
    %dot_general3A_52 = arith.constant dense<0.000000e+00> : vector<2000x1xf32>
    %dot_general3A_53 = tpu.matmul %max3A_48, %get3A_51, %dot_general3A_52 {dimension_numbers = #tpu.dot_dimension_numbers<[1], [0], [0], [1], [0, 0, 1, 1], [], []>, transpose_lhs_hint = false} : vector<2000x128xf32>, vector<128x1xf32>, vector<2000x1xf32> -> vector<2000x1xf32>
    %get3A_54 = arith.constant 0 : index
    %get3A_55 = arith.constant 0 : index
    %get3A_56 = vector.load %arg10[%get3A_54, %get3A_55] : memref<1x1xf32, #tpu.memory_space<vmem>>, vector<1x1xf32>
    %add3A_57 = vector.broadcast %get3A_56 : vector<1x1xf32> to vector<2000x1xf32>
    %add3A_58 = arith.addf %dot_general3A_53, %add3A_57 : vector<2000x1xf32>
    %swap3A = arith.constant 0 : index
    %swap3A_59 = arith.constant 0 : index
    %swap3A_60 = vector.load %arg11[%swap3A, %swap3A_59] : memref<2000x1xf32, #tpu.memory_space<vmem>>, vector<2000x1xf32>
    tpu.vector_store %arg11[%swap3A, %swap3A_59], %add3A_58 {strides = array<i32>} : memref<2000x1xf32, #tpu.memory_space<vmem>>, vector<2000x1xf32>,
    return
  }
  func.func @transform_0(%arg0: i32) -> (i32, i32, i32) {
    %c0_i32 = arith.constant 0 : i32
    %c0_i32_0 = arith.constant 0 : i32
    %c0_i32_1 = arith.constant 0 : i32
    return %c0_i32, %arg0, %c0_i32_0 : i32, i32, i32
  }
  func.func @transform_1(%arg0: i32) -> (i32, i32) {
    %c0_i32 = arith.constant 0 : i32
    %c0_i32_0 = arith.constant 0 : i32
    return %arg0, %c0_i32 : i32, i32
  }
  func.func @transform_2(%arg0: i32) -> (i32, i32) {
    %c0_i32 = arith.constant 0 : i32
    %c0_i32_0 = arith.constant 0 : i32
    return %arg0, %c0_i32 : i32, i32
  }
  func.func @transform_3(%arg0: i32) -> (i32, i32) {
    %c0_i32 = arith.constant 0 : i32
    %c0_i32_0 = arith.constant 0 : i32
    %c0_i32_1 = arith.constant 0 : i32
    return %c0_i32, %c0_i32_0 : i32, i32
  }
  func.func @transform_4(%arg0: i32) -> (i32, i32) {
    %c0_i32 = arith.constant 0 : i32
    %c0_i32_0 = arith.constant 0 : i32
    %c0_i32_1 = arith.constant 0 : i32
    return %c0_i32, %c0_i32_0 : i32, i32
  }
  func.func @transform_5(%arg0: i32) -> (i32, i32) {
    %c0_i32 = arith.constant 0 : i32
    %c0_i32_0 = arith.constant 0 : i32
    %c0_i32_1 = arith.constant 0 : i32
    return %c0_i32, %c0_i32_0 : i32, i32
  }
  func.func @transform_6(%arg0: i32) -> (i32, i32) {
    %c0_i32 = arith.constant 0 : i32
    %c0_i32_0 = arith.constant 0 : i32
    %c0_i32_1 = arith.constant 0 : i32
    return %c0_i32, %c0_i32_0 : i32, i32
  }
  func.func @transform_7(%arg0: i32) -> (i32, i32) {
    %c0_i32 = arith.constant 0 : i32
    %c0_i32_0 = arith.constant 0 : i32
    %c0_i32_1 = arith.constant 0 : i32
    return %c0_i32, %c0_i32_0 : i32, i32
  }
  func.func @transform_8(%arg0: i32) -> (i32, i32) {
    %c0_i32 = arith.constant 0 : i32
    %c0_i32_0 = arith.constant 0 : i32
    %c0_i32_1 = arith.constant 0 : i32
    return %c0_i32, %c0_i32_0 : i32, i32
  }
  func.func @transform_9(%arg0: i32) -> (i32, i32) {
    %c0_i32 = arith.constant 0 : i32
    %c0_i32_0 = arith.constant 0 : i32
    %c0_i32_1 = arith.constant 0 : i32
    return %c0_i32, %c0_i32_0 : i32, i32
  }
  func.func @transform_10(%arg0: i32) -> (i32, i32) {
    %c0_i32 = arith.constant 0 : i32
    %c0_i32_0 = arith.constant 0 : i32
    return %arg0, %c0_i32 : i32, i32
  }
}

</mosaic_0001>

<sc_bundles>
// kernel: kernel.12.cloned.1.call-start
scs
__scs_entry_jumppad:
0x0: {  	(pc) =	sbr.rel $0x88, $3  }
0x1: {  	(tag) =	ssettag $0x0;
	lr =	simm.s32 $0x1  }
0x2: {  	[smem:$0x3F95] =	sst lr;
	_ =	strace $0xD0000000  }
0x3: {  	_ = 	snop  }
0x4: {  	_ = 	snop  }
0x5: {  	_ = 	snop  }
0x6: {  	_ = 	snop  }
0x7: {  	_ = 	snop  }
__scs_overlays_trampoline_lowered:
0x8: {  	[smem:$0x3FA4] =	sst s0  }
0x9: {  	[smem:$0x3FA5] =	sst s1  }
0xa: {  	[smem:$0x3FA6] =	sst s2  }
0xb: {  	[smem:$0x3FA7] =	sst s3  }
0xc: {  	[smem:$0x3FA8] =	sst s4  }
0xd: {  	[smem:$0x3FA9] =	sst s5  }
0xe: {  	[smem:$0x3FAA] =	sst s6  }
0xf: {  	[smem:$0x3FAB] =	sst s7  }
0x10: {  	[smem:$0x3FAC] =	sst s8  }
0x11: {  	[smem:$0x3FAD] =	sst s9;
	s0 =	simm.s32 @!p0 $0x0  }
0x12: {  	s1 =	sld [smem:$0x3F93];
	s0 =	simm.s32 @p0 $0x1  }
0x13: {  	[smem:$0x3FAE] =	sst s0;
	s0 =	simm.s32 @!p1 $0x0  }
0x14: {  	s2 =	sld [smem:$0x3F92];
	s0 =	simm.s32 @p1 $0x1  }
0x15: {  	[smem:$0x3FAF] =	sst s0;
	s0 =	simm.s32 @!p2 $0x0  }
0x16: {  	s3 =	sld [smem:$0x3FDB];
	s0 =	simm.s32 @p2 $0x1  }
0x17: {  	s4 =	simm.s32 $0x1BF5;
	[smem:$0x3FB1] =	sst s0  }
0x18: {  	s0 =	sld [smem:$0x3F94];
	_ =	swait.ge [sflag:s4], $0x0  }
0x19: {  	s7 =	sld [smem:$0x3F95]  }
0x1a: {  	s8 =	sadd.s32 $0xFFFFE003, lr  }
0x1b: {  	s9 =	sadd.s32 $0xFFFFFEF7, lr;
	s5 =	simm.s32 $0xFFFFFFFF;
	p2 =	slt.u32 s8, $0xFFFFF086  }
0x1c: {  	p1 =	slt.u32 s9, $0xF7A;
	s5 =	simm.s32 @!p2 $0x0  }
0x1d: {  	s5 =	simm.s32 @p1 $0x1;
	p0 =	seq.s32 s7, s2  }
0x1e: {  	s7 =	smul.u32 @!p0 $0xF7A, s2;
	p2 =	seq.s32 @!p0 s5, $0x0  }
0x1f: {  	s9 =	smul.u32 $0xF7A, s1;
	s8 =	simm.s32 @!p0 $0x1BF5;
	p2 =	por !p2, p0  }
0x20: {  	[sflag:s8] =	ssyncset.s32 @!p0 $0xFFFFF086;
	s6 =	sadd.s32 @!p0 s3, s7;
	s7 =	simm.s32 @!p0 $0x108  }
0x21: {  	s3 =	sadd.s32 s3, s9;
	s6 =	sadd.s32 @!p0 $0x88, s6;
	s7 =	simm.s32 @p2 $0x1082  }
0x22: {  	[simem:s7], [sflag:s8] =	dma.local @!p0 [hbm:s6], $0xF7A  }
0x23: {  	s9 =	sor.u32 $0xD0000000, s2;
	s6 =	simm.s32 $0x108;
	_ =	swait.ge @!p0 [sflag:s8], $0x0  }
0x24: {  	s3 =	sadd.s32 $0x88, s3;
	s6 =	simm.s32 @!p1 $0x1082;
	[sflag:s4] =	ssyncset.s32 $0xFFFFF086  }
0x25: {  	[simem:s6], [sflag:s4] =	dma.local [hbm:s3], $0xF7A  }
0x26: {  	[smem:$0x3F95] =	sst s1;
	(tag) =	ssettag s2;
	_ =	strace s9  }
0x27: {  	s1 =	sld [smem:$0x3FA5]  }
0x28: {  	s2 =	sld [smem:$0x3FA6]  }
0x29: {  	s4 =	sld [smem:$0x3FA8]  }
0x2a: {  	p0 =	seq.s32 s5, $0x0;
	s5 =	sld [smem:$0x3FA9]  }
0x2b: {  	s6 =	sld [smem:$0x3FAA]  }
0x2c: {  	s7 =	sld [smem:$0x3FAB]  }
0x2d: {  	s3 =	simm.s32 $0x108;
	s8 =	sld [smem:$0x3FAC]  }
0x2e: {  	s3 =	simm.s32 @!p0 $0x1082;
	s9 =	sld [smem:$0x3FAD]  }
0x2f: {  	lr =	sadd.s32 s0, s3;
	s0 =	sld [smem:$0x3FA4]  }
0x30: {  	s3 =	sld [smem:$0x3FA7]  }
0x31: {  	[smem:$0x3FB0] =	sst s10  }
0x32: {  	s10 =	sld [smem:$0x3FAE];
	_ =	sdelay $0x3  }
0x33: {  	p0 =	seq.s32 s10, $0x1;
	s10 =	sld [smem:$0x3FB0];
	_ =	sdelay $0x3  }
0x34: {  	[smem:$0x3FB0] =	sst s10  }
0x35: {  	s10 =	sld [smem:$0x3FAF];
	_ =	sdelay $0x3  }
0x36: {  	p1 =	seq.s32 s10, $0x1;
	s10 =	sld [smem:$0x3FB0];
	_ =	sdelay $0x3  }
0x37: {  	[smem:$0x3FB0] =	sst s10  }
0x38: {  	s10 =	sld [smem:$0x3FB1]  }
0x39: {  	_ = 	snop;
	(pc) =	sbr.ind lr, $3  }
0x3a: {  	_ = 	snop  }
0x3b: {  	_ = 	snop  }
0x3c: {  	p2 =	seq.s32 s10, $0x1;
	s10 =	sld [smem:$0x3FB0]  }
0x3d: {  	_ =	shalt  }
0x3e: {  	_ =	shalt  }
0x3f: {  	_ =	shalt  }
0x40: {  	_ =	shalt  }
0x41: {  	_ =	shalt  }
0x42: {  	_ =	shalt  }
0x43: {  	_ =	shalt  }
0x44: {  	_ =	shalt  }
0x45: {  	_ =	shalt  }
0x46: {  	_ =	shalt  }
0x47: {  	_ =	shalt  }
0x48: {  	_ =	shalt  }
0x49: {  	_ =	shalt  }
0x4a: {  	_ =	shalt  }
0x4b: {  	_ =	shalt  }
0x4c: {  	_ =	shalt  }
0x4d: {  	_ =	shalt  }
0x4e: {  	_ =	shalt  }
0x4f: {  	_ =	shalt  }
0x50: {  	_ =	shalt  }
0x51: {  	_ =	shalt  }
0x52: {  	_ =	shalt  }
0x53: {  	_ =	shalt  }
0x54: {  	_ =	shalt  }
0x55: {  	_ =	shalt  }
0x56: {  	_ =	shalt  }
0x57: {  	_ =	shalt  }
0x58: {  	_ =	shalt  }
0x59: {  	_ =	shalt  }
0x5a: {  	_ =	shalt  }
0x5b: {  	_ =	shalt  }
0x5c: {  	_ =	shalt  }
0x5d: {  	_ =	shalt  }
0x5e: {  	_ =	shalt  }
0x5f: {  	_ =	shalt  }
0x60: {  	_ =	shalt  }
0x61: {  	_ =	shalt  }
0x62: {  	_ =	shalt  }
0x63: {  	_ =	shalt  }
0x64: {  	_ =	shalt  }
0x65: {  	_ =	shalt  }
0x66: {  	_ =	shalt  }
0x67: {  	_ =	shalt  }
0x68: {  	_ =	shalt  }
0x69: {  	_ =	shalt  }
0x6a: {  	_ =	shalt  }
0x6b: {  	_ =	shalt  }
0x6c: {  	_ =	shalt  }
0x6d: {  	_ =	shalt  }
0x6e: {  	_ =	shalt  }
0x6f: {  	_ =	shalt  }
0x70: {  	_ =	shalt  }
0x71: {  	_ =	shalt  }
0x72: {  	_ =	shalt  }
0x73: {  	_ =	shalt  }
0x74: {  	_ =	shalt  }
0x75: {  	_ =	shalt  }
0x76: {  	_ =	shalt  }
0x77: {  	_ =	shalt  }
0x78: {  	_ =	shalt  }
0x79: {  	_ =	shalt  }
0x7a: {  	_ =	shalt  }
0x7b: {  	_ =	shalt  }
0x7c: {  	_ =	shalt  }
0x7d: {  	_ =	shalt  }
0x7e: {  	_ =	shalt  }
0x7f: {  	_ =	shalt  }
0x80: {  	_ =	shalt  }
0x81: {  	_ =	shalt  }
0x82: {  	_ =	shalt  }
0x83: {  	_ =	shalt  }
0x84: {  	_ =	shalt  }
0x85: {  	_ =	shalt  }
0x86: {  	_ =	shalt  }
0x87: {  	_ =	shalt  }
.Lfunc_end0:
.L_simem_size_0:
called_computation.1_lowered:
.L_overlay_start_0:
0x88: {  	s2 =	sld [smem:$0x3FD9]  }
0x89: {  	s3 =	sld [smem:$0x3FFE];
	_ =	sdelay $0x1  }
0x8a: {  	s1 =	srdreg.scid  }
0x8b: {  	s0 =	sand.u32 $0x1, s1  }
0x8c: {  	s16 =	sshll.u32 s0, $0xA;
	s2 =	sadd.s32 s3, s2  }
0x8d: {  	s2 =	sadd.s32 s2, s16  }
0x8e: {  	[smem:$0x3FBC] =	sst s2  }
0x8f: {  	_ = 	snop  }
0x90: {  	(tm) =	ssettm $0x1  }
0x91: {  	s17 =	sld [smem:$0x3FFB];
	_ =	sdelay $0x3  }
0x92: {  	_ =	strace s17  }
0x93: {  	s2 =	sld [smem:$0x3FFC];
	_ =	sdelay $0x3  }
0x94: {  	_ =	strace s2  }
0x95: {  	s2 =	sld [smem:$0x3FFD];
	_ =	sdelay $0x3  }
0x96: {  	_ =	strace s2  }
0x97: {  	_ =	strace $0x8FFFFFFF  }
0x98: {  	s18 =	sld [smem:$0x3FDB];
	_ =	sdelay $0x1  }
0x99: {  	s19 =	simm.s32 $_scs_section_size  }
0x9a: {  	s4 =	simm.s32 $_size__tile_overlayer_lowered;
	s5 =	simm.s32 $_tile_overlayer_lowered  }
0x9b: {  	s22 =	simm.s32 $0x1BFF;
	s21 =	sshll.u32 s5, $0x1;
	s2 =	sadd.s32 s19, s18  }
0x9c: {  	s6 =	simm.s32 $0x0;
	s20 =	sshll.u32 s4, $0x1;
	s4 =	sadd.s32 s21, s2  }
0x9d: {  	[timem:s6], [sflag:s22] =	dma.local [hbm:s4], s20  }
0x9e: {  	_ =	swait.ge [sflag:s22], s20  }
0x9f: {  	s3 =	ssub.s32 $0x0, s20;
	[sflag:s22] =	ssyncset.done $0x0  }
0xa0: {  	[sflag:s22] =	ssyncadd.s32 s3;
	_ =	sdelay $0x1  }
0xa1: {  	s23 =	simm.s32 $0x1B8B  }
0xa2: {  	_ =	swait.ge [sflag:s23], $0x1  }
0xa3: {  	[sflag:s23] =	ssyncset.done $0x0  }
0xa4: {  	s25 =	simm.s32 $0x1B8E;
	s24 =	sld [smem:$0x3FFE];
	[sflag:s23] =	ssyncadd.s32 $0xFFFFFFFF  }
0xa5: {  	s26 =	simm.s32 $execute0_lowered;
	[smem:$0x3FD2] =	sst s25  }
0xa6: {  	s4 =	sshll.u32 s26, $0x1;
	_ =	strace $0x80000049;
	[dreg:$0x1] =	wrdreg $0xFFFFFFFF  }
0xa7: {  	s28 =	simm.s32 $_size_execute0_lowered;
	s2 =	sadd.s32 s2, s4;
	[dreg:$0x0] =	wrdreg $0x0  }
0xa8: {  	s4 =	sshll.u32 s28, $0x1;
	[dreg:$0x2] =	wrdreg s2  }
0xa9: {  	[dreg:$0x3] =	wrdreg s4  }
0xaa: {  	[dreg:$0x4] =	wrdreg $0xC0  }
0xab: {  	_ =	task [dreg:s6], $0x5FFFF  }
0xac: {  	[dreg:$0x1] =	wrdreg $0xFFFFFFFF  }
0xad: {  	[dreg:$0x0] =	wrdreg $0x60  }
0xae: {  	[dreg:$0x2] =	wrdreg s24  }
0xaf: {  	[dreg:$0x3] =	wrdreg $0x0  }
0xb0: {  	[dreg:$0x4] =	wrdreg $0x9  }
0xb1: {  	_ =	task.clear_ibuf [dreg:s6], $0x5FFFF;
	_ =	strace $0x90000049  }
0xb2: {  	s29 =	simm.s32 $0x9;
	_ =	strace $0x8000004B  }
0xb3: {  	_ =	swait.ge [sflag:s29], $0x1  }
0xb4: {  	[sflag:s29] =	ssyncadd.s32 $0xFFFFFFFF  }
0xb5: {  	_ =	strace $0x9000004B  }
0xb6: {  	_ =	sfence  }
0xb7: {  	s30 =	sld [smem:$0x0];
	_ =	sdelay $0x2  }
0xb8: {  	s31 =	sshll.u32 s1, $0xD;
	s1 =	sshrl.u32 s1, $0x2  }
0xb9: {  	s3 =	sand.u32 $0x4000, s31;
	s1 =	sadd.s32 s1, s30  }
0xba: {  	s0 =	sor.u32 s3, s0;
	s1 =	sshll.u32 s1, $0x11  }
0xbb: {  	s0 =	sor.u32 s1, s0  }
0xbc: {  	s0 =	sadd.s32 $0x8F2B, s0  }
0xbd: {  	[sflag:s0] =	ssyncadd.remote.s32 $0x1  }
0xbe: {  	_ =	sfence.sel $0xFFFF  }
0xbf: {  	[dreg:$0x0] =	wrdreg $0xFFFFFFFF;
	(pc) =	sbr.abs _section_cstart, $3  }
0xc0: {  	[dreg:$0x1] =	wrdreg $0xFFFFFFFF  }
0xc1: {  	_ =	task.clear_ibuf [dreg:s6], $0x2FFFF;
	_ =	strace $0x9FFFFFFF  }
0xc2: {  	(tm) =	ssettm $0x7FFFFFFF  }
0xc3: {  	_ =	shalt  }
tec
execute0_lowered:
.L_overlay_start_1:
0x0: {  	(tag) =	ssettag $0x1  }
0x1: {  	s0 =	rddreg [dreg:$0x0]  }
0x2: {  	s1 =	rddreg [dreg:$0x1];
	s2 =	srdreg.scid  }
0x3: {  	s3 =	simm.s32 $0x0;
	s12 =	stileid.u32;
	s28 =	simm.s32 $0x15400  }
0x4: {  	s29 =	simm.s32 $0x80;
	s30 =	simm.s32 $0x14080;
	s31 =	simm.s32 $0x1A800  }
0x5: {  	s2 =	sand.u32 $0x1, s2;
	[smem:$0x7FF] =	sst s3;
	s5 =	smul.u32 $0x50000, s12  }
0x6: {  	s8 =	sadd.s32 $0xD000, s0;
	s9 =	sadd.s32 $0x3000, s0;
	s4 =	sshll.u32 s2, $0x4  }
0x7: {  	_ =	strace $0x8000004A;
	s10 =	ssub.s32 $0x2, s2;
	s2 =	smul.u32 $0x140000, s2  }
0x8: {  	s6 =	sor.u32 s12, s4;
	s4 =	sadd.s32 $0x17000, s0;
	s12 =	smul.u32 $0x14000, s12  }
0x9: {  	s0 =	sadd.s32 $0x3E200, s0;
	s11 =	sshrl.u32 s10, $0x1;
	s7 =	smul.u32 $0x500, s6  }
0xa: {  	s5 =	sshrl.u32 s5, $0x2;
	s6 =	smul.u32 $0x2800, s6;
	s10 =	ssub.s32 s10, s11  }
0xb: {  	s5 =	sadd.s32 s5, s1;
	s25 =	sadd.s32 s2, s12;
	s11 =	sadd.s32 $0x4000, s12  }
0xc: {  	s13 =	smax.u32 s10, $0x1;
	s14 =	sadd.s32 $0x4000, s5;
	s16 =	sadd.s32 $0x8000, s5  }
0xd: {  	s17 =	sadd.s32 $0xC000, s5;
	s18 =	sadd.s32 $0x10000, s5;
	s19 =	sadd.s32 $0x8000, s12  }
0xe: {  	s21 =	sadd.s32 $0xC000, s12;
	s23 =	sadd.s32 $0x10000, s12;
	[dreg:$0x8] =	wrdreg s13  }
0xf: {  	s10 =	simm.s32 $0x15380;
	s12 =	simm.s32 $0x16780;
	[dreg:$0x9] =	wrdreg s14  }
0x10: {  	s6 =	sshrl.u32 s6, $0x3;
	s24 =	sadd.s32 s8, s7;
	[dreg:$0xa] =	wrdreg s16  }
0x11: {  	s7 =	sadd.s32 s9, s7;
	s15 =	sadd.s32 s2, s11;
	[dreg:$0xb] =	wrdreg s17  }
0x12: {  	[dreg:$0xc] =	wrdreg s18;
	s20 =	sadd.s32 s2, s19;
	s22 =	sadd.s32 s2, s21  }
0x13: {  	s2 =	sadd.s32 s2, s23;
	s13 =	simm.s32 $0x0;
	[dreg:$0x3] =	wrdreg s24  }
0x14: {  	s6 =	sadd.s32 $0x280, s6;
	[dreg:$0x4] =	wrdreg s7;
	s7 =	sshrl.u32 s15, $0x3  }
0x15: {  	s24 =	sshrl.u32 s22, $0x3;
	s2 =	sshrl.u32 s2, $0x3;
	s26 =	sadd.s32 s8, s6  }
0x16: {  	s8 =	sshrl.u32 s25, $0x3;
	s6 =	sadd.s32 s9, s6;
	s7 =	sadd.s32 s0, s7  }
0x17: {  	s18 =	sadd.s32 s0, s24;
	s25 =	sadd.s32 s21, s1;
	[dreg:$0x5] =	wrdreg s26  }
0x18: {  	s21 =	simm.s32 $0x5;
	[dreg:$0x6] =	wrdreg s6;
	s9 =	sadd.s32 s0, s8  }
0x19: {  	[dreg:$0xd] =	wrdreg s7;
	s6 =	sadd.s32 s11, s1;
	s8 =	sshrl.u32 s20, $0x3  }
0x1a: {  	s7 =	sadd.s32 s19, s1;
	s19 =	sadd.s32 s0, s2;
	s26 =	sadd.s32 s23, s1  }
0x1b: {  	s20 =	simm.s32 $0x16800;
	s24 =	sshrl.u32 s25, $0x3;
	s2 =	simm.s32 $0x3  }
0x1c: {  	s11 =	simm.s32 $0x16700;
	[dreg:$0x7] =	wrdreg s9;
	s17 =	sadd.s32 s0, s8  }
0x1d: {  	s22 =	sshrl.u32 s6, $0x3;
	s23 =	sshrl.u32 s7, $0x3;
	s25 =	sshrl.u32 s26, $0x3  }
0x1e: {  	s26 =	simm.s32 $0x14000;
	s0 =	simm.s32 $0x1;
	s6 =	simm.s32 $0x14100  }
0x1f: {  	v0 =	vimm.f32 $0.0e+00;
	s7 =	simm.s32 $0x2;
	s8 =	simm.s32 $0x15480;
	s9 =	simm.s32 $0x4  }
.LBB2_1:
0x20: {  	s14 =	simm.s32 $0x0;
	s15 =	simm.s32 $0x200  }
.LBB2_2:
0x21: {  	p0 =	sne.s32 s15, $0xFE00;
	[tilespmem:s14+$0x16870] =	vst v0  }
0x22: {  	[tilespmem:s14+$0x16800] =	vst v0  }
0x23: {  	[tilespmem:s14+$0x16810] =	vst v0  }
.Ltmp0:
0x24: {  	[tilespmem:s14+$0x16820] =	vst v0;
	(pc) =	sbr.rel @p0 .LBB2_2-.Ltmp0, $4  }
0x25: {  	[tilespmem:s14+$0x16830] =	vst v0  }
0x26: {  	[tilespmem:s14+$0x16840] =	vst v0  }
0x27: {  	[tilespmem:s14+$0x16850] =	vst v0  }
0x28: {  	[tilespmem:s14+$0x16860] =	vst v0;
	s14 =	sshra.s32 s15, $0x2;
	s15 =	sadd.s32 $0x200, s15  }
0x29: {  	[tilespmem:s14+$0x16870] =	vst v0  }
0x2a: {  	[tilespmem:s14+$0x16800] =	vst v0  }
0x2b: {  	[tilespmem:s14+$0x16810] =	vst v0  }
0x2c: {  	[tilespmem:s14+$0x16820] =	vst v0  }
0x2d: {  	[tilespmem:s14+$0x16830] =	vst v0  }
0x2e: {  	[tilespmem:s14+$0x16840] =	vst v0  }
0x2f: {  	[tilespmem:s14+$0x16850] =	vst v0  }
0x30: {  	[tilespmem:s14+$0x16860] =	vst v0  }
0x31: {  	[spmem:s5] =	stream.linear.scatter [tilespmem:s20], [sflag:$0x5], $0x4000, $0x38;
	[tilespmem:$0x1E800] =	vst v63  }
0x32: {  	_ =	swait.ge [sflag:s21], $0x4000  }
0x33: {  	[sflag:s21] =	ssyncset.done $0x0  }
0x34: {  	s16 =	rddreg [dreg:$0x9];
	[sflag:s21] =	ssyncadd.s32 $0xFFFFC000  }
0x35: {  	[spmem:s16] =	stream.linear.scatter [tilespmem:s20], [sflag:$0x5], $0x4000, $0x38;
	[tilespmem:$0x1E800] =	vst v63  }
0x36: {  	_ =	swait.ge [sflag:s21], $0x4000  }
0x37: {  	[sflag:s21] =	ssyncset.done $0x0  }
0x38: {  	s15 =	rddreg [dreg:$0xa];
	[sflag:s21] =	ssyncadd.s32 $0xFFFFC000  }
0x39: {  	[spmem:s15] =	stream.linear.scatter [tilespmem:s20], [sflag:$0x5], $0x4000, $0x38;
	[tilespmem:$0x1E800] =	vst v63  }
0x3a: {  	_ =	swait.ge [sflag:s21], $0x4000  }
0x3b: {  	[sflag:s21] =	ssyncset.done $0x0  }
0x3c: {  	s16 =	rddreg [dreg:$0xb];
	[sflag:s21] =	ssyncadd.s32 $0xFFFFC000  }
0x3d: {  	[spmem:s16] =	stream.linear.scatter [tilespmem:s20], [sflag:$0x5], $0x4000, $0x38;
	[tilespmem:$0x1E800] =	vst v63  }
0x3e: {  	_ =	swait.ge [sflag:s21], $0x4000  }
0x3f: {  	[sflag:s21] =	ssyncset.done $0x0  }
0x40: {  	s15 =	rddreg [dreg:$0xc];
	[sflag:s21] =	ssyncadd.s32 $0xFFFFC000  }
0x41: {  	[spmem:s15] =	stream.linear.scatter [tilespmem:s20], [sflag:$0x5], $0x4000, $0x38;
	[tilespmem:$0x1E800] =	vst v63  }
0x42: {  	_ =	swait.ge [sflag:s21], $0x4000  }
0x43: {  	[sflag:s21] =	ssyncset.done $0x0  }
0x44: {  	[sflag:s21] =	ssyncadd.s32 $0xFFFFC000  }
0x45: {  	[bflag:$0x0] =	sbarrier.arrive $0xFFFF  }
0x46: {  	s16 =	rddreg [dreg:$0x3]  }
0x47: {  	[tilespmem:s26], [sflag:$0x5] =	stream.linear.gather [hbm4b:s16+s3], $0x1400, $0x38;
	[tilespmem:$0x1E800] =	vst v63  }
0x48: {  	_ =	swait.ge [sflag:s21], $0x1400  }
0x49: {  	[sflag:s21] =	ssyncset.done $0x0  }
0x4a: {  	s15 =	rddreg [dreg:$0x4];
	[sflag:s21] =	ssyncadd.s32 $0xFFFFEC00  }
0x4b: {  	[tilespmem:s28], [sflag:$0x5] =	stream.linear.gather [hbm4b:s15+s3], $0x1400, $0x38;
	[tilespmem:$0x1E800] =	vst v63  }
0x4c: {  	_ =	swait.ge [sflag:s21], $0x1400  }
0x4d: {  	[sflag:s21] =	ssyncset.done $0x0  }
0x4e: {  	[sflag:s21] =	ssyncadd.s32 $0xFFFFEC00  }
0x4f: {  	[tilespmem:s20], [sflag:$0x1] =	stream.indirect.gather [hbm4b:s4+s29], $0x80, s26, s29, $0xb8;
	[tilespmem:$0x1E800] =	vst v63  }
0x50: {  	_ = 	snop  }
0x51: {  	[tilespmem:s31], [sflag:$0x2] =	stream.indirect.gather [hbm4b:s4+s29], $0x80, s30, s29, $0xb8;
	[tilespmem:$0x1E800] =	vst v63  }
0x52: {  	_ =	swait.ge [sflag:s0], $0x4000  }
0x53: {  	[sflag:s0] =	ssyncset.done $0x0  }
0x54: {  	[sflag:s0] =	ssyncadd.s32 $0xFFFFC000  }
0x55: {  	[spmem:s1] =	stream.indirect.scatter.add.f32 [tilespmem:s20], [sflag:$0x3], $0x80, s28, s29, $0xb8;
	[tilespmem:$0x1E800] =	vst v63  }
0x56: {  	_ =	swait.ge [sflag:s2], $0x4000  }
0x57: {  	[sflag:s2] =	ssyncset.done $0x0  }
0x58: {  	[sflag:s2] =	ssyncadd.s32 $0xFFFFC000  }
0x59: {  	[tilespmem:s20], [sflag:$0x1] =	stream.indirect.gather [hbm4b:s4+s29], $0x80, s6, s29, $0xb8;
	[tilespmem:$0x1E800] =	vst v63  }
0x5a: {  	_ =	swait.ge [sflag:s7], $0x4000  }
0x5b: {  	[sflag:s7] =	ssyncset.done $0x0  }
0x5c: {  	[sflag:s7] =	ssyncadd.s32 $0xFFFFC000  }
0x5d: {  	[spmem:s1] =	stream.indirect.scatter.add.f32 [tilespmem:s31], [sflag:$0x4], $0x80, s8, s29, $0xb8;
	[tilespmem:$0x1E800] =	vst v63  }
0x5e: {  	_ =	swait.ge [sflag:s9], $0x4000  }
0x5f: {  	[sflag:s9] =	ssyncset.done $0x0  }
0x60: {  	s16 =	simm.s32 $0x14180;
	[sflag:s9] =	ssyncadd.s32 $0xFFFFC000  }
0x61: {  	[tilespmem:s31], [sflag:$0x2] =	stream.indirect.gather [hbm4b:s4+s29], $0x80, s16, s29, $0xb8;
	[tilespmem:$0x1E800] =	vst v63  }
0x62: {  	_ =	swait.ge [sflag:s0], $0x4000  }
0x63: {  	[sflag:s0] =	ssyncset.done $0x0  }
0x64: {  	s15 =	simm.s32 $0x15500;
	[sflag:s0] =	ssyncadd.s32 $0xFFFFC000  }
0x65: {  	[spmem:s1] =	stream.indirect.scatter.add.f32 [tilespmem:s20], [sflag:$0x3], $0x80, s15, s29, $0xb8;
	[tilespmem:$0x1E800] =	vst v63  }
0x66: {  	_ =	swait.ge [sflag:s2], $0x4000  }
0x67: {  	[sflag:s2] =	ssyncset.done $0x0  }
0x68: {  	s16 =	simm.s32 $0x14200;
	[sflag:s2] =	ssyncadd.s32 $0xFFFFC000  }
0x69: {  	[tilespmem:s20], [sflag:$0x1] =	stream.indirect.gather [hbm4b:s4+s29], $0x80, s16, s29, $0xb8;
	[tilespmem:$0x1E800] =	vst v63  }
0x6a: {  	_ =	swait.ge [sflag:s7], $0x4000  }
0x6b: {  	[sflag:s7] =	ssyncset.done $0x0  }
0x6c: {  	s14 =	simm.s32 $0xFFFFBC00;
	s15 =	simm.s32 $0x15580;
	[sflag:s7] =	ssyncadd.s32 $0xFFFFC000  }
.LBB2_4:
0x6d: {  	[spmem:s1] =	stream.indirect.scatter.add.f32 [tilespmem:s31], [sflag:$0x4], $0x80, s15, s29, $0xb8;
	[tilespmem:$0x1E800] =	vst v63  }
0x6e: {  	s15 =	smov.u32 s14  }
0x6f: {  	p0 =	sne.s32 s14, $0xFFFFFC00;
	s14 =	sadd.s32 $0x400, s14;
	_ =	swait.ge [sflag:s9], $0x4000  }
0x70: {  	s15 =	sshra.s32 s15, $0x2;
	[sflag:s9] =	ssyncset.done $0x0  }
0x71: {  	s16 =	sadd.s32 $0x15380, s15;
	[sflag:s9] =	ssyncadd.s32 $0xFFFFC000  }
0x72: {  	[tilespmem:s31], [sflag:$0x2] =	stream.indirect.gather [hbm4b:s4+s29], $0x80, s16, s29, $0xb8;
	[tilespmem:$0x1E800] =	vst v63  }
0x73: {  	_ =	swait.ge [sflag:s0], $0x4000  }
0x74: {  	[sflag:s0] =	ssyncset.done $0x0  }
0x75: {  	s16 =	sadd.s32 $0x16700, s15;
	[sflag:s0] =	ssyncadd.s32 $0xFFFFC000  }
0x76: {  	[spmem:s1] =	stream.indirect.scatter.add.f32 [tilespmem:s20], [sflag:$0x3], $0x80, s16, s29, $0xb8;
	[tilespmem:$0x1E800] =	vst v63  }
0x77: {  	_ =	swait.ge [sflag:s2], $0x4000  }
0x78: {  	[sflag:s2] =	ssyncset.done $0x0  }
.Ltmp1:
0x79: {  	s16 =	sadd.s32 $0x15400, s15;
	[sflag:s2] =	ssyncadd.s32 $0xFFFFC000;
	(pc) =	sbr.rel @p0 .LBB2_4-.Ltmp1, $4  }
0x7a: {  	[tilespmem:s20], [sflag:$0x1] =	stream.indirect.gather [hbm4b:s4+s29], $0x80, s16, s29, $0xb8;
	[tilespmem:$0x1E800] =	vst v63  }
0x7b: {  	_ =	swait.ge [sflag:s7], $0x4000  }
0x7c: {  	[sflag:s7] =	ssyncset.done $0x0  }
0x7d: {  	s15 =	sadd.s32 $0x16780, s15;
	[sflag:s7] =	ssyncadd.s32 $0xFFFFC000  }
0x7e: {  	[spmem:s1] =	stream.indirect.scatter.add.f32 [tilespmem:s31], [sflag:$0x4], $0x80, s15, s29, $0xb8;
	[tilespmem:$0x1E800] =	vst v63  }
0x7f: {  	_ =	swait.ge [sflag:s9], $0x4000  }
0x80: {  	[sflag:s9] =	ssyncset.done $0x0  }
0x81: {  	[sflag:s9] =	ssyncadd.s32 $0xFFFFC000  }
0x82: {  	[tilespmem:s31], [sflag:$0x2] =	stream.indirect.gather [hbm4b:s4+s29], $0x80, s10, s29, $0xb8;
	[tilespmem:$0x1E800] =	vst v63  }
0x83: {  	_ =	swait.ge [sflag:s0], $0x4000  }
0x84: {  	[sflag:s0] =	ssyncset.done $0x0  }
0x85: {  	[sflag:s0] =	ssyncadd.s32 $0xFFFFC000  }
0x86: {  	[spmem:s1] =	stream.indirect.scatter.add.f32 [tilespmem:s20], [sflag:$0x3], $0x80, s11, s29, $0xb8;
	[tilespmem:$0x1E800] =	vst v63  }
0x87: {  	_ =	swait.ge [sflag:s2], $0x4000  }
0x88: {  	[sflag:s2] =	ssyncset.done $0x0  }
0x89: {  	[sflag:s2] =	ssyncadd.s32 $0xFFFFC000  }
0x8a: {  	_ =	swait.ge [sflag:s7], $0x4000  }
0x8b: {  	[sflag:s7] =	ssyncset.done $0x0  }
0x8c: {  	[sflag:s7] =	ssyncadd.s32 $0xFFFFC000  }
0x8d: {  	[spmem:s1] =	stream.indirect.scatter.add.f32 [tilespmem:s31], [sflag:$0x4], $0x80, s12, s29, $0xb8;
	[tilespmem:$0x1E800] =	vst v63  }
0x8e: {  	_ =	swait.ge [sflag:s9], $0x4000  }
0x8f: {  	[sflag:s9] =	ssyncset.done $0x0  }
0x90: {  	s14 =	rddreg [dreg:$0x5];
	[sflag:s9] =	ssyncadd.s32 $0xFFFFC000  }
0x91: {  	[tilespmem:s26], [sflag:$0x5] =	stream.linear.gather [hbm4b:s14+s3], $0x1400, $0x38;
	[tilespmem:$0x1E800] =	vst v63  }
0x92: {  	_ =	swait.ge [sflag:s21], $0x1400  }
0x93: {  	[sflag:s21] =	ssyncset.done $0x0  }
0x94: {  	s15 =	rddreg [dreg:$0x6];
	[sflag:s21] =	ssyncadd.s32 $0xFFFFEC00  }
0x95: {  	[tilespmem:s28], [sflag:$0x5] =	stream.linear.gather [hbm4b:s15+s3], $0x1400, $0x38;
	[tilespmem:$0x1E800] =	vst v63  }
0x96: {  	_ =	swait.ge [sflag:s21], $0x1400  }
0x97: {  	[sflag:s21] =	ssyncset.done $0x0  }
0x98: {  	[sflag:s21] =	ssyncadd.s32 $0xFFFFEC00  }
0x99: {  	[tilespmem:s20], [sflag:$0x1] =	stream.indirect.gather [hbm4b:s4+s29], $0x80, s26, s29, $0xb8;
	[tilespmem:$0x1E800] =	vst v63  }
0x9a: {  	_ = 	snop  }
0x9b: {  	[tilespmem:s31], [sflag:$0x2] =	stream.indirect.gather [hbm4b:s4+s29], $0x80, s30, s29, $0xb8;
	[tilespmem:$0x1E800] =	vst v63  }
0x9c: {  	_ =	swait.ge [sflag:s0], $0x4000  }
0x9d: {  	[sflag:s0] =	ssyncset.done $0x0  }
0x9e: {  	[sflag:s0] =	ssyncadd.s32 $0xFFFFC000  }
0x9f: {  	[spmem:s1] =	stream.indirect.scatter.add.f32 [tilespmem:s20], [sflag:$0x3], $0x80, s28, s29, $0xb8;
	[tilespmem:$0x1E800] =	vst v63  }
0xa0: {  	_ =	swait.ge [sflag:s2], $0x4000  }
0xa1: {  	[sflag:s2] =	ssyncset.done $0x0  }
0xa2: {  	[sflag:s2] =	ssyncadd.s32 $0xFFFFC000  }
0xa3: {  	[tilespmem:s20], [sflag:$0x1] =	stream.indirect.gather [hbm4b:s4+s29], $0x80, s6, s29, $0xb8;
	[tilespmem:$0x1E800] =	vst v63  }
0xa4: {  	_ =	swait.ge [sflag:s7], $0x4000  }
0xa5: {  	[sflag:s7] =	ssyncset.done $0x0  }
0xa6: {  	[sflag:s7] =	ssyncadd.s32 $0xFFFFC000  }
0xa7: {  	[spmem:s1] =	stream.indirect.scatter.add.f32 [tilespmem:s31], [sflag:$0x4], $0x80, s8, s29, $0xb8;
	[tilespmem:$0x1E800] =	vst v63  }
0xa8: {  	_ =	swait.ge [sflag:s9], $0x4000  }
0xa9: {  	[sflag:s9] =	ssyncset.done $0x0  }
0xaa: {  	s16 =	simm.s32 $0x14180;
	[sflag:s9] =	ssyncadd.s32 $0xFFFFC000  }
0xab: {  	[tilespmem:s31], [sflag:$0x2] =	stream.indirect.gather [hbm4b:s4+s29], $0x80, s16, s29, $0xb8;
	[tilespmem:$0x1E800] =	vst v63  }
0xac: {  	_ =	swait.ge [sflag:s0], $0x4000  }
0xad: {  	[sflag:s0] =	ssyncset.done $0x0  }
0xae: {  	s15 =	simm.s32 $0x15500;
	[sflag:s0] =	ssyncadd.s32 $0xFFFFC000  }
0xaf: {  	[spmem:s1] =	stream.indirect.scatter.add.f32 [tilespmem:s20], [sflag:$0x3], $0x80, s15, s29, $0xb8;
	[tilespmem:$0x1E800] =	vst v63  }
0xb0: {  	_ =	swait.ge [sflag:s2], $0x4000  }
0xb1: {  	[sflag:s2] =	ssyncset.done $0x0  }
0xb2: {  	s16 =	simm.s32 $0x14200;
	[sflag:s2] =	ssyncadd.s32 $0xFFFFC000  }
0xb3: {  	[tilespmem:s20], [sflag:$0x1] =	stream.indirect.gather [hbm4b:s4+s29], $0x80, s16, s29, $0xb8;
	[tilespmem:$0x1E800] =	vst v63  }
0xb4: {  	_ =	swait.ge [sflag:s7], $0x4000  }
0xb5: {  	[sflag:s7] =	ssyncset.done $0x0  }
0xb6: {  	s14 =	simm.s32 $0xFFFFBC00;
	s15 =	simm.s32 $0x15580;
	[sflag:s7] =	ssyncadd.s32 $0xFFFFC000  }
.LBB2_6:
0xb7: {  	[spmem:s1] =	stream.indirect.scatter.add.f32 [tilespmem:s31], [sflag:$0x4], $0x80, s15, s29, $0xb8;
	[tilespmem:$0x1E800] =	vst v63  }
0xb8: {  	s15 =	smov.u32 s14  }
0xb9: {  	p0 =	sne.s32 s14, $0xFFFFFC00;
	s14 =	sadd.s32 $0x400, s14;
	_ =	swait.ge [sflag:s9], $0x4000  }
0xba: {  	s15 =	sshra.s32 s15, $0x2;
	[sflag:s9] =	ssyncset.done $0x0  }
0xbb: {  	s16 =	sadd.s32 $0x15380, s15;
	[sflag:s9] =	ssyncadd.s32 $0xFFFFC000  }
0xbc: {  	[tilespmem:s31], [sflag:$0x2] =	stream.indirect.gather [hbm4b:s4+s29], $0x80, s16, s29, $0xb8;
	[tilespmem:$0x1E800] =	vst v63  }
0xbd: {  	_ =	swait.ge [sflag:s0], $0x4000  }
0xbe: {  	[sflag:s0] =	ssyncset.done $0x0  }
0xbf: {  	s16 =	sadd.s32 $0x16700, s15;
	[sflag:s0] =	ssyncadd.s32 $0xFFFFC000  }
0xc0: {  	[spmem:s1] =	stream.indirect.scatter.add.f32 [tilespmem:s20], [sflag:$0x3], $0x80, s16, s29, $0xb8;
	[tilespmem:$0x1E800] =	vst v63  }
0xc1: {  	_ =	swait.ge [sflag:s2], $0x4000  }
0xc2: {  	[sflag:s2] =	ssyncset.done $0x0  }
.Ltmp2:
0xc3: {  	s16 =	sadd.s32 $0x15400, s15;
	[sflag:s2] =	ssyncadd.s32 $0xFFFFC000;
	(pc) =	sbr.rel @p0 .LBB2_6-.Ltmp2, $4  }
0xc4: {  	[tilespmem:s20], [sflag:$0x1] =	stream.indirect.gather [hbm4b:s4+s29], $0x80, s16, s29, $0xb8;
	[tilespmem:$0x1E800] =	vst v63  }
0xc5: {  	_ =	swait.ge [sflag:s7], $0x4000  }
0xc6: {  	[sflag:s7] =	ssyncset.done $0x0  }
0xc7: {  	s15 =	sadd.s32 $0x16780, s15;
	[sflag:s7] =	ssyncadd.s32 $0xFFFFC000  }
0xc8: {  	[spmem:s1] =	stream.indirect.scatter.add.f32 [tilespmem:s31], [sflag:$0x4], $0x80, s15, s29, $0xb8;
	[tilespmem:$0x1E800] =	vst v63  }
0xc9: {  	_ =	swait.ge [sflag:s9], $0x4000  }
0xca: {  	[sflag:s9] =	ssyncset.done $0x0  }
0xcb: {  	[sflag:s9] =	ssyncadd.s32 $0xFFFFC000  }
0xcc: {  	[tilespmem:s31], [sflag:$0x2] =	stream.indirect.gather [hbm4b:s4+s29], $0x80, s10, s29, $0xb8;
	[tilespmem:$0x1E800] =	vst v63  }
0xcd: {  	_ =	swait.ge [sflag:s0], $0x4000  }
0xce: {  	[sflag:s0] =	ssyncset.done $0x0  }
0xcf: {  	[sflag:s0] =	ssyncadd.s32 $0xFFFFC000  }
0xd0: {  	[spmem:s1] =	stream.indirect.scatter.add.f32 [tilespmem:s20], [sflag:$0x3], $0x80, s11, s29, $0xb8;
	[tilespmem:$0x1E800] =	vst v63  }
0xd1: {  	_ =	swait.ge [sflag:s2], $0x4000  }
0xd2: {  	[sflag:s2] =	ssyncset.done $0x0  }
0xd3: {  	[sflag:s2] =	ssyncadd.s32 $0xFFFFC000  }
0xd4: {  	_ =	swait.ge [sflag:s7], $0x4000  }
0xd5: {  	[sflag:s7] =	ssyncset.done $0x0  }
0xd6: {  	[sflag:s7] =	ssyncadd.s32 $0xFFFFC000  }
0xd7: {  	[spmem:s1] =	stream.indirect.scatter.add.f32 [tilespmem:s31], [sflag:$0x4], $0x80, s12, s29, $0xb8;
	[tilespmem:$0x1E800] =	vst v63  }
0xd8: {  	_ =	swait.ge [sflag:s9], $0x4000  }
0xd9: {  	[sflag:s9] =	ssyncset.done $0x0  }
0xda: {  	s14 =	stileid.u32;
	[sflag:s9] =	ssyncadd.s32 $0xFFFFC000  }
0xdb: {  	s14 =	sshll.u32 s14, $0x6;
	[bflag:$0x0] =	sbarrier.arrive $0xFFFF  }
0xdc: {  	s15 =	sshrl.u32 s5, $0x3;
	s14 =	sor.u32 $0x1C05, s14;
	s16 =	rddreg [dreg:$0x7]  }
0xdd: {  	[hbm:s16], [sflag:s14] =	dma.local [spmem:s15], $0x800  }
0xde: {  	_ =	swait.ge [sflag:s21], $0x800  }
0xdf: {  	[sflag:s21] =	ssyncset.done $0x0  }
0xe0: {  	s16 =	rddreg [dreg:$0xd];
	[sflag:s21] =	ssyncadd.s32 $0xFFFFF800  }
0xe1: {  	[hbm:s16], [sflag:s14] =	dma.local [spmem:s22], $0x800  }
0xe2: {  	_ =	swait.ge [sflag:s21], $0x800  }
0xe3: {  	[sflag:s21] =	ssyncset.done $0x0  }
0xe4: {  	[sflag:s21] =	ssyncadd.s32 $0xFFFFF800  }
0xe5: {  	[hbm:s17], [sflag:s14] =	dma.local [spmem:s23], $0x800  }
0xe6: {  	_ =	swait.ge [sflag:s21], $0x800  }
0xe7: {  	[sflag:s21] =	ssyncset.done $0x0  }
0xe8: {  	[sflag:s21] =	ssyncadd.s32 $0xFFFFF800  }
0xe9: {  	[hbm:s18], [sflag:s14] =	dma.local [spmem:s24], $0x800  }
0xea: {  	_ =	swait.ge [sflag:s21], $0x800  }
0xeb: {  	[sflag:s21] =	ssyncset.done $0x0  }
0xec: {  	[sflag:s21] =	ssyncadd.s32 $0xFFFFF800  }
0xed: {  	[hbm:s19], [sflag:s14] =	dma.local [spmem:s25], $0x800  }
0xee: {  	_ =	swait.ge [sflag:s21], $0x800  }
0xef: {  	s13 =	sadd.s32 $0x1, s13;
	s16 =	rddreg [dreg:$0x8]  }
0xf0: {  	p0 =	sne.s32 s13, s16  }
.Ltmp3:
0xf1: {  	_ = 	snop;
	(pc) =	sbr.rel @p0 .LBB2_1-.Ltmp3, $3  }
0xf2: {  	_ =	sdelay $0x1  }
0xf3: {  	[sflag:s21] =	ssyncset.done $0x0  }
0xf4: {  	[sflag:s21] =	ssyncadd.s32 $0xFFFFF800  }
0xf5: {  	_ =	sfence.sel $0x180000  }
0xf6: {  	[bflag:$0x0] =	sbarrier.arrive $0xFFFF  }
0xf7: {  	_ =	strace $0x9000004A  }
0xf8: {  	s0 =	stileid.u32;
	[bflag:$0x2] =	sbarrier.arrive $0xFFFF  }
0xf9: {  	p0 =	sne.s32 s0, $0x0;
	s0 =	rddreg [dreg:$0x2]  }
0xfa: {  	s0 =	sadd.s32 @!p0 $0x100000, s0  }
0xfb: {  	[sflag:s0] =	ssyncadd.tile.s32 @!p0 $0x1;
	_ =	shalt  }
.Lfunc_end2:
_tile_overlayer_lowered:
.L_overlay_start_2:
0xfc: {  	(tag) =	ssettag $0x2  }
0xfd: {  	s0 =	rddreg [dreg:$0x0];
	s2 =	stileid.u32  }
0xfe: {  	s1 =	rddreg [dreg:$0x1];
	p0 =	sne.s32 s2, $0x0  }
0xff: {  	s3 =	rddreg [dreg:$0x2];
	[bflag:$0x3] =	sbarrier.arrive $0xFFFF;
	s2 =	simm.s32 @!p0 $0x1C05  }
0x100: {  	[timem:s3], [sflag:s2] =	dma.local @!p0 [hbm:s0], s1  }
0x101: {  	s0 =	simm.s32 @!p0 $0x5  }
0x102: {  	_ =	swait.ge @!p0 [sflag:s0], s1  }
0x103: {  	s1 =	ssub.s32 @!p0 $0x0, s1;
	[sflag:s0] =	ssyncset.done @!p0 $0x0  }
0x104: {  	[sflag:s0] =	ssyncadd.s32 @!p0 s1  }
0x105: {  	[bflag:$0x3] =	sbarrier.arrive $0xFFFF  }
0x106: {  	_ =	shalt  }

// kernel: kernel.15.cloned.1.call-start
scs
__scs_entry_jumppad:
0x0: {  	(pc) =	sbr.rel $0x88, $3  }
0x1: {  	(tag) =	ssettag $0x0;
	lr =	simm.s32 $0x1  }
0x2: {  	[smem:$0x3F95] =	sst lr;
	_ =	strace $0xD0000000  }
0x3: {  	_ = 	snop  }
0x4: {  	_ = 	snop  }
0x5: {  	_ = 	snop  }
0x6: {  	_ = 	snop  }
0x7: {  	_ = 	snop  }
__scs_overlays_trampoline_lowered:
0x8: {  	[smem:$0x3FA4] =	sst s0  }
0x9: {  	[smem:$0x3FA5] =	sst s1  }
0xa: {  	[smem:$0x3FA6] =	sst s2  }
0xb: {  	[smem:$0x3FA7] =	sst s3  }
0xc: {  	[smem:$0x3FA8] =	sst s4  }
0xd: {  	[smem:$0x3FA9] =	sst s5  }
0xe: {  	[smem:$0x3FAA] =	sst s6  }
0xf: {  	[smem:$0x3FAB] =	sst s7  }
0x10: {  	[smem:$0x3FAC] =	sst s8  }
0x11: {  	[smem:$0x3FAD] =	sst s9;
	s0 =	simm.s32 @!p0 $0x0  }
0x12: {  	s1 =	sld [smem:$0x3F93];
	s0 =	simm.s32 @p0 $0x1  }
0x13: {  	[smem:$0x3FAE] =	sst s0;
	s0 =	simm.s32 @!p1 $0x0  }
0x14: {  	s2 =	sld [smem:$0x3F92];
	s0 =	simm.s32 @p1 $0x1  }
0x15: {  	[smem:$0x3FAF] =	sst s0;
	s0 =	simm.s32 @!p2 $0x0  }
0x16: {  	s3 =	sld [smem:$0x3FDB];
	s0 =	simm.s32 @p2 $0x1  }
0x17: {  	s4 =	simm.s32 $0x1BF5;
	[smem:$0x3FB1] =	sst s0  }
0x18: {  	s0 =	sld [smem:$0x3F94];
	_ =	swait.ge [sflag:s4], $0x0  }
0x19: {  	s7 =	sld [smem:$0x3F95]  }
0x1a: {  	s8 =	sadd.s32 $0xFFFFE003, lr  }
0x1b: {  	s9 =	sadd.s32 $0xFFFFFEF7, lr;
	s5 =	simm.s32 $0xFFFFFFFF;
	p2 =	slt.u32 s8, $0xFFFFF086  }
0x1c: {  	p1 =	slt.u32 s9, $0xF7A;
	s5 =	simm.s32 @!p2 $0x0  }
0x1d: {  	s5 =	simm.s32 @p1 $0x1;
	p0 =	seq.s32 s7, s2  }
0x1e: {  	s7 =	smul.u32 @!p0 $0xF7A, s2;
	p2 =	seq.s32 @!p0 s5, $0x0  }
0x1f: {  	s9 =	smul.u32 $0xF7A, s1;
	s8 =	simm.s32 @!p0 $0x1BF5;
	p2 =	por !p2, p0  }
0x20: {  	[sflag:s8] =	ssyncset.s32 @!p0 $0xFFFFF086;
	s6 =	sadd.s32 @!p0 s3, s7;
	s7 =	simm.s32 @!p0 $0x108  }
0x21: {  	s3 =	sadd.s32 s3, s9;
	s6 =	sadd.s32 @!p0 $0x88, s6;
	s7 =	simm.s32 @p2 $0x1082  }
0x22: {  	[simem:s7], [sflag:s8] =	dma.local @!p0 [hbm:s6], $0xF7A  }
0x23: {  	s9 =	sor.u32 $0xD0000000, s2;
	s6 =	simm.s32 $0x108;
	_ =	swait.ge @!p0 [sflag:s8], $0x0  }
0x24: {  	s3 =	sadd.s32 $0x88, s3;
	s6 =	simm.s32 @!p1 $0x1082;
	[sflag:s4] =	ssyncset.s32 $0xFFFFF086  }
0x25: {  	[simem:s6], [sflag:s4] =	dma.local [hbm:s3], $0xF7A  }
0x26: {  	[smem:$0x3F95] =	sst s1;
	(tag) =	ssettag s2;
	_ =	strace s9  }
0x27: {  	s1 =	sld [smem:$0x3FA5]  }
0x28: {  	s2 =	sld [smem:$0x3FA6]  }
0x29: {  	s4 =	sld [smem:$0x3FA8]  }
0x2a: {  	p0 =	seq.s32 s5, $0x0;
	s5 =	sld [smem:$0x3FA9]  }
0x2b: {  	s6 =	sld [smem:$0x3FAA]  }
0x2c: {  	s7 =	sld [smem:$0x3FAB]  }
0x2d: {  	s3 =	simm.s32 $0x108;
	s8 =	sld [smem:$0x3FAC]  }
0x2e: {  	s3 =	simm.s32 @!p0 $0x1082;
	s9 =	sld [smem:$0x3FAD]  }
0x2f: {  	lr =	sadd.s32 s0, s3;
	s0 =	sld [smem:$0x3FA4]  }
0x30: {  	s3 =	sld [smem:$0x3FA7]  }
0x31: {  	[smem:$0x3FB0] =	sst s10  }
0x32: {  	s10 =	sld [smem:$0x3FAE];
	_ =	sdelay $0x3  }
0x33: {  	p0 =	seq.s32 s10, $0x1;
	s10 =	sld [smem:$0x3FB0];
	_ =	sdelay $0x3  }
0x34: {  	[smem:$0x3FB0] =	sst s10  }
0x35: {  	s10 =	sld [smem:$0x3FAF];
	_ =	sdelay $0x3  }
0x36: {  	p1 =	seq.s32 s10, $0x1;
	s10 =	sld [smem:$0x3FB0];
	_ =	sdelay $0x3  }
0x37: {  	[smem:$0x3FB0] =	sst s10  }
0x38: {  	s10 =	sld [smem:$0x3FB1]  }
0x39: {  	_ = 	snop;
	(pc) =	sbr.ind lr, $3  }
0x3a: {  	_ = 	snop  }
0x3b: {  	_ = 	snop  }
0x3c: {  	p2 =	seq.s32 s10, $0x1;
	s10 =	sld [smem:$0x3FB0]  }
0x3d: {  	_ =	shalt  }
0x3e: {  	_ =	shalt  }
0x3f: {  	_ =	shalt  }
0x40: {  	_ =	shalt  }
0x41: {  	_ =	shalt  }
0x42: {  	_ =	shalt  }
0x43: {  	_ =	shalt  }
0x44: {  	_ =	shalt  }
0x45: {  	_ =	shalt  }
0x46: {  	_ =	shalt  }
0x47: {  	_ =	shalt  }
0x48: {  	_ =	shalt  }
0x49: {  	_ =	shalt  }
0x4a: {  	_ =	shalt  }
0x4b: {  	_ =	shalt  }
0x4c: {  	_ =	shalt  }
0x4d: {  	_ =	shalt  }
0x4e: {  	_ =	shalt  }
0x4f: {  	_ =	shalt  }
0x50: {  	_ =	shalt  }
0x51: {  	_ =	shalt  }
0x52: {  	_ =	shalt  }
0x53: {  	_ =	shalt  }
0x54: {  	_ =	shalt  }
0x55: {  	_ =	shalt  }
0x56: {  	_ =	shalt  }
0x57: {  	_ =	shalt  }
0x58: {  	_ =	shalt  }
0x59: {  	_ =	shalt  }
0x5a: {  	_ =	shalt  }
0x5b: {  	_ =	shalt  }
0x5c: {  	_ =	shalt  }
0x5d: {  	_ =	shalt  }
0x5e: {  	_ =	shalt  }
0x5f: {  	_ =	shalt  }
0x60: {  	_ =	shalt  }
0x61: {  	_ =	shalt  }
0x62: {  	_ =	shalt  }
0x63: {  	_ =	shalt  }
0x64: {  	_ =	shalt  }
0x65: {  	_ =	shalt  }
0x66: {  	_ =	shalt  }
0x67: {  	_ =	shalt  }
0x68: {  	_ =	shalt  }
0x69: {  	_ =	shalt  }
0x6a: {  	_ =	shalt  }
0x6b: {  	_ =	shalt  }
0x6c: {  	_ =	shalt  }
0x6d: {  	_ =	shalt  }
0x6e: {  	_ =	shalt  }
0x6f: {  	_ =	shalt  }
0x70: {  	_ =	shalt  }
0x71: {  	_ =	shalt  }
0x72: {  	_ =	shalt  }
0x73: {  	_ =	shalt  }
0x74: {  	_ =	shalt  }
0x75: {  	_ =	shalt  }
0x76: {  	_ =	shalt  }
0x77: {  	_ =	shalt  }
0x78: {  	_ =	shalt  }
0x79: {  	_ =	shalt  }
0x7a: {  	_ =	shalt  }
0x7b: {  	_ =	shalt  }
0x7c: {  	_ =	shalt  }
0x7d: {  	_ =	shalt  }
0x7e: {  	_ =	shalt  }
0x7f: {  	_ =	shalt  }
0x80: {  	_ =	shalt  }
0x81: {  	_ =	shalt  }
0x82: {  	_ =	shalt  }
0x83: {  	_ =	shalt  }
0x84: {  	_ =	shalt  }
0x85: {  	_ =	shalt  }
0x86: {  	_ =	shalt  }
0x87: {  	_ =	shalt  }
.Lfunc_end0:
.L_simem_size_0:
called_computation.2_lowered:
.L_overlay_start_0:
0x88: {  	s2 =	sld [smem:$0x3FD9]  }
0x89: {  	s3 =	sld [smem:$0x3FFE];
	_ =	sdelay $0x1  }
0x8a: {  	s1 =	srdreg.scid  }
0x8b: {  	s0 =	sand.u32 $0x1, s1  }
0x8c: {  	s16 =	sshll.u32 s0, $0xA;
	s2 =	sadd.s32 s3, s2  }
0x8d: {  	s2 =	sadd.s32 s2, s16  }
0x8e: {  	[smem:$0x3FBC] =	sst s2  }
0x8f: {  	_ = 	snop  }
0x90: {  	(tm) =	ssettm $0x1  }
0x91: {  	s17 =	sld [smem:$0x3FFB];
	_ =	sdelay $0x3  }
0x92: {  	_ =	strace s17  }
0x93: {  	s2 =	sld [smem:$0x3FFC];
	_ =	sdelay $0x3  }
0x94: {  	_ =	strace s2  }
0x95: {  	s2 =	sld [smem:$0x3FFD];
	_ =	sdelay $0x3  }
0x96: {  	_ =	strace s2  }
0x97: {  	_ =	strace $0x8FFFFFFF  }
0x98: {  	s18 =	sld [smem:$0x3FDB];
	_ =	sdelay $0x1  }
0x99: {  	s19 =	simm.s32 $_scs_section_size  }
0x9a: {  	s4 =	simm.s32 $_size__tile_overlayer_lowered;
	s5 =	simm.s32 $_tile_overlayer_lowered  }
0x9b: {  	s22 =	simm.s32 $0x1BFF;
	s21 =	sshll.u32 s5, $0x1;
	s2 =	sadd.s32 s19, s18  }
0x9c: {  	s6 =	simm.s32 $0x0;
	s20 =	sshll.u32 s4, $0x1;
	s4 =	sadd.s32 s21, s2  }
0x9d: {  	[timem:s6], [sflag:s22] =	dma.local [hbm:s4], s20  }
0x9e: {  	_ =	swait.ge [sflag:s22], s20  }
0x9f: {  	s3 =	ssub.s32 $0x0, s20;
	[sflag:s22] =	ssyncset.done $0x0  }
0xa0: {  	[sflag:s22] =	ssyncadd.s32 s3;
	_ =	sdelay $0x1  }
0xa1: {  	s23 =	simm.s32 $0x1B8B  }
0xa2: {  	_ =	swait.ge [sflag:s23], $0x1  }
0xa3: {  	[sflag:s23] =	ssyncset.done $0x0  }
0xa4: {  	s25 =	simm.s32 $0x1B8E;
	s24 =	sld [smem:$0x3FFE];
	[sflag:s23] =	ssyncadd.s32 $0xFFFFFFFF  }
0xa5: {  	s26 =	simm.s32 $execute0_lowered;
	[smem:$0x3FD2] =	sst s25  }
0xa6: {  	s4 =	sshll.u32 s26, $0x1;
	_ =	strace $0x8000004C;
	[dreg:$0x1] =	wrdreg $0xFFFFFFFF  }
0xa7: {  	s28 =	simm.s32 $_size_execute0_lowered;
	s2 =	sadd.s32 s2, s4;
	[dreg:$0x0] =	wrdreg $0x0  }
0xa8: {  	s4 =	sshll.u32 s28, $0x1;
	[dreg:$0x2] =	wrdreg s2  }
0xa9: {  	[dreg:$0x3] =	wrdreg s4  }
0xaa: {  	[dreg:$0x4] =	wrdreg $0xC0  }
0xab: {  	_ =	task [dreg:s6], $0x5FFFF  }
0xac: {  	[dreg:$0x1] =	wrdreg $0xFFFFFFFF  }
0xad: {  	[dreg:$0x0] =	wrdreg $0x60  }
0xae: {  	[dreg:$0x2] =	wrdreg s24  }
0xaf: {  	[dreg:$0x3] =	wrdreg $0x0  }
0xb0: {  	[dreg:$0x4] =	wrdreg $0x9  }
0xb1: {  	_ =	task.clear_ibuf [dreg:s6], $0x5FFFF;
	_ =	strace $0x9000004C  }
0xb2: {  	s29 =	simm.s32 $0x9;
	_ =	strace $0x8000004E  }
0xb3: {  	_ =	swait.ge [sflag:s29], $0x1  }
0xb4: {  	[sflag:s29] =	ssyncadd.s32 $0xFFFFFFFF  }
0xb5: {  	_ =	strace $0x9000004E  }
0xb6: {  	_ =	sfence  }
0xb7: {  	s30 =	sld [smem:$0x0];
	_ =	sdelay $0x2  }
0xb8: {  	s31 =	sshll.u32 s1, $0xD;
	s1 =	sshrl.u32 s1, $0x2  }
0xb9: {  	s3 =	sand.u32 $0x4000, s31;
	s1 =	sadd.s32 s1, s30  }
0xba: {  	s0 =	sor.u32 s3, s0;
	s1 =	sshll.u32 s1, $0x11  }
0xbb: {  	s0 =	sor.u32 s1, s0  }
0xbc: {  	s0 =	sadd.s32 $0x8F2B, s0  }
0xbd: {  	[sflag:s0] =	ssyncadd.remote.s32 $0x1  }
0xbe: {  	_ =	sfence.sel $0xFFFF  }
0xbf: {  	[dreg:$0x0] =	wrdreg $0xFFFFFFFF;
	(pc) =	sbr.abs _section_cstart, $3  }
0xc0: {  	[dreg:$0x1] =	wrdreg $0xFFFFFFFF  }
0xc1: {  	_ =	task.clear_ibuf [dreg:s6], $0x2FFFF;
	_ =	strace $0x9FFFFFFF  }
0xc2: {  	(tm) =	ssettm $0x7FFFFFFF  }
0xc3: {  	_ =	shalt  }
tec
execute0_lowered:
.L_overlay_start_1:
0x0: {  	(tag) =	ssettag $0x1  }
0x1: {  	s0 =	rddreg [dreg:$0x0]  }
0x2: {  	s1 =	rddreg [dreg:$0x1];
	s2 =	srdreg.scid  }
0x3: {  	s3 =	simm.s32 $0x0;
	s12 =	stileid.u32;
	s28 =	simm.s32 $0x15400  }
0x4: {  	s29 =	simm.s32 $0x80;
	s30 =	simm.s32 $0x14080;
	s31 =	simm.s32 $0x1A800  }
0x5: {  	s2 =	sand.u32 $0x1, s2;
	[smem:$0x7FF] =	sst s3;
	s5 =	smul.u32 $0x50000, s12  }
0x6: {  	s8 =	sadd.s32 $0xD000, s0;
	s9 =	sadd.s32 $0x3000, s0;
	s4 =	sshll.u32 s2, $0x4  }
0x7: {  	_ =	strace $0x8000004D;
	s10 =	ssub.s32 $0x2, s2;
	s2 =	smul.u32 $0x140000, s2  }
0x8: {  	s6 =	sor.u32 s12, s4;
	s4 =	sadd.s32 $0x17000, s0;
	s12 =	smul.u32 $0x14000, s12  }
0x9: {  	s0 =	sadd.s32 $0x3E200, s0;
	s11 =	sshrl.u32 s10, $0x1;
	s7 =	smul.u32 $0x500, s6  }
0xa: {  	s5 =	sshrl.u32 s5, $0x2;
	s6 =	smul.u32 $0x2800, s6;
	s10 =	ssub.s32 s10, s11  }
0xb: {  	s5 =	sadd.s32 s5, s1;
	s25 =	sadd.s32 s2, s12;
	s11 =	sadd.s32 $0x4000, s12  }
0xc: {  	s13 =	smax.u32 s10, $0x1;
	s14 =	sadd.s32 $0x4000, s5;
	s16 =	sadd.s32 $0x8000, s5  }
0xd: {  	s17 =	sadd.s32 $0xC000, s5;
	s18 =	sadd.s32 $0x10000, s5;
	s19 =	sadd.s32 $0x8000, s12  }
0xe: {  	s21 =	sadd.s32 $0xC000, s12;
	s23 =	sadd.s32 $0x10000, s12;
	[dreg:$0x8] =	wrdreg s13  }
0xf: {  	s10 =	simm.s32 $0x15380;
	s12 =	simm.s32 $0x16780;
	[dreg:$0x9] =	wrdreg s14  }
0x10: {  	s6 =	sshrl.u32 s6, $0x3;
	s24 =	sadd.s32 s8, s7;
	[dreg:$0xa] =	wrdreg s16  }
0x11: {  	s7 =	sadd.s32 s9, s7;
	s15 =	sadd.s32 s2, s11;
	[dreg:$0xb] =	wrdreg s17  }
0x12: {  	[dreg:$0xc] =	wrdreg s18;
	s20 =	sadd.s32 s2, s19;
	s22 =	sadd.s32 s2, s21  }
0x13: {  	s2 =	sadd.s32 s2, s23;
	s13 =	simm.s32 $0x0;
	[dreg:$0x3] =	wrdreg s24  }
0x14: {  	s6 =	sadd.s32 $0x280, s6;
	[dreg:$0x4] =	wrdreg s7;
	s7 =	sshrl.u32 s15, $0x3  }
0x15: {  	s24 =	sshrl.u32 s22, $0x3;
	s2 =	sshrl.u32 s2, $0x3;
	s26 =	sadd.s32 s8, s6  }
0x16: {  	s8 =	sshrl.u32 s25, $0x3;
	s6 =	sadd.s32 s9, s6;
	s7 =	sadd.s32 s0, s7  }
0x17: {  	s18 =	sadd.s32 s0, s24;
	s25 =	sadd.s32 s21, s1;
	[dreg:$0x5] =	wrdreg s26  }
0x18: {  	s21 =	simm.s32 $0x5;
	[dreg:$0x6] =	wrdreg s6;
	s9 =	sadd.s32 s0, s8  }
0x19: {  	[dreg:$0xd] =	wrdreg s7;
	s6 =	sadd.s32 s11, s1;
	s8 =	sshrl.u32 s20, $0x3  }
0x1a: {  	s7 =	sadd.s32 s19, s1;
	s19 =	sadd.s32 s0, s2;
	s26 =	sadd.s32 s23, s1  }
0x1b: {  	s20 =	simm.s32 $0x16800;
	s24 =	sshrl.u32 s25, $0x3;
	s2 =	simm.s32 $0x3  }
0x1c: {  	s11 =	simm.s32 $0x16700;
	[dreg:$0x7] =	wrdreg s9;
	s17 =	sadd.s32 s0, s8  }
0x1d: {  	s22 =	sshrl.u32 s6, $0x3;
	s23 =	sshrl.u32 s7, $0x3;
	s25 =	sshrl.u32 s26, $0x3  }
0x1e: {  	s26 =	simm.s32 $0x14000;
	s0 =	simm.s32 $0x1;
	s6 =	simm.s32 $0x14100  }
0x1f: {  	v0 =	vimm.f32 $0.0e+00;
	s7 =	simm.s32 $0x2;
	s8 =	simm.s32 $0x15480;
	s9 =	simm.s32 $0x4  }
.LBB2_1:
0x20: {  	s14 =	simm.s32 $0x0;
	s15 =	simm.s32 $0x200  }
.LBB2_2:
0x21: {  	p0 =	sne.s32 s15, $0xFE00;
	[tilespmem:s14+$0x16870] =	vst v0  }
0x22: {  	[tilespmem:s14+$0x16800] =	vst v0  }
0x23: {  	[tilespmem:s14+$0x16810] =	vst v0  }
.Ltmp0:
0x24: {  	[tilespmem:s14+$0x16820] =	vst v0;
	(pc) =	sbr.rel @p0 .LBB2_2-.Ltmp0, $4  }
0x25: {  	[tilespmem:s14+$0x16830] =	vst v0  }
0x26: {  	[tilespmem:s14+$0x16840] =	vst v0  }
0x27: {  	[tilespmem:s14+$0x16850] =	vst v0  }
0x28: {  	[tilespmem:s14+$0x16860] =	vst v0;
	s14 =	sshra.s32 s15, $0x2;
	s15 =	sadd.s32 $0x200, s15  }
0x29: {  	[tilespmem:s14+$0x16870] =	vst v0  }
0x2a: {  	[tilespmem:s14+$0x16800] =	vst v0  }
0x2b: {  	[tilespmem:s14+$0x16810] =	vst v0  }
0x2c: {  	[tilespmem:s14+$0x16820] =	vst v0  }
0x2d: {  	[tilespmem:s14+$0x16830] =	vst v0  }
0x2e: {  	[tilespmem:s14+$0x16840] =	vst v0  }
0x2f: {  	[tilespmem:s14+$0x16850] =	vst v0  }
0x30: {  	[tilespmem:s14+$0x16860] =	vst v0  }
0x31: {  	[spmem:s5] =	stream.linear.scatter [tilespmem:s20], [sflag:$0x5], $0x4000, $0x38;
	[tilespmem:$0x1E800] =	vst v63  }
0x32: {  	_ =	swait.ge [sflag:s21], $0x4000  }
0x33: {  	[sflag:s21] =	ssyncset.done $0x0  }
0x34: {  	s16 =	rddreg [dreg:$0x9];
	[sflag:s21] =	ssyncadd.s32 $0xFFFFC000  }
0x35: {  	[spmem:s16] =	stream.linear.scatter [tilespmem:s20], [sflag:$0x5], $0x4000, $0x38;
	[tilespmem:$0x1E800] =	vst v63  }
0x36: {  	_ =	swait.ge [sflag:s21], $0x4000  }
0x37: {  	[sflag:s21] =	ssyncset.done $0x0  }
0x38: {  	s15 =	rddreg [dreg:$0xa];
	[sflag:s21] =	ssyncadd.s32 $0xFFFFC000  }
0x39: {  	[spmem:s15] =	stream.linear.scatter [tilespmem:s20], [sflag:$0x5], $0x4000, $0x38;
	[tilespmem:$0x1E800] =	vst v63  }
0x3a: {  	_ =	swait.ge [sflag:s21], $0x4000  }
0x3b: {  	[sflag:s21] =	ssyncset.done $0x0  }
0x3c: {  	s16 =	rddreg [dreg:$0xb];
	[sflag:s21] =	ssyncadd.s32 $0xFFFFC000  }
0x3d: {  	[spmem:s16] =	stream.linear.scatter [tilespmem:s20], [sflag:$0x5], $0x4000, $0x38;
	[tilespmem:$0x1E800] =	vst v63  }
0x3e: {  	_ =	swait.ge [sflag:s21], $0x4000  }
0x3f: {  	[sflag:s21] =	ssyncset.done $0x0  }
0x40: {  	s15 =	rddreg [dreg:$0xc];
	[sflag:s21] =	ssyncadd.s32 $0xFFFFC000  }
0x41: {  	[spmem:s15] =	stream.linear.scatter [tilespmem:s20], [sflag:$0x5], $0x4000, $0x38;
	[tilespmem:$0x1E800] =	vst v63  }
0x42: {  	_ =	swait.ge [sflag:s21], $0x4000  }
0x43: {  	[sflag:s21] =	ssyncset.done $0x0  }
0x44: {  	[sflag:s21] =	ssyncadd.s32 $0xFFFFC000  }
0x45: {  	[bflag:$0x0] =	sbarrier.arrive $0xFFFF  }
0x46: {  	s16 =	rddreg [dreg:$0x3]  }
0x47: {  	[tilespmem:s26], [sflag:$0x5] =	stream.linear.gather [hbm4b:s16+s3], $0x1400, $0x38;
	[tilespmem:$0x1E800] =	vst v63  }
0x48: {  	_ =	swait.ge [sflag:s21], $0x1400  }
0x49: {  	[sflag:s21] =	ssyncset.done $0x0  }
0x4a: {  	s15 =	rddreg [dreg:$0x4];
	[sflag:s21] =	ssyncadd.s32 $0xFFFFEC00  }
0x4b: {  	[tilespmem:s28], [sflag:$0x5] =	stream.linear.gather [hbm4b:s15+s3], $0x1400, $0x38;
	[tilespmem:$0x1E800] =	vst v63  }
0x4c: {  	_ =	swait.ge [sflag:s21], $0x1400  }
0x4d: {  	[sflag:s21] =	ssyncset.done $0x0  }
0x4e: {  	[sflag:s21] =	ssyncadd.s32 $0xFFFFEC00  }
0x4f: {  	[tilespmem:s20], [sflag:$0x1] =	stream.indirect.gather [hbm4b:s4+s29], $0x80, s26, s29, $0xb8;
	[tilespmem:$0x1E800] =	vst v63  }
0x50: {  	_ = 	snop  }
0x51: {  	[tilespmem:s31], [sflag:$0x2] =	stream.indirect.gather [hbm4b:s4+s29], $0x80, s30, s29, $0xb8;
	[tilespmem:$0x1E800] =	vst v63  }
0x52: {  	_ =	swait.ge [sflag:s0], $0x4000  }
0x53: {  	[sflag:s0] =	ssyncset.done $0x0  }
0x54: {  	[sflag:s0] =	ssyncadd.s32 $0xFFFFC000  }
0x55: {  	[spmem:s1] =	stream.indirect.scatter.add.f32 [tilespmem:s20], [sflag:$0x3], $0x80, s28, s29, $0xb8;
	[tilespmem:$0x1E800] =	vst v63  }
0x56: {  	_ =	swait.ge [sflag:s2], $0x4000  }
0x57: {  	[sflag:s2] =	ssyncset.done $0x0  }
0x58: {  	[sflag:s2] =	ssyncadd.s32 $0xFFFFC000  }
0x59: {  	[tilespmem:s20], [sflag:$0x1] =	stream.indirect.gather [hbm4b:s4+s29], $0x80, s6, s29, $0xb8;
	[tilespmem:$0x1E800] =	vst v63  }
0x5a: {  	_ =	swait.ge [sflag:s7], $0x4000  }
0x5b: {  	[sflag:s7] =	ssyncset.done $0x0  }
0x5c: {  	[sflag:s7] =	ssyncadd.s32 $0xFFFFC000  }
0x5d: {  	[spmem:s1] =	stream.indirect.scatter.add.f32 [tilespmem:s31], [sflag:$0x4], $0x80, s8, s29, $0xb8;
	[tilespmem:$0x1E800] =	vst v63  }
0x5e: {  	_ =	swait.ge [sflag:s9], $0x4000  }
0x5f: {  	[sflag:s9] =	ssyncset.done $0x0  }
0x60: {  	s16 =	simm.s32 $0x14180;
	[sflag:s9] =	ssyncadd.s32 $0xFFFFC000  }
0x61: {  	[tilespmem:s31], [sflag:$0x2] =	stream.indirect.gather [hbm4b:s4+s29], $0x80, s16, s29, $0xb8;
	[tilespmem:$0x1E800] =	vst v63  }
0x62: {  	_ =	swait.ge [sflag:s0], $0x4000  }
0x63: {  	[sflag:s0] =	ssyncset.done $0x0  }
0x64: {  	s15 =	simm.s32 $0x15500;
	[sflag:s0] =	ssyncadd.s32 $0xFFFFC000  }
0x65: {  	[spmem:s1] =	stream.indirect.scatter.add.f32 [tilespmem:s20], [sflag:$0x3], $0x80, s15, s29, $0xb8;
	[tilespmem:$0x1E800] =	vst v63  }
0x66: {  	_ =	swait.ge [sflag:s2], $0x4000  }
0x67: {  	[sflag:s2] =	ssyncset.done $0x0  }
0x68: {  	s16 =	simm.s32 $0x14200;
	[sflag:s2] =	ssyncadd.s32 $0xFFFFC000  }
0x69: {  	[tilespmem:s20], [sflag:$0x1] =	stream.indirect.gather [hbm4b:s4+s29], $0x80, s16, s29, $0xb8;
	[tilespmem:$0x1E800] =	vst v63  }
0x6a: {  	_ =	swait.ge [sflag:s7], $0x4000  }
0x6b: {  	[sflag:s7] =	ssyncset.done $0x0  }
0x6c: {  	s14 =	simm.s32 $0xFFFFBC00;
	s15 =	simm.s32 $0x15580;
	[sflag:s7] =	ssyncadd.s32 $0xFFFFC000  }
.LBB2_4:
0x6d: {  	[spmem:s1] =	stream.indirect.scatter.add.f32 [tilespmem:s31], [sflag:$0x4], $0x80, s15, s29, $0xb8;
	[tilespmem:$0x1E800] =	vst v63  }
0x6e: {  	s15 =	smov.u32 s14  }
0x6f: {  	p0 =	sne.s32 s14, $0xFFFFFC00;
	s14 =	sadd.s32 $0x400, s14;
	_ =	swait.ge [sflag:s9], $0x4000  }
0x70: {  	s15 =	sshra.s32 s15, $0x2;
	[sflag:s9] =	ssyncset.done $0x0  }
0x71: {  	s16 =	sadd.s32 $0x15380, s15;
	[sflag:s9] =	ssyncadd.s32 $0xFFFFC000  }
0x72: {  	[tilespmem:s31], [sflag:$0x2] =	stream.indirect.gather [hbm4b:s4+s29], $0x80, s16, s29, $0xb8;
	[tilespmem:$0x1E800] =	vst v63  }
0x73: {  	_ =	swait.ge [sflag:s0], $0x4000  }
0x74: {  	[sflag:s0] =	ssyncset.done $0x0  }
0x75: {  	s16 =	sadd.s32 $0x16700, s15;
	[sflag:s0] =	ssyncadd.s32 $0xFFFFC000  }
0x76: {  	[spmem:s1] =	stream.indirect.scatter.add.f32 [tilespmem:s20], [sflag:$0x3], $0x80, s16, s29, $0xb8;
	[tilespmem:$0x1E800] =	vst v63  }
0x77: {  	_ =	swait.ge [sflag:s2], $0x4000  }
0x78: {  	[sflag:s2] =	ssyncset.done $0x0  }
.Ltmp1:
0x79: {  	s16 =	sadd.s32 $0x15400, s15;
	[sflag:s2] =	ssyncadd.s32 $0xFFFFC000;
	(pc) =	sbr.rel @p0 .LBB2_4-.Ltmp1, $4  }
0x7a: {  	[tilespmem:s20], [sflag:$0x1] =	stream.indirect.gather [hbm4b:s4+s29], $0x80, s16, s29, $0xb8;
	[tilespmem:$0x1E800] =	vst v63  }
0x7b: {  	_ =	swait.ge [sflag:s7], $0x4000  }
0x7c: {  	[sflag:s7] =	ssyncset.done $0x0  }
0x7d: {  	s15 =	sadd.s32 $0x16780, s15;
	[sflag:s7] =	ssyncadd.s32 $0xFFFFC000  }
0x7e: {  	[spmem:s1] =	stream.indirect.scatter.add.f32 [tilespmem:s31], [sflag:$0x4], $0x80, s15, s29, $0xb8;
	[tilespmem:$0x1E800] =	vst v63  }
0x7f: {  	_ =	swait.ge [sflag:s9], $0x4000  }
0x80: {  	[sflag:s9] =	ssyncset.done $0x0  }
0x81: {  	[sflag:s9] =	ssyncadd.s32 $0xFFFFC000  }
0x82: {  	[tilespmem:s31], [sflag:$0x2] =	stream.indirect.gather [hbm4b:s4+s29], $0x80, s10, s29, $0xb8;
	[tilespmem:$0x1E800] =	vst v63  }
0x83: {  	_ =	swait.ge [sflag:s0], $0x4000  }
0x84: {  	[sflag:s0] =	ssyncset.done $0x0  }
0x85: {  	[sflag:s0] =	ssyncadd.s32 $0xFFFFC000  }
0x86: {  	[spmem:s1] =	stream.indirect.scatter.add.f32 [tilespmem:s20], [sflag:$0x3], $0x80, s11, s29, $0xb8;
	[tilespmem:$0x1E800] =	vst v63  }
0x87: {  	_ =	swait.ge [sflag:s2], $0x4000  }
0x88: {  	[sflag:s2] =	ssyncset.done $0x0  }
0x89: {  	[sflag:s2] =	ssyncadd.s32 $0xFFFFC000  }
0x8a: {  	_ =	swait.ge [sflag:s7], $0x4000  }
0x8b: {  	[sflag:s7] =	ssyncset.done $0x0  }
0x8c: {  	[sflag:s7] =	ssyncadd.s32 $0xFFFFC000  }
0x8d: {  	[spmem:s1] =	stream.indirect.scatter.add.f32 [tilespmem:s31], [sflag:$0x4], $0x80, s12, s29, $0xb8;
	[tilespmem:$0x1E800] =	vst v63  }
0x8e: {  	_ =	swait.ge [sflag:s9], $0x4000  }
0x8f: {  	[sflag:s9] =	ssyncset.done $0x0  }
0x90: {  	s14 =	rddreg [dreg:$0x5];
	[sflag:s9] =	ssyncadd.s32 $0xFFFFC000  }
0x91: {  	[tilespmem:s26], [sflag:$0x5] =	stream.linear.gather [hbm4b:s14+s3], $0x1400, $0x38;
	[tilespmem:$0x1E800] =	vst v63  }
0x92: {  	_ =	swait.ge [sflag:s21], $0x1400  }
0x93: {  	[sflag:s21] =	ssyncset.done $0x0  }
0x94: {  	s15 =	rddreg [dreg:$0x6];
	[sflag:s21] =	ssyncadd.s32 $0xFFFFEC00  }
0x95: {  	[tilespmem:s28], [sflag:$0x5] =	stream.linear.gather [hbm4b:s15+s3], $0x1400, $0x38;
	[tilespmem:$0x1E800] =	vst v63  }
0x96: {  	_ =	swait.ge [sflag:s21], $0x1400  }
0x97: {  	[sflag:s21] =	ssyncset.done $0x0  }
0x98: {  	[sflag:s21] =	ssyncadd.s32 $0xFFFFEC00  }
0x99: {  	[tilespmem:s20], [sflag:$0x1] =	stream.indirect.gather [hbm4b:s4+s29], $0x80, s26, s29, $0xb8;
	[tilespmem:$0x1E800] =	vst v63  }
0x9a: {  	_ = 	snop  }
0x9b: {  	[tilespmem:s31], [sflag:$0x2] =	stream.indirect.gather [hbm4b:s4+s29], $0x80, s30, s29, $0xb8;
	[tilespmem:$0x1E800] =	vst v63  }
0x9c: {  	_ =	swait.ge [sflag:s0], $0x4000  }
0x9d: {  	[sflag:s0] =	ssyncset.done $0x0  }
0x9e: {  	[sflag:s0] =	ssyncadd.s32 $0xFFFFC000  }
0x9f: {  	[spmem:s1] =	stream.indirect.scatter.add.f32 [tilespmem:s20], [sflag:$0x3], $0x80, s28, s29, $0xb8;
	[tilespmem:$0x1E800] =	vst v63  }
0xa0: {  	_ =	swait.ge [sflag:s2], $0x4000  }
0xa1: {  	[sflag:s2] =	ssyncset.done $0x0  }
0xa2: {  	[sflag:s2] =	ssyncadd.s32 $0xFFFFC000  }
0xa3: {  	[tilespmem:s20], [sflag:$0x1] =	stream.indirect.gather [hbm4b:s4+s29], $0x80, s6, s29, $0xb8;
	[tilespmem:$0x1E800] =	vst v63  }
0xa4: {  	_ =	swait.ge [sflag:s7], $0x4000  }
0xa5: {  	[sflag:s7] =	ssyncset.done $0x0  }
0xa6: {  	[sflag:s7] =	ssyncadd.s32 $0xFFFFC000  }
0xa7: {  	[spmem:s1] =	stream.indirect.scatter.add.f32 [tilespmem:s31], [sflag:$0x4], $0x80, s8, s29, $0xb8;
	[tilespmem:$0x1E800] =	vst v63  }
0xa8: {  	_ =	swait.ge [sflag:s9], $0x4000  }
0xa9: {  	[sflag:s9] =	ssyncset.done $0x0  }
0xaa: {  	s16 =	simm.s32 $0x14180;
	[sflag:s9] =	ssyncadd.s32 $0xFFFFC000  }
0xab: {  	[tilespmem:s31], [sflag:$0x2] =	stream.indirect.gather [hbm4b:s4+s29], $0x80, s16, s29, $0xb8;
	[tilespmem:$0x1E800] =	vst v63  }
0xac: {  	_ =	swait.ge [sflag:s0], $0x4000  }
0xad: {  	[sflag:s0] =	ssyncset.done $0x0  }
0xae: {  	s15 =	simm.s32 $0x15500;
	[sflag:s0] =	ssyncadd.s32 $0xFFFFC000  }
0xaf: {  	[spmem:s1] =	stream.indirect.scatter.add.f32 [tilespmem:s20], [sflag:$0x3], $0x80, s15, s29, $0xb8;
	[tilespmem:$0x1E800] =	vst v63  }
0xb0: {  	_ =	swait.ge [sflag:s2], $0x4000  }
0xb1: {  	[sflag:s2] =	ssyncset.done $0x0  }
0xb2: {  	s16 =	simm.s32 $0x14200;
	[sflag:s2] =	ssyncadd.s32 $0xFFFFC000  }
0xb3: {  	[tilespmem:s20], [sflag:$0x1] =	stream.indirect.gather [hbm4b:s4+s29], $0x80, s16, s29, $0xb8;
	[tilespmem:$0x1E800] =	vst v63  }
0xb4: {  	_ =	swait.ge [sflag:s7], $0x4000  }
0xb5: {  	[sflag:s7] =	ssyncset.done $0x0  }
0xb6: {  	s14 =	simm.s32 $0xFFFFBC00;
	s15 =	simm.s32 $0x15580;
	[sflag:s7] =	ssyncadd.s32 $0xFFFFC000  }
.LBB2_6:
0xb7: {  	[spmem:s1] =	stream.indirect.scatter.add.f32 [tilespmem:s31], [sflag:$0x4], $0x80, s15, s29, $0xb8;
	[tilespmem:$0x1E800] =	vst v63  }
0xb8: {  	s15 =	smov.u32 s14  }
0xb9: {  	p0 =	sne.s32 s14, $0xFFFFFC00;
	s14 =	sadd.s32 $0x400, s14;
	_ =	swait.ge [sflag:s9], $0x4000  }
0xba: {  	s15 =	sshra.s32 s15, $0x2;
	[sflag:s9] =	ssyncset.done $0x0  }
0xbb: {  	s16 =	sadd.s32 $0x15380, s15;
	[sflag:s9] =	ssyncadd.s32 $0xFFFFC000  }
0xbc: {  	[tilespmem:s31], [sflag:$0x2] =	stream.indirect.gather [hbm4b:s4+s29], $0x80, s16, s29, $0xb8;
	[tilespmem:$0x1E800] =	vst v63  }
0xbd: {  	_ =	swait.ge [sflag:s0], $0x4000  }
0xbe: {  	[sflag:s0] =	ssyncset.done $0x0  }
0xbf: {  	s16 =	sadd.s32 $0x16700, s15;
	[sflag:s0] =	ssyncadd.s32 $0xFFFFC000  }
0xc0: {  	[spmem:s1] =	stream.indirect.scatter.add.f32 [tilespmem:s20], [sflag:$0x3], $0x80, s16, s29, $0xb8;
	[tilespmem:$0x1E800] =	vst v63  }
0xc1: {  	_ =	swait.ge [sflag:s2], $0x4000  }
0xc2: {  	[sflag:s2] =	ssyncset.done $0x0  }
.Ltmp2:
0xc3: {  	s16 =	sadd.s32 $0x15400, s15;
	[sflag:s2] =	ssyncadd.s32 $0xFFFFC000;
	(pc) =	sbr.rel @p0 .LBB2_6-.Ltmp2, $4  }
0xc4: {  	[tilespmem:s20], [sflag:$0x1] =	stream.indirect.gather [hbm4b:s4+s29], $0x80, s16, s29, $0xb8;
	[tilespmem:$0x1E800] =	vst v63  }
0xc5: {  	_ =	swait.ge [sflag:s7], $0x4000  }
0xc6: {  	[sflag:s7] =	ssyncset.done $0x0  }
0xc7: {  	s15 =	sadd.s32 $0x16780, s15;
	[sflag:s7] =	ssyncadd.s32 $0xFFFFC000  }
0xc8: {  	[spmem:s1] =	stream.indirect.scatter.add.f32 [tilespmem:s31], [sflag:$0x4], $0x80, s15, s29, $0xb8;
	[tilespmem:$0x1E800] =	vst v63  }
0xc9: {  	_ =	swait.ge [sflag:s9], $0x4000  }
0xca: {  	[sflag:s9] =	ssyncset.done $0x0  }
0xcb: {  	[sflag:s9] =	ssyncadd.s32 $0xFFFFC000  }
0xcc: {  	[tilespmem:s31], [sflag:$0x2] =	stream.indirect.gather [hbm4b:s4+s29], $0x80, s10, s29, $0xb8;
	[tilespmem:$0x1E800] =	vst v63  }
0xcd: {  	_ =	swait.ge [sflag:s0], $0x4000  }
0xce: {  	[sflag:s0] =	ssyncset.done $0x0  }
0xcf: {  	[sflag:s0] =	ssyncadd.s32 $0xFFFFC000  }
0xd0: {  	[spmem:s1] =	stream.indirect.scatter.add.f32 [tilespmem:s20], [sflag:$0x3], $0x80, s11, s29, $0xb8;
	[tilespmem:$0x1E800] =	vst v63  }
0xd1: {  	_ =	swait.ge [sflag:s2], $0x4000  }
0xd2: {  	[sflag:s2] =	ssyncset.done $0x0  }
0xd3: {  	[sflag:s2] =	ssyncadd.s32 $0xFFFFC000  }
0xd4: {  	_ =	swait.ge [sflag:s7], $0x4000  }
0xd5: {  	[sflag:s7] =	ssyncset.done $0x0  }
0xd6: {  	[sflag:s7] =	ssyncadd.s32 $0xFFFFC000  }
0xd7: {  	[spmem:s1] =	stream.indirect.scatter.add.f32 [tilespmem:s31], [sflag:$0x4], $0x80, s12, s29, $0xb8;
	[tilespmem:$0x1E800] =	vst v63  }
0xd8: {  	_ =	swait.ge [sflag:s9], $0x4000  }
0xd9: {  	[sflag:s9] =	ssyncset.done $0x0  }
0xda: {  	s14 =	stileid.u32;
	[sflag:s9] =	ssyncadd.s32 $0xFFFFC000  }
0xdb: {  	s14 =	sshll.u32 s14, $0x6;
	[bflag:$0x0] =	sbarrier.arrive $0xFFFF  }
0xdc: {  	s15 =	sshrl.u32 s5, $0x3;
	s14 =	sor.u32 $0x1C05, s14;
	s16 =	rddreg [dreg:$0x7]  }
0xdd: {  	[hbm:s16], [sflag:s14] =	dma.local [spmem:s15], $0x800  }
0xde: {  	_ =	swait.ge [sflag:s21], $0x800  }
0xdf: {  	[sflag:s21] =	ssyncset.done $0x0  }
0xe0: {  	s16 =	rddreg [dreg:$0xd];
	[sflag:s21] =	ssyncadd.s32 $0xFFFFF800  }
0xe1: {  	[hbm:s16], [sflag:s14] =	dma.local [spmem:s22], $0x800  }
0xe2: {  	_ =	swait.ge [sflag:s21], $0x800  }
0xe3: {  	[sflag:s21] =	ssyncset.done $0x0  }
0xe4: {  	[sflag:s21] =	ssyncadd.s32 $0xFFFFF800  }
0xe5: {  	[hbm:s17], [sflag:s14] =	dma.local [spmem:s23], $0x800  }
0xe6: {  	_ =	swait.ge [sflag:s21], $0x800  }
0xe7: {  	[sflag:s21] =	ssyncset.done $0x0  }
0xe8: {  	[sflag:s21] =	ssyncadd.s32 $0xFFFFF800  }
0xe9: {  	[hbm:s18], [sflag:s14] =	dma.local [spmem:s24], $0x800  }
0xea: {  	_ =	swait.ge [sflag:s21], $0x800  }
0xeb: {  	[sflag:s21] =	ssyncset.done $0x0  }
0xec: {  	[sflag:s21] =	ssyncadd.s32 $0xFFFFF800  }
0xed: {  	[hbm:s19], [sflag:s14] =	dma.local [spmem:s25], $0x800  }
0xee: {  	_ =	swait.ge [sflag:s21], $0x800  }
0xef: {  	s13 =	sadd.s32 $0x1, s13;
	s16 =	rddreg [dreg:$0x8]  }
0xf0: {  	p0 =	sne.s32 s13, s16  }
.Ltmp3:
0xf1: {  	_ = 	snop;
	(pc) =	sbr.rel @p0 .LBB2_1-.Ltmp3, $3  }
0xf2: {  	_ =	sdelay $0x1  }
0xf3: {  	[sflag:s21] =	ssyncset.done $0x0  }
0xf4: {  	[sflag:s21] =	ssyncadd.s32 $0xFFFFF800  }
0xf5: {  	_ =	sfence.sel $0x180000  }
0xf6: {  	[bflag:$0x0] =	sbarrier.arrive $0xFFFF  }
0xf7: {  	_ =	strace $0x9000004D  }
0xf8: {  	s0 =	stileid.u32;
	[bflag:$0x2] =	sbarrier.arrive $0xFFFF  }
0xf9: {  	p0 =	sne.s32 s0, $0x0;
	s0 =	rddreg [dreg:$0x2]  }
0xfa: {  	s0 =	sadd.s32 @!p0 $0x100000, s0  }
0xfb: {  	[sflag:s0] =	ssyncadd.tile.s32 @!p0 $0x1;
	_ =	shalt  }
.Lfunc_end2:
_tile_overlayer_lowered:
.L_overlay_start_2:
0xfc: {  	(tag) =	ssettag $0x2  }
0xfd: {  	s0 =	rddreg [dreg:$0x0];
	s2 =	stileid.u32  }
0xfe: {  	s1 =	rddreg [dreg:$0x1];
	p0 =	sne.s32 s2, $0x0  }
0xff: {  	s3 =	rddreg [dreg:$0x2];
	[bflag:$0x3] =	sbarrier.arrive $0xFFFF;
	s2 =	simm.s32 @!p0 $0x1C05  }
0x100: {  	[timem:s3], [sflag:s2] =	dma.local @!p0 [hbm:s0], s1  }
0x101: {  	s0 =	simm.s32 @!p0 $0x5  }
0x102: {  	_ =	swait.ge @!p0 [sflag:s0], s1  }
0x103: {  	s1 =	ssub.s32 @!p0 $0x0, s1;
	[sflag:s0] =	ssyncset.done @!p0 $0x0  }
0x104: {  	[sflag:s0] =	ssyncadd.s32 @!p0 s1  }
0x105: {  	[bflag:$0x3] =	sbarrier.arrive $0xFFFF  }
0x106: {  	_ =	shalt  }

// kernel: kernel.9.cloned.1.call-start
scs
__scs_entry_jumppad:
0x0: {  	(pc) =	sbr.rel $0x88, $3  }
0x1: {  	(tag) =	ssettag $0x0;
	lr =	simm.s32 $0x1  }
0x2: {  	[smem:$0x3F95] =	sst lr;
	_ =	strace $0xD0000000  }
0x3: {  	_ = 	snop  }
0x4: {  	_ = 	snop  }
0x5: {  	_ = 	snop  }
0x6: {  	_ = 	snop  }
0x7: {  	_ = 	snop  }
__scs_overlays_trampoline_lowered:
0x8: {  	[smem:$0x3FA4] =	sst s0  }
0x9: {  	[smem:$0x3FA5] =	sst s1  }
0xa: {  	[smem:$0x3FA6] =	sst s2  }
0xb: {  	[smem:$0x3FA7] =	sst s3  }
0xc: {  	[smem:$0x3FA8] =	sst s4  }
0xd: {  	[smem:$0x3FA9] =	sst s5  }
0xe: {  	[smem:$0x3FAA] =	sst s6  }
0xf: {  	[smem:$0x3FAB] =	sst s7  }
0x10: {  	[smem:$0x3FAC] =	sst s8  }
0x11: {  	[smem:$0x3FAD] =	sst s9;
	s0 =	simm.s32 @!p0 $0x0  }
0x12: {  	s1 =	sld [smem:$0x3F93];
	s0 =	simm.s32 @p0 $0x1  }
0x13: {  	[smem:$0x3FAE] =	sst s0;
	s0 =	simm.s32 @!p1 $0x0  }
0x14: {  	s2 =	sld [smem:$0x3F92];
	s0 =	simm.s32 @p1 $0x1  }
0x15: {  	[smem:$0x3FAF] =	sst s0;
	s0 =	simm.s32 @!p2 $0x0  }
0x16: {  	s3 =	sld [smem:$0x3FDB];
	s0 =	simm.s32 @p2 $0x1  }
0x17: {  	s4 =	simm.s32 $0x1BF5;
	[smem:$0x3FB1] =	sst s0  }
0x18: {  	s0 =	sld [smem:$0x3F94];
	_ =	swait.ge [sflag:s4], $0x0  }
0x19: {  	s7 =	sld [smem:$0x3F95]  }
0x1a: {  	s8 =	sadd.s32 $0xFFFFE003, lr  }
0x1b: {  	s9 =	sadd.s32 $0xFFFFFEF7, lr;
	s5 =	simm.s32 $0xFFFFFFFF;
	p2 =	slt.u32 s8, $0xFFFFF086  }
0x1c: {  	p1 =	slt.u32 s9, $0xF7A;
	s5 =	simm.s32 @!p2 $0x0  }
0x1d: {  	s5 =	simm.s32 @p1 $0x1;
	p0 =	seq.s32 s7, s2  }
0x1e: {  	s7 =	smul.u32 @!p0 $0xF7A, s2;
	p2 =	seq.s32 @!p0 s5, $0x0  }
0x1f: {  	s9 =	smul.u32 $0xF7A, s1;
	s8 =	simm.s32 @!p0 $0x1BF5;
	p2 =	por !p2, p0  }
0x20: {  	[sflag:s8] =	ssyncset.s32 @!p0 $0xFFFFF086;
	s6 =	sadd.s32 @!p0 s3, s7;
	s7 =	simm.s32 @!p0 $0x108  }
0x21: {  	s3 =	sadd.s32 s3, s9;
	s6 =	sadd.s32 @!p0 $0x88, s6;
	s7 =	simm.s32 @p2 $0x1082  }
0x22: {  	[simem:s7], [sflag:s8] =	dma.local @!p0 [hbm:s6], $0xF7A  }
0x23: {  	s9 =	sor.u32 $0xD0000000, s2;
	s6 =	simm.s32 $0x108;
	_ =	swait.ge @!p0 [sflag:s8], $0x0  }
0x24: {  	s3 =	sadd.s32 $0x88, s3;
	s6 =	simm.s32 @!p1 $0x1082;
	[sflag:s4] =	ssyncset.s32 $0xFFFFF086  }
0x25: {  	[simem:s6], [sflag:s4] =	dma.local [hbm:s3], $0xF7A  }
0x26: {  	[smem:$0x3F95] =	sst s1;
	(tag) =	ssettag s2;
	_ =	strace s9  }
0x27: {  	s1 =	sld [smem:$0x3FA5]  }
0x28: {  	s2 =	sld [smem:$0x3FA6]  }
0x29: {  	s4 =	sld [smem:$0x3FA8]  }
0x2a: {  	p0 =	seq.s32 s5, $0x0;
	s5 =	sld [smem:$0x3FA9]  }
0x2b: {  	s6 =	sld [smem:$0x3FAA]  }
0x2c: {  	s7 =	sld [smem:$0x3FAB]  }
0x2d: {  	s3 =	simm.s32 $0x108;
	s8 =	sld [smem:$0x3FAC]  }
0x2e: {  	s3 =	simm.s32 @!p0 $0x1082;
	s9 =	sld [smem:$0x3FAD]  }
0x2f: {  	lr =	sadd.s32 s0, s3;
	s0 =	sld [smem:$0x3FA4]  }
0x30: {  	s3 =	sld [smem:$0x3FA7]  }
0x31: {  	[smem:$0x3FB0] =	sst s10  }
0x32: {  	s10 =	sld [smem:$0x3FAE];
	_ =	sdelay $0x3  }
0x33: {  	p0 =	seq.s32 s10, $0x1;
	s10 =	sld [smem:$0x3FB0];
	_ =	sdelay $0x3  }
0x34: {  	[smem:$0x3FB0] =	sst s10  }
0x35: {  	s10 =	sld [smem:$0x3FAF];
	_ =	sdelay $0x3  }
0x36: {  	p1 =	seq.s32 s10, $0x1;
	s10 =	sld [smem:$0x3FB0];
	_ =	sdelay $0x3  }
0x37: {  	[smem:$0x3FB0] =	sst s10  }
0x38: {  	s10 =	sld [smem:$0x3FB1]  }
0x39: {  	_ = 	snop;
	(pc) =	sbr.ind lr, $3  }
0x3a: {  	_ = 	snop  }
0x3b: {  	_ = 	snop  }
0x3c: {  	p2 =	seq.s32 s10, $0x1;
	s10 =	sld [smem:$0x3FB0]  }
0x3d: {  	_ =	shalt  }
0x3e: {  	_ =	shalt  }
0x3f: {  	_ =	shalt  }
0x40: {  	_ =	shalt  }
0x41: {  	_ =	shalt  }
0x42: {  	_ =	shalt  }
0x43: {  	_ =	shalt  }
0x44: {  	_ =	shalt  }
0x45: {  	_ =	shalt  }
0x46: {  	_ =	shalt  }
0x47: {  	_ =	shalt  }
0x48: {  	_ =	shalt  }
0x49: {  	_ =	shalt  }
0x4a: {  	_ =	shalt  }
0x4b: {  	_ =	shalt  }
0x4c: {  	_ =	shalt  }
0x4d: {  	_ =	shalt  }
0x4e: {  	_ =	shalt  }
0x4f: {  	_ =	shalt  }
0x50: {  	_ =	shalt  }
0x51: {  	_ =	shalt  }
0x52: {  	_ =	shalt  }
0x53: {  	_ =	shalt  }
0x54: {  	_ =	shalt  }
0x55: {  	_ =	shalt  }
0x56: {  	_ =	shalt  }
0x57: {  	_ =	shalt  }
0x58: {  	_ =	shalt  }
0x59: {  	_ =	shalt  }
0x5a: {  	_ =	shalt  }
0x5b: {  	_ =	shalt  }
0x5c: {  	_ =	shalt  }
0x5d: {  	_ =	shalt  }
0x5e: {  	_ =	shalt  }
0x5f: {  	_ =	shalt  }
0x60: {  	_ =	shalt  }
0x61: {  	_ =	shalt  }
0x62: {  	_ =	shalt  }
0x63: {  	_ =	shalt  }
0x64: {  	_ =	shalt  }
0x65: {  	_ =	shalt  }
0x66: {  	_ =	shalt  }
0x67: {  	_ =	shalt  }
0x68: {  	_ =	shalt  }
0x69: {  	_ =	shalt  }
0x6a: {  	_ =	shalt  }
0x6b: {  	_ =	shalt  }
0x6c: {  	_ =	shalt  }
0x6d: {  	_ =	shalt  }
0x6e: {  	_ =	shalt  }
0x6f: {  	_ =	shalt  }
0x70: {  	_ =	shalt  }
0x71: {  	_ =	shalt  }
0x72: {  	_ =	shalt  }
0x73: {  	_ =	shalt  }
0x74: {  	_ =	shalt  }
0x75: {  	_ =	shalt  }
0x76: {  	_ =	shalt  }
0x77: {  	_ =	shalt  }
0x78: {  	_ =	shalt  }
0x79: {  	_ =	shalt  }
0x7a: {  	_ =	shalt  }
0x7b: {  	_ =	shalt  }
0x7c: {  	_ =	shalt  }
0x7d: {  	_ =	shalt  }
0x7e: {  	_ =	shalt  }
0x7f: {  	_ =	shalt  }
0x80: {  	_ =	shalt  }
0x81: {  	_ =	shalt  }
0x82: {  	_ =	shalt  }
0x83: {  	_ =	shalt  }
0x84: {  	_ =	shalt  }
0x85: {  	_ =	shalt  }
0x86: {  	_ =	shalt  }
0x87: {  	_ =	shalt  }
.Lfunc_end0:
.L_simem_size_0:
called_computation_lowered:
.L_overlay_start_0:
0x88: {  	s2 =	sld [smem:$0x3FD9]  }
0x89: {  	s3 =	sld [smem:$0x3FFE];
	_ =	sdelay $0x1  }
0x8a: {  	s1 =	srdreg.scid  }
0x8b: {  	s0 =	sand.u32 $0x1, s1  }
0x8c: {  	s16 =	sshll.u32 s0, $0xA;
	s2 =	sadd.s32 s3, s2  }
0x8d: {  	s2 =	sadd.s32 s2, s16  }
0x8e: {  	[smem:$0x3FBC] =	sst s2  }
0x8f: {  	_ = 	snop  }
0x90: {  	(tm) =	ssettm $0x1  }
0x91: {  	s17 =	sld [smem:$0x3FFB];
	_ =	sdelay $0x3  }
0x92: {  	_ =	strace s17  }
0x93: {  	s2 =	sld [smem:$0x3FFC];
	_ =	sdelay $0x3  }
0x94: {  	_ =	strace s2  }
0x95: {  	s2 =	sld [smem:$0x3FFD];
	_ =	sdelay $0x3  }
0x96: {  	_ =	strace s2  }
0x97: {  	_ =	strace $0x8FFFFFFF  }
0x98: {  	s18 =	sld [smem:$0x3FDB];
	_ =	sdelay $0x1  }
0x99: {  	s19 =	simm.s32 $_scs_section_size  }
0x9a: {  	s4 =	simm.s32 $_size__tile_overlayer_lowered;
	s5 =	simm.s32 $_tile_overlayer_lowered  }
0x9b: {  	s22 =	simm.s32 $0x1BFF;
	s21 =	sshll.u32 s5, $0x1;
	s2 =	sadd.s32 s19, s18  }
0x9c: {  	s6 =	simm.s32 $0x0;
	s20 =	sshll.u32 s4, $0x1;
	s4 =	sadd.s32 s21, s2  }
0x9d: {  	[timem:s6], [sflag:s22] =	dma.local [hbm:s4], s20  }
0x9e: {  	_ =	swait.ge [sflag:s22], s20  }
0x9f: {  	s3 =	ssub.s32 $0x0, s20;
	[sflag:s22] =	ssyncset.done $0x0  }
0xa0: {  	[sflag:s22] =	ssyncadd.s32 s3;
	_ =	sdelay $0x1  }
0xa1: {  	s23 =	simm.s32 $0x1B8B  }
0xa2: {  	_ =	swait.ge [sflag:s23], $0x1  }
0xa3: {  	[sflag:s23] =	ssyncset.done $0x0  }
0xa4: {  	s25 =	simm.s32 $0x1B8E;
	s24 =	sld [smem:$0x3FFE];
	[sflag:s23] =	ssyncadd.s32 $0xFFFFFFFF  }
0xa5: {  	s26 =	simm.s32 $execute0_lowered;
	[smem:$0x3FD2] =	sst s25  }
0xa6: {  	s4 =	sshll.u32 s26, $0x1;
	_ =	strace $0x80000046;
	[dreg:$0x1] =	wrdreg $0xFFFFFFFF  }
0xa7: {  	s28 =	simm.s32 $_size_execute0_lowered;
	s2 =	sadd.s32 s2, s4;
	[dreg:$0x0] =	wrdreg $0x0  }
0xa8: {  	s4 =	sshll.u32 s28, $0x1;
	[dreg:$0x2] =	wrdreg s2  }
0xa9: {  	[dreg:$0x3] =	wrdreg s4  }
0xaa: {  	[dreg:$0x4] =	wrdreg $0xC0  }
0xab: {  	_ =	task [dreg:s6], $0x5FFFF  }
0xac: {  	[dreg:$0x1] =	wrdreg $0xFFFFFFFF  }
0xad: {  	[dreg:$0x0] =	wrdreg $0x60  }
0xae: {  	[dreg:$0x2] =	wrdreg s24  }
0xaf: {  	[dreg:$0x3] =	wrdreg $0x0  }
0xb0: {  	[dreg:$0x4] =	wrdreg $0x9  }
0xb1: {  	_ =	task.clear_ibuf [dreg:s6], $0x5FFFF;
	_ =	strace $0x90000046  }
0xb2: {  	s29 =	simm.s32 $0x9;
	_ =	strace $0x80000048  }
0xb3: {  	_ =	swait.ge [sflag:s29], $0x1  }
0xb4: {  	[sflag:s29] =	ssyncadd.s32 $0xFFFFFFFF  }
0xb5: {  	_ =	strace $0x90000048  }
0xb6: {  	_ =	sfence  }
0xb7: {  	s30 =	sld [smem:$0x0];
	_ =	sdelay $0x2  }
0xb8: {  	s31 =	sshll.u32 s1, $0xD;
	s1 =	sshrl.u32 s1, $0x2  }
0xb9: {  	s3 =	sand.u32 $0x4000, s31;
	s1 =	sadd.s32 s1, s30  }
0xba: {  	s0 =	sor.u32 s3, s0;
	s1 =	sshll.u32 s1, $0x11  }
0xbb: {  	s0 =	sor.u32 s1, s0  }
0xbc: {  	s0 =	sadd.s32 $0x8F2B, s0  }
0xbd: {  	[sflag:s0] =	ssyncadd.remote.s32 $0x1  }
0xbe: {  	_ =	sfence.sel $0xFFFF  }
0xbf: {  	[dreg:$0x0] =	wrdreg $0xFFFFFFFF;
	(pc) =	sbr.abs _section_cstart, $3  }
0xc0: {  	[dreg:$0x1] =	wrdreg $0xFFFFFFFF  }
0xc1: {  	_ =	task.clear_ibuf [dreg:s6], $0x2FFFF;
	_ =	strace $0x9FFFFFFF  }
0xc2: {  	(tm) =	ssettm $0x7FFFFFFF  }
0xc3: {  	_ =	shalt  }
tec
execute0_lowered:
.L_overlay_start_1:
0x0: {  	(tag) =	ssettag $0x1  }
0x1: {  	s6 =	rddreg [dreg:$0x0]  }
0x2: {  	s0 =	srdreg.scid;
	s2 =	rddreg [dreg:$0x1]  }
0x3: {  	s3 =	simm.s32 $0x0;
	s28 =	simm.s32 $0x2;
	s29 =	simm.s32 $0x0  }
0x4: {  	s5 =	sand.u32 $0x1, s0;
	s0 =	stileid.u32;
	[smem:$0x7FF] =	sst s3  }
0x5: {  	s4 =	sadd.s32 $0x17000, s6;
	s16 =	sadd.s32 $0x17800, s6;
	s8 =	smul.u32 $0x50000, s0  }
0x6: {  	s1 =	sshll.u32 s5, $0x4;
	s15 =	smul.u32 $0x140000, s5;
	_ =	strace $0x80000047  }
0x7: {  	s14 =	smul.u32 $0x14000, s0;
	s5 =	ssub.s32 $0x2, s5;
	s1 =	sor.u32 s0, s1  }
0x8: {  	s23 =	sshrl.u32 s5, $0x1;
	s7 =	smul.u32 $0x500, s1;
	s8 =	sshrl.u32 s8, $0x2  }
0x9: {  	s9 =	sadd.s32 s15, s14;
	s10 =	ssub.s32 s5, s23;
	s17 =	sadd.s32 $0x4000, s14  }
0xa: {  	s18 =	sadd.s32 $0x8000, s14;
	s19 =	sadd.s32 $0xC000, s14;
	s21 =	sadd.s32 $0x10000, s14  }
0xb: {  	s5 =	sadd.s32 s8, s2;
	s24 =	sshrl.u32 s9, $0x3;
	s8 =	smax.u32 s10, $0x1  }
0xc: {  	s12 =	sadd.s32 s15, s17;
	s22 =	sadd.s32 s17, s2;
	s25 =	sadd.s32 s15, s18  }
0xd: {  	s20 =	sadd.s32 s15, s19;
	s30 =	sadd.s32 s15, s21;
	s23 =	sadd.s32 s18, s2  }
0xe: {  	s18 =	simm.s32 $0x3;
	s7 =	sadd.s32 s7, s6;
	s9 =	sadd.s32 $0x4000, s5  }
0xf: {  	s10 =	sadd.s32 $0x8000, s5;
	s11 =	sadd.s32 $0xC000, s5;
	s13 =	sshrl.u32 s12, $0x3  }
0x10: {  	s12 =	sadd.s32 $0x10000, s5;
	s17 =	sshrl.u32 s25, $0x3;
	s26 =	sshrl.u32 s20, $0x3  }
0x11: {  	s31 =	sshrl.u32 s30, $0x3;
	s25 =	sadd.s32 s21, s2;
	s20 =	simm.s32 $0x80  }
0x12: {  	s21 =	simm.s32 $0x14080;
	s22 =	sshrl.u32 s22, $0x3;
	s23 =	sshrl.u32 s23, $0x3  }
0x13: {  	s6 =	sadd.s32 $0x3000, s7;
	s7 =	sadd.s32 s16, s24;
	s13 =	sadd.s32 s16, s13  }
0x14: {  	s14 =	sadd.s32 s16, s17;
	s15 =	sadd.s32 s16, s26;
	s24 =	sadd.s32 s19, s2  }
0x15: {  	s16 =	sadd.s32 s16, s31;
	s17 =	simm.s32 $0x16800;
	s19 =	simm.s32 $0x14000  }
0x16: {  	v0 =	vimm.f32 $0.0e+00;
	s25 =	sshrl.u32 s25, $0x3;
	s26 =	simm.s32 $0x1;
	s24 =	sshrl.u32 s24, $0x3  }
.LBB2_1:
0x17: {  	s30 =	simm.s32 $0x0;
	s31 =	simm.s32 $0x200  }
.LBB2_2:
0x18: {  	p0 =	sne.s32 s31, $0xFE00;
	[tilespmem:s30+$0x16870] =	vst v0  }
0x19: {  	[tilespmem:s30+$0x16800] =	vst v0  }
0x1a: {  	[tilespmem:s30+$0x16810] =	vst v0  }
.Ltmp0:
0x1b: {  	[tilespmem:s30+$0x16820] =	vst v0;
	(pc) =	sbr.rel @p0 .LBB2_2-.Ltmp0, $4  }
0x1c: {  	[tilespmem:s30+$0x16830] =	vst v0  }
0x1d: {  	[tilespmem:s30+$0x16840] =	vst v0  }
0x1e: {  	[tilespmem:s30+$0x16850] =	vst v0  }
0x1f: {  	[tilespmem:s30+$0x16860] =	vst v0;
	s30 =	sshra.s32 s31, $0x2;
	s31 =	sadd.s32 $0x200, s31  }
0x20: {  	[tilespmem:s30+$0x16870] =	vst v0  }
0x21: {  	[tilespmem:s30+$0x16800] =	vst v0  }
0x22: {  	[tilespmem:s30+$0x16810] =	vst v0  }
0x23: {  	[tilespmem:s30+$0x16820] =	vst v0  }
0x24: {  	[tilespmem:s30+$0x16830] =	vst v0  }
0x25: {  	[tilespmem:s30+$0x16840] =	vst v0  }
0x26: {  	[tilespmem:s30+$0x16850] =	vst v0  }
0x27: {  	[tilespmem:s30+$0x16860] =	vst v0  }
0x28: {  	[spmem:s5] =	stream.linear.scatter [tilespmem:s17], [sflag:$0x3], $0x4000, $0x38;
	[tilespmem:$0x1A800] =	vst v63  }
0x29: {  	_ =	swait.ge [sflag:s18], $0x4000  }
0x2a: {  	[sflag:s18] =	ssyncset.done $0x0  }
0x2b: {  	[sflag:s18] =	ssyncadd.s32 $0xFFFFC000  }
0x2c: {  	[spmem:s9] =	stream.linear.scatter [tilespmem:s17], [sflag:$0x3], $0x4000, $0x38;
	[tilespmem:$0x1A800] =	vst v63  }
0x2d: {  	_ =	swait.ge [sflag:s18], $0x4000  }
0x2e: {  	[sflag:s18] =	ssyncset.done $0x0  }
0x2f: {  	[sflag:s18] =	ssyncadd.s32 $0xFFFFC000  }
0x30: {  	[spmem:s10] =	stream.linear.scatter [tilespmem:s17], [sflag:$0x3], $0x4000, $0x38;
	[tilespmem:$0x1A800] =	vst v63  }
0x31: {  	_ =	swait.ge [sflag:s18], $0x4000  }
0x32: {  	[sflag:s18] =	ssyncset.done $0x0  }
0x33: {  	[sflag:s18] =	ssyncadd.s32 $0xFFFFC000  }
0x34: {  	[spmem:s11] =	stream.linear.scatter [tilespmem:s17], [sflag:$0x3], $0x4000, $0x38;
	[tilespmem:$0x1A800] =	vst v63  }
0x35: {  	_ =	swait.ge [sflag:s18], $0x4000  }
0x36: {  	[sflag:s18] =	ssyncset.done $0x0  }
0x37: {  	[sflag:s18] =	ssyncadd.s32 $0xFFFFC000  }
0x38: {  	[spmem:s12] =	stream.linear.scatter [tilespmem:s17], [sflag:$0x3], $0x4000, $0x38;
	[tilespmem:$0x1A800] =	vst v63  }
0x39: {  	_ =	swait.ge [sflag:s18], $0x4000  }
0x3a: {  	[sflag:s18] =	ssyncset.done $0x0  }
0x3b: {  	[sflag:s18] =	ssyncadd.s32 $0xFFFFC000  }
0x3c: {  	[tilespmem:s19], [sflag:$0x3] =	stream.linear.gather [hbm4b:s6+s3], $0x2800, $0x38;
	[tilespmem:$0x1A800] =	vst v63  }
0x3d: {  	_ =	swait.ge [sflag:s18], $0x2800  }
0x3e: {  	[sflag:s18] =	ssyncset.done $0x0  }
0x3f: {  	[sflag:s18] =	ssyncadd.s32 $0xFFFFD800  }
0x40: {  	[tilespmem:s17], [sflag:$0x3] =	stream.linear.gather [hbm4b:s4+s3], $0x4000, $0x38;
	[tilespmem:$0x1A800] =	vst v63  }
0x41: {  	_ =	swait.ge [sflag:s18], $0x4000  }
0x42: {  	[sflag:s18] =	ssyncset.done $0x0  }
0x43: {  	[sflag:s18] =	ssyncadd.s32 $0xFFFFC000  }
0x44: {  	[bflag:$0x0] =	sbarrier.arrive $0xFFFF  }
0x45: {  	[spmem:s2] =	stream.indirect.scatter.add.f32 [tilespmem:s17], [sflag:$0x1], $0x80, s19, s20, $0xb8;
	[tilespmem:$0x1A800] =	vst v63  }
0x46: {  	_ = 	snop  }
0x47: {  	[spmem:s2] =	stream.indirect.scatter.add.f32 [tilespmem:s17], [sflag:$0x2], $0x80, s21, s20, $0xb8;
	[tilespmem:$0x1A800] =	vst v63  }
0x48: {  	_ =	swait.ge [sflag:s26], $0x4000  }
0x49: {  	[sflag:s26] =	ssyncset.done $0x0  }
0x4a: {  	s30 =	simm.s32 $0x14100;
	[sflag:s26] =	ssyncadd.s32 $0xFFFFC000  }
0x4b: {  	[spmem:s2] =	stream.indirect.scatter.add.f32 [tilespmem:s17], [sflag:$0x1], $0x80, s30, s20, $0xb8;
	[tilespmem:$0x1A800] =	vst v63  }
0x4c: {  	_ =	swait.ge [sflag:s28], $0x4000  }
0x4d: {  	[sflag:s28] =	ssyncset.done $0x0  }
0x4e: {  	s31 =	simm.s32 $0x14180;
	s30 =	simm.s32 $0xFFFF6800;
	[sflag:s28] =	ssyncadd.s32 $0xFFFFC000  }
.LBB2_4:
0x4f: {  	[spmem:s2] =	stream.indirect.scatter.add.f32 [tilespmem:s17], [sflag:$0x2], $0x80, s31, s20, $0xb8;
	[tilespmem:$0x1A800] =	vst v63  }
0x50: {  	s31 =	smov.u32 s30  }
0x51: {  	p0 =	sne.s32 s30, $0xFFFFFC00;
	s30 =	sadd.s32 $0x400, s30;
	_ =	swait.ge [sflag:s26], $0x4000  }
0x52: {  	s31 =	sshra.s32 s31, $0x2;
	[sflag:s26] =	ssyncset.done $0x0  }
.Ltmp1:
0x53: {  	s1 =	sadd.s32 $0x16800, s31;
	[sflag:s26] =	ssyncadd.s32 $0xFFFFC000;
	(pc) =	sbr.rel @p0 .LBB2_4-.Ltmp1, $4  }
0x54: {  	[spmem:s2] =	stream.indirect.scatter.add.f32 [tilespmem:s17], [sflag:$0x1], $0x80, s1, s20, $0xb8;
	[tilespmem:$0x1A800] =	vst v63  }
0x55: {  	_ =	swait.ge [sflag:s28], $0x4000  }
0x56: {  	[sflag:s28] =	ssyncset.done $0x0  }
0x57: {  	s31 =	sadd.s32 $0x16880, s31;
	[sflag:s28] =	ssyncadd.s32 $0xFFFFC000  }
0x58: {  	[spmem:s2] =	stream.indirect.scatter.add.f32 [tilespmem:s17], [sflag:$0x2], $0x80, s31, s20, $0xb8;
	[tilespmem:$0x1A800] =	vst v63  }
0x59: {  	_ =	swait.ge [sflag:s26], $0x4000  }
0x5a: {  	[sflag:s26] =	ssyncset.done $0x0  }
0x5b: {  	[sflag:s26] =	ssyncadd.s32 $0xFFFFC000  }
0x5c: {  	_ =	swait.ge [sflag:s28], $0x4000  }
0x5d: {  	[sflag:s28] =	ssyncset.done $0x0  }
0x5e: {  	s1 =	sshll.u32 s0, $0x6;
	[sflag:s28] =	ssyncadd.s32 $0xFFFFC000  }
0x5f: {  	s30 =	sshrl.u32 s5, $0x3;
	s1 =	sor.u32 $0x1C03, s1;
	[bflag:$0x0] =	sbarrier.arrive $0xFFFF  }
0x60: {  	[hbm:s7], [sflag:s1] =	dma.local [spmem:s30], $0x800  }
0x61: {  	_ =	swait.ge [sflag:s18], $0x800  }
0x62: {  	[sflag:s18] =	ssyncset.done $0x0  }
0x63: {  	[sflag:s18] =	ssyncadd.s32 $0xFFFFF800  }
0x64: {  	[hbm:s13], [sflag:s1] =	dma.local [spmem:s22], $0x800  }
0x65: {  	_ =	swait.ge [sflag:s18], $0x800  }
0x66: {  	[sflag:s18] =	ssyncset.done $0x0  }
0x67: {  	[sflag:s18] =	ssyncadd.s32 $0xFFFFF800  }
0x68: {  	[hbm:s14], [sflag:s1] =	dma.local [spmem:s23], $0x800  }
0x69: {  	_ =	swait.ge [sflag:s18], $0x800  }
0x6a: {  	[sflag:s18] =	ssyncset.done $0x0  }
0x6b: {  	[sflag:s18] =	ssyncadd.s32 $0xFFFFF800  }
0x6c: {  	[hbm:s15], [sflag:s1] =	dma.local [spmem:s24], $0x800  }
0x6d: {  	s29 =	sadd.s32 $0x1, s29;
	_ =	swait.ge [sflag:s18], $0x800  }
0x6e: {  	p0 =	sne.s32 s29, s8;
	[sflag:s18] =	ssyncset.done $0x0  }
.Ltmp2:
0x6f: {  	[sflag:s18] =	ssyncadd.s32 $0xFFFFF800;
	(pc) =	sbr.rel @p0 .LBB2_1-.Ltmp2, $4  }
0x70: {  	[hbm:s16], [sflag:s1] =	dma.local [spmem:s25], $0x800  }
0x71: {  	_ =	swait.ge [sflag:s18], $0x800  }
0x72: {  	[sflag:s18] =	ssyncset.done $0x0  }
0x73: {  	[sflag:s18] =	ssyncadd.s32 $0xFFFFF800  }
0x74: {  	_ =	sfence.sel $0x180000  }
0x75: {  	[bflag:$0x0] =	sbarrier.arrive $0xFFFF  }
0x76: {  	_ =	strace $0x90000047  }
0x77: {  	[bflag:$0x2] =	sbarrier.arrive $0xFFFF  }
0x78: {  	p0 =	sne.s32 s0, $0x0;
	s0 =	rddreg [dreg:$0x2]  }
0x79: {  	s0 =	sadd.s32 @!p0 $0x100000, s0  }
0x7a: {  	[sflag:s0] =	ssyncadd.tile.s32 @!p0 $0x1;
	_ =	shalt  }
.Lfunc_end2:
_tile_overlayer_lowered:
.L_overlay_start_2:
0x7b: {  	(tag) =	ssettag $0x2  }
0x7c: {  	s0 =	rddreg [dreg:$0x0];
	s2 =	stileid.u32  }
0x7d: {  	s1 =	rddreg [dreg:$0x1];
	p0 =	sne.s32 s2, $0x0  }
0x7e: {  	s3 =	rddreg [dreg:$0x2];
	[bflag:$0x3] =	sbarrier.arrive $0xFFFF;
	s2 =	simm.s32 @!p0 $0x1C03  }
0x7f: {  	[timem:s3], [sflag:s2] =	dma.local @!p0 [hbm:s0], s1  }
0x80: {  	s0 =	simm.s32 @!p0 $0x3  }
0x81: {  	_ =	swait.ge @!p0 [sflag:s0], s1  }
0x82: {  	s1 =	ssub.s32 @!p0 $0x0, s1;
	[sflag:s0] =	ssyncset.done @!p0 $0x0  }
0x83: {  	[sflag:s0] =	ssyncadd.s32 @!p0 s1  }
0x84: {  	[bflag:$0x3] =	sbarrier.arrive $0xFFFF  }
0x85: {  	_ =	shalt  }

</sc_bundles>
